<compile_context>
chip_gen: v7x
topology: tpu7x:2x2x1
jax: 0.10.2.dev20260603
libtpu: 0.0.44.dev20260713+nightly
codegen_flags: <defaults>
</compile_context>

<pallas_src>
import functools

import jax
import jax.numpy as jnp
from jax.experimental import pallas as pl
from jax.experimental.pallas import tpu as pltpu

_K = 16
_NB = 512
_C1 = 32
_SWEEPS = 4


def _bdot(a16, b16):
    return jax.lax.dot_general(
        a16, b16, (((1,), (0,)), ((), ())),
        preferred_element_type=jnp.float32)


def _body(gx_ref, gy_ref, gz_ref, ow_ref, p8_ref, m1_ref, m2_ref, m3_ref,
          b1_ref, b2_ref, b3_ref,
          outw_ref, outn_ref):
    gx = gx_ref[...]
    gy = gy_ref[...]
    gz = gz_ref[...]
    ow = ow_ref[...]
    p8 = p8_ref[...]

    px = p8[0:1, :]
    py = p8[1:2, :]
    pz = p8[2:3, :]
    nxr = p8[3:4, :]
    nyr = p8[4:5, :]
    nzr = p8[5:6, :]
    sd = p8[6:7, :]

    dx = gx - px
    dy = gy - py
    dz = gz - pz
    sx = dx / sd
    sy = dy / sd
    sz = dz / sd
    dist = jnp.sqrt(sx * sx + sy * sy + sz * sz)
    dtn = jnp.abs(nxr * sx + nyr * sy + nzr * sz)

    zpad = jnp.zeros((2 * _K, sx.shape[1]), jnp.float32)
    featcat = jnp.concatenate([sx, sy, sz, dist, dtn, ow, zpad], axis=0)

    h1cat = jax.nn.relu(
        _bdot(m1_ref[...], featcat.astype(jnp.bfloat16)) + b1_ref[...])

    aggs = []
    for i in range(_C1):
        ai = jnp.sum(h1cat[i * _K:(i + 1) * _K, :], axis=0,
                     keepdims=True) * (1.0 / _K)
        aggs.append(jnp.broadcast_to(ai, (_K, ai.shape[1])))
    xcat16 = jnp.concatenate(
        [h1cat.astype(jnp.bfloat16)]
        + [a.astype(jnp.bfloat16) for a in aggs], axis=0)

    h2cat = jax.nn.relu(_bdot(m2_ref[...], xcat16) + b2_ref[...])
    logits = _bdot(m3_ref[...], h2cat.astype(jnp.bfloat16)) + b3_ref[0, 0]

    m = jnp.max(logits, axis=0, keepdims=True)
    e = jnp.exp(logits - m)
    ssum = jnp.sum(e, axis=0, keepdims=True)
    w = e / ssum
    outw_ref[...] = w

    wsum = jnp.sum(w, axis=0, keepdims=True)
    den = wsum + 1e-8
    mx = jnp.sum(w * dx, axis=0, keepdims=True) / den
    my = jnp.sum(w * dy, axis=0, keepdims=True) / den
    mz = jnp.sum(w * dz, axis=0, keepdims=True) / den
    cx = dx - mx
    cy = dy - my
    cz = dz - mz
    cs = (cx, cy, cz)

    def b16(x):
        return x.astype(jnp.bfloat16).astype(jnp.float32)

    wcb = [b16(w * c) for c in cs]
    cb = [b16(c) for c in cs]

    av = [[None] * 3 for _ in range(3)]
    for i in range(3):
        for j in range(i, 3):
            acc = wcb[i][0:1, :] * cb[j][0:1, :]
            for k in range(1, _K):
                acc = acc + wcb[i][k:k + 1, :] * cb[j][k:k + 1, :]
            acc = acc / den
            av[i][j] = acc
            av[j][i] = acc

    one = jnp.ones_like(wsum)
    zero = jnp.zeros_like(wsum)
    v = [[one, zero, zero], [zero, one, zero], [zero, zero, one]]
    risk = zero

    for _ in range(_SWEEPS):
        for (p, q) in ((0, 2), (1, 2), (0, 1)):
            app = av[p][p]
            aqq = av[q][q]
            apq = av[p][q]
            risk = jnp.maximum(
                risk,
                jnp.where(jnp.abs(aqq - app) < 0.03 * jnp.abs(apq),
                          1.0, 0.0))
            tau = (aqq - app) / (2.0 * apq)
            rt = jnp.sqrt(1.0 + tau * tau)
            t = jnp.where(tau >= 0.0, 1.0 / (tau + rt), -1.0 / (-tau + rt))
            t = jnp.where(apq == 0.0, 0.0, t)
            c = 1.0 / jnp.sqrt(1.0 + t * t)
            s = t * c
            crow_p = [c * av[p][j] - s * av[q][j] for j in range(3)]
            crow_q = [s * av[p][j] + c * av[q][j] for j in range(3)]
            av[p] = crow_p
            av[q] = crow_q
            colp = [av[i][p] * c - s * av[i][q] for i in range(3)]
            colq = [av[i][p] * s + av[i][q] * c for i in range(3)]
            for i in range(3):
                av[i][p] = colp[i]
                av[i][q] = colq[i]
            vcolp = [v[i][p] * c - s * v[i][q] for i in range(3)]
            vcolq = [v[i][p] * s + v[i][q] * c for i in range(3)]
            for i in range(3):
                v[i][p] = vcolp[i]
                v[i][q] = vcolq[i]

    wv = [av[0][0], av[1][1], av[2][2]]
    cols = [[v[0][j], v[1][j], v[2][j]] for j in range(3)]

    def cswap(j0, j1):
        swap = wv[j0] > wv[j1]
        wj0 = jnp.where(swap, wv[j1], wv[j0])
        wj1 = jnp.where(swap, wv[j0], wv[j1])
        wv[j0] = wj0
        wv[j1] = wj1
        for i in range(3):
            x0 = jnp.where(swap, cols[j1][i], cols[j0][i])
            x1 = jnp.where(swap, cols[j0][i], cols[j1][i])
            cols[j0][i] = x0
            cols[j1][i] = x1

    cswap(0, 1)
    cswap(1, 2)
    cswap(0, 1)

    aw = [jnp.abs(wv[0]), jnp.abs(wv[1]), jnp.abs(wv[2])]
    take1 = aw[1] < aw[0]
    cur = jnp.where(take1, aw[1], aw[0])
    sel = [jnp.where(take1, cols[1][i], cols[0][i]) for i in range(3)]
    take2 = aw[2] < cur
    sel = [jnp.where(take2, cols[2][i], sel[i]) for i in range(3)]

    scale = jnp.maximum(aw[0], jnp.maximum(aw[1], aw[2])) + 1e-30
    gap01 = jnp.abs(aw[0] - aw[1])
    gap02 = jnp.abs(aw[0] - aw[2])
    gap12 = jnp.abs(aw[1] - aw[2])
    mingap = jnp.minimum(gap01, jnp.minimum(gap02, gap12))
    risk = jnp.maximum(risk, jnp.where(mingap < 5e-3 * scale, 1.0, 0.0))

    pad = jnp.zeros((4, sel[0].shape[1]), jnp.float32)
    outn_ref[...] = jnp.concatenate([sel[0], sel[1], sel[2], risk, pad],
                                    axis=0)


def _kron16(wmat):
    a, b = wmat.shape
    return (wmat[:, None, :, None]
            * jnp.eye(_K, dtype=jnp.float32)[None, :, None, :]
            ).reshape(a * _K, b * _K)


def _forward(old_weights, pos, normals, dense_l, stddev,
             W1, b1, W2, b2, W3, b3, interpret=False):
    n = pos.shape[0]
    npad = ((n + _NB - 1) // _NB) * _NB
    grid = npad // _NB

    def plane(x):
        return jnp.pad(x.T, ((0, 0), (0, npad - n)))

    gxT = plane(jnp.take(pos[:, 0], dense_l, axis=0))
    gyT = plane(jnp.take(pos[:, 1], dense_l, axis=0))
    gzT = plane(jnp.take(pos[:, 2], dense_l, axis=0))
    owT = plane(old_weights.reshape(n, _K))

    sdrow = jnp.broadcast_to(stddev.reshape(1, 1), (1, n))
    p8 = jnp.pad(jnp.concatenate([pos.T, normals.T, sdrow], axis=0),
                 ((0, 1), (0, npad - n)),
                 constant_values=1.0)

    W1p = jnp.pad(W1, ((0, 2), (0, 0)))
    m1 = _kron16(W1p.T).astype(jnp.bfloat16)
    m2 = _kron16(W2.T).astype(jnp.bfloat16)
    m3 = _kron16(W3.T).astype(jnp.bfloat16)

    def col16(bvec):
        return jnp.repeat(bvec.reshape(_C1, 1), _K, axis=0)

    b1c = col16(b1)
    b2c = col16(b2)
    b3r = b3.reshape(1, 1)

    kspec = pl.BlockSpec((_K, _NB), lambda i: (0, i))

    def full(shape):
        return pl.BlockSpec(shape, lambda i: tuple(0 for _ in shape))

    outw, outn = pl.pallas_call(
        _body,
        grid=(grid,),
        in_specs=[
            kspec, kspec, kspec, kspec,
            pl.BlockSpec((8, _NB), lambda i: (0, i)),
            full((512, 128)), full((512, 1024)), full((16, 512)),
            full((512, 1)), full((512, 1)),
            pl.BlockSpec(memory_space=pltpu.SMEM),
        ],
        out_specs=[
            pl.BlockSpec((_K, _NB), lambda i: (0, i)),
            pl.BlockSpec((8, _NB), lambda i: (0, i)),
        ],
        out_shape=[
            jax.ShapeDtypeStruct((_K, npad), jnp.float32),
            jax.ShapeDtypeStruct((8, npad), jnp.float32),
        ],
        compiler_params=pltpu.CompilerParams(
            dimension_semantics=("arbitrary",)),
        interpret=interpret,
    )(gxT, gyT, gzT, owT, p8, m1, m2, m3, b1c, b2c, b3r)

    weights = outw[:, :n].T.reshape(-1)
    new_normals = outn[0:3, :n].T

    maxr = 16384
    risky = outn[3, :n] > 0.5
    idx = jnp.where(risky, size=maxr, fill_value=0)[0]
    wsub = outw[:, :n].T[idx]
    neigh = pos[dense_l[idx]]
    diff = neigh - pos[idx][:, None, :]
    wsum = jnp.sum(wsub, axis=-1, keepdims=True)
    mean = jnp.sum(wsub[:, :, None] * diff, axis=1) / (wsum + 1e-8)
    c = diff - mean[:, None, :]
    cov = jnp.einsum('nk,nki,nkj->nij', wsub, c, c) / (wsum[:, :, None] + 1e-8)
    eig_val, eig_vec = jnp.linalg.eigh(cov)
    order = jnp.argsort(jnp.abs(eig_val), axis=-1)
    eig_vec = jnp.take_along_axis(eig_vec, order[:, None, :], axis=2)
    nn_sub = eig_vec[:, :, 0]
    new_normals = new_normals.at[idx].set(nn_sub)
    return new_normals, weights


def kernel(old_weights, pos, normals, edge_idx_l, dense_l, stddev,
           W1, b1, W2, b2, W3, b3):
    return _forward(old_weights, pos, normals, dense_l, stddev,
                    W1, b1, W2, b2, W3, b3)

# --- scband reference (transcript-rebuilt; emitter-appended) ---
"""Pipeline reference for scband-normal-estimation-7421703488127 (READ-ONLY COPY).

The authoritative reference and input builder live on the scoring server;
editing this copy changes nothing except your own understanding.
"""

import jax, jax.numpy as jnp
import numpy as np

N = 100000
K = 16
E = N * K


def setup_inputs(seed: int = 0):
    key = jax.random.key(seed)
    ks = jax.random.split(key, 8)
    pos = jax.random.normal(ks[0], (N, 3), dtype=jnp.float32)
    normals = jax.random.normal(ks[1], (N, 3), dtype=jnp.float32)
    normals = normals / (jnp.linalg.norm(normals, axis=-1, keepdims=True) + 1e-8)
    dense_l = jax.random.randint(ks[2], (N, K), 0, N, dtype=jnp.int32)
    row = jnp.repeat(jnp.arange(N, dtype=jnp.int32), K)
    edge_idx_l = jnp.stack([row, dense_l.reshape(-1)], axis=0)
    old_weights = jax.random.uniform(ks[3], (E,), dtype=jnp.float32)
    stddev = jax.random.uniform(ks[4], (1,), dtype=jnp.float32, minval=0.1, maxval=1.0)
    W1 = 0.1 * jax.random.normal(ks[5], (6, 32), dtype=jnp.float32)
    b1 = jnp.zeros((32,), jnp.float32)
    W2 = 0.1 * jax.random.normal(ks[6], (64, 32), dtype=jnp.float32)
    b2 = jnp.zeros((32,), jnp.float32)
    W3 = 0.1 * jax.random.normal(ks[7], (32, 1), dtype=jnp.float32)
    b3 = jnp.zeros((1,), jnp.float32)
    return {"old_weights": old_weights, "pos": pos, "normals": normals,
            "edge_idx_l": edge_idx_l, "dense_l": dense_l, "stddev": stddev,
            "W1": W1, "b1": b1, "W2": W2, "b2": b2, "W3": W3, "b3": b3}


def _gnn_fixed_k(pos, old_weights, normals, edge_idx_l, stddev, W1, b1, W2, b2, W3, b3):
    # GNNFixedK: one message-passing step on the fixed-K kNN graph that
    # produces updated per-edge weights from geometry + old weights.
    row = edge_idx_l[0]
    col = edge_idx_l[1]
    diff = (pos[col] - pos[row]) / stddev.reshape(1, 1)
    dist = jnp.linalg.norm(diff, axis=-1, keepdims=True)
    nr = normals[row]
    d = jnp.sum(nr * diff, axis=-1, keepdims=True)
    feat = jnp.concatenate([diff, dist, jnp.abs(d), old_weights[:, None]], axis=-1)  # [E, 6]
    h1 = jax.nn.relu(feat @ W1 + b1)  # [E, 32]
    agg = jax.ops.segment_sum(h1, row, num_segments=pos.shape[0], indices_are_sorted=True) / K
    h2 = jax.nn.relu(jnp.concatenate([h1, agg[row]], axis=-1) @ W2 + b2)  # [E, 32]
    logits = (h2 @ W3 + b3)[:, 0]  # [E]
    w = jax.nn.softmax(logits.reshape(-1, K), axis=-1)  # normalize over each node's K neighbors
    return w.reshape(-1)


def _weighted_cov(pos, weights, dense_l, row):
    # compute_weighted_cov_matrices_dense: per-node weighted covariance of
    # neighbor offsets (dense [N, K] neighbor layout).
    w = weights.reshape(-1, K)  # [N, K]
    neigh = pos[dense_l]  # [N, K, 3] gather
    diff = neigh - pos[:, None, :]
    wsum = jnp.sum(w, axis=-1, keepdims=True)  # [N, 1]
    mean = jnp.sum(w[:, :, None] * diff, axis=1) / (wsum + 1e-8)  # [N, 3]
    c = diff - mean[:, None, :]
    cov = jnp.einsum('nk,nki,nkj->nij', w, c, c) / (wsum[:, :, None] + 1e-8)
    return cov  # [N, 3, 3]


def reference(old_weights, pos, normals, edge_idx_l, dense_l, stddev, W1, b1, W2, b2, W3, b3):
    weights = _gnn_fixed_k(pos, old_weights, normals, edge_idx_l, stddev, W1, b1, W2, b2, W3, b3)
    cov = _weighted_cov(pos, weights, dense_l, edge_idx_l[0])
    eig_val, eig_vec = jnp.linalg.eigh(cov)  # Sym3Eig
    order = jnp.argsort(jnp.abs(eig_val), axis=-1)
    eig_vec = jnp.take_along_axis(eig_vec, order[:, None, :], axis=2)
    new_normals = eig_vec[:, :, 0]
    return (new_normals, weights)

if __name__ == "__main__":
    import jax
    _d = setup_inputs()
    print(jax.jit(kernel)(*tuple(_d.values())))

</pallas_src>

<mosaic_0001>
module attributes {stable_mosaic.version = 14 : i64} {
  func.func @_body(%arg0: i32, %arg1: memref<16x512xf32, #tpu.memory_space<vmem>>, %arg2: memref<16x512xf32, #tpu.memory_space<vmem>>, %arg3: memref<16x512xf32, #tpu.memory_space<vmem>>, %arg4: memref<16x512xf32, #tpu.memory_space<vmem>>, %arg5: memref<8x512xf32, #tpu.memory_space<vmem>>, %arg6: memref<512x128xbf16, #tpu.memory_space<vmem>>, %arg7: memref<512x1024xbf16, #tpu.memory_space<vmem>>, %arg8: memref<16x512xbf16, #tpu.memory_space<vmem>>, %arg9: memref<512x1xf32, #tpu.memory_space<vmem>>, %arg10: memref<512x1xf32, #tpu.memory_space<vmem>>, %arg11: memref<1x1xf32, #tpu.memory_space<smem>>, %arg12: memref<16x512xf32, #tpu.memory_space<vmem>>, %arg13: memref<8x512xf32, #tpu.memory_space<vmem>>) attributes {dimension_semantics = [#tpu.dimension_semantics<arbitrary>], iteration_bounds = array<i64: 196>, scalar_prefetch = 0 : i64, scratch_operands = 0 : i64, tpu.core_type = #tpu.core_type<tc>, window_params = [{transform_indices = @transform_0, window_bounds = array<i64: 16, 512>}, {transform_indices = @transform_1, window_bounds = array<i64: 16, 512>}, {transform_indices = @transform_2, window_bounds = array<i64: 16, 512>}, {transform_indices = @transform_3, window_bounds = array<i64: 16, 512>}, {transform_indices = @transform_4, window_bounds = array<i64: 8, 512>}, {pipeline_mode = #tpu.pipeline_mode<synchronous>, transform_indices = @transform_5, window_bounds = array<i64: 512, 128>}, {pipeline_mode = #tpu.pipeline_mode<synchronous>, transform_indices = @transform_6, window_bounds = array<i64: 512, 1024>}, {pipeline_mode = #tpu.pipeline_mode<synchronous>, transform_indices = @transform_7, window_bounds = array<i64: 16, 512>}, {pipeline_mode = #tpu.pipeline_mode<synchronous>, transform_indices = @transform_8, window_bounds = array<i64: 512, 1>}, {pipeline_mode = #tpu.pipeline_mode<synchronous>, transform_indices = @transform_9, window_bounds = array<i64: 512, 1>}, {transform_indices = @transform_10, window_bounds = array<i64: 1, 1>}, {transform_indices = @transform_11, window_bounds = array<i64: 16, 512>}, {transform_indices = @transform_12, window_bounds = array<i64: 8, 512>}]} {
    %get3A = arith.constant 0 : index
    %get3A_0 = arith.constant 0 : index
    %get3A_1 = vector.load %arg1[%get3A, %get3A_0] : memref<16x512xf32, #tpu.memory_space<vmem>>, vector<16x512xf32>
    %get3A_2 = arith.constant 0 : index
    %get3A_3 = arith.constant 0 : index
    %get3A_4 = vector.load %arg2[%get3A_2, %get3A_3] : memref<16x512xf32, #tpu.memory_space<vmem>>, vector<16x512xf32>
    %get3A_5 = arith.constant 0 : index
    %get3A_6 = arith.constant 0 : index
    %get3A_7 = vector.load %arg3[%get3A_5, %get3A_6] : memref<16x512xf32, #tpu.memory_space<vmem>>, vector<16x512xf32>
    %get3A_8 = arith.constant 0 : index
    %get3A_9 = arith.constant 0 : index
    %get3A_10 = vector.load %arg4[%get3A_8, %get3A_9] : memref<16x512xf32, #tpu.memory_space<vmem>>, vector<16x512xf32>
    %get3A_11 = arith.constant 0 : index
    %get3A_12 = arith.constant 0 : index
    %get3A_13 = vector.load %arg5[%get3A_11, %get3A_12] : memref<8x512xf32, #tpu.memory_space<vmem>>, vector<8x512xf32>
    %slice3A = vector.extract_strided_slice %get3A_13 {offsets = [0, 0], sizes = [1, 512], strides = [1, 1]} : vector<8x512xf32> to vector<1x512xf32>
    %slice3A_14 = vector.extract_strided_slice %get3A_13 {offsets = [1, 0], sizes = [1, 512], strides = [1, 1]} : vector<8x512xf32> to vector<1x512xf32>
    %slice3A_15 = vector.extract_strided_slice %get3A_13 {offsets = [2, 0], sizes = [1, 512], strides = [1, 1]} : vector<8x512xf32> to vector<1x512xf32>
    %slice3A_16 = vector.extract_strided_slice %get3A_13 {offsets = [3, 0], sizes = [1, 512], strides = [1, 1]} : vector<8x512xf32> to vector<1x512xf32>
    %slice3A_17 = vector.extract_strided_slice %get3A_13 {offsets = [4, 0], sizes = [1, 512], strides = [1, 1]} : vector<8x512xf32> to vector<1x512xf32>
    %slice3A_18 = vector.extract_strided_slice %get3A_13 {offsets = [5, 0], sizes = [1, 512], strides = [1, 1]} : vector<8x512xf32> to vector<1x512xf32>
    %slice3A_19 = vector.extract_strided_slice %get3A_13 {offsets = [6, 0], sizes = [1, 512], strides = [1, 1]} : vector<8x512xf32> to vector<1x512xf32>
    %sub3A = vector.broadcast %slice3A : vector<1x512xf32> to vector<16x512xf32>
    %sub3A_20 = arith.subf %get3A_1, %sub3A : vector<16x512xf32>
    %sub3A_21 = vector.broadcast %slice3A_14 : vector<1x512xf32> to vector<16x512xf32>
    %sub3A_22 = arith.subf %get3A_4, %sub3A_21 : vector<16x512xf32>
    %sub3A_23 = vector.broadcast %slice3A_15 : vector<1x512xf32> to vector<16x512xf32>
    %sub3A_24 = arith.subf %get3A_7, %sub3A_23 : vector<16x512xf32>
    %div3A = vector.broadcast %slice3A_19 : vector<1x512xf32> to vector<16x512xf32>
    %div3A_25 = arith.divf %sub3A_20, %div3A : vector<16x512xf32>
    %div3A_26 = vector.broadcast %slice3A_19 : vector<1x512xf32> to vector<16x512xf32>
    %div3A_27 = arith.divf %sub3A_22, %div3A_26 : vector<16x512xf32>
    %div3A_28 = vector.broadcast %slice3A_19 : vector<1x512xf32> to vector<16x512xf32>
    %div3A_29 = arith.divf %sub3A_24, %div3A_28 : vector<16x512xf32>
    %mul3A = arith.mulf %div3A_25, %div3A_25 : vector<16x512xf32>
    %mul3A_30 = arith.mulf %div3A_27, %div3A_27 : vector<16x512xf32>
    %add3A = arith.addf %mul3A, %mul3A_30 : vector<16x512xf32>
    %mul3A_31 = arith.mulf %div3A_29, %div3A_29 : vector<16x512xf32>
    %add3A_32 = arith.addf %add3A, %mul3A_31 : vector<16x512xf32>
    %sqrt3A = math.sqrt %add3A_32 : vector<16x512xf32>
    %mul3A_33 = vector.broadcast %slice3A_16 : vector<1x512xf32> to vector<16x512xf32>
    %mul3A_34 = arith.mulf %mul3A_33, %div3A_25 : vector<16x512xf32>
    %mul3A_35 = vector.broadcast %slice3A_17 : vector<1x512xf32> to vector<16x512xf32>
    %mul3A_36 = arith.mulf %mul3A_35, %div3A_27 : vector<16x512xf32>
    %add3A_37 = arith.addf %mul3A_34, %mul3A_36 : vector<16x512xf32>
    %mul3A_38 = vector.broadcast %slice3A_18 : vector<1x512xf32> to vector<16x512xf32>
    %mul3A_39 = arith.mulf %mul3A_38, %div3A_29 : vector<16x512xf32>
    %add3A_40 = arith.addf %add3A_37, %mul3A_39 : vector<16x512xf32>
    %abs3A = math.absf %add3A_40 : vector<16x512xf32>
    %broadcast_in_dim3A = arith.constant 0.000000e+00 : f32
    %broadcast_in_dim3A_41 = vector.broadcast %broadcast_in_dim3A : f32 to vector<32x512xf32>
    %concatenate3A = tpu.concatenate %div3A_25, %div3A_27, %div3A_29, %sqrt3A, %abs3A, %get3A_10, %broadcast_in_dim3A_41 in 0 : vector<16x512xf32>, vector<16x512xf32>, vector<16x512xf32>, vector<16x512xf32>, vector<16x512xf32>, vector<16x512xf32>, vector<32x512xf32> -> vector<128x512xf32>
    %get3A_42 = arith.constant 0 : index
    %get3A_43 = arith.constant 0 : index
    %get3A_44 = vector.load %arg6[%get3A_42, %get3A_43] : memref<512x128xbf16, #tpu.memory_space<vmem>>, vector<512x128xbf16>
    %convert_element_type3A = arith.truncf %concatenate3A : vector<128x512xf32> to vector<128x512xbf16>
    %dot_general3A = arith.constant dense<0.000000e+00> : vector<512x512xf32>
    %dot_general3A_45 = tpu.matmul %get3A_44, %convert_element_type3A, %dot_general3A {dimension_numbers = #tpu.dot_dimension_numbers<[1], [0], [0], [1], [0, 0, 1, 1], [], []>, transpose_lhs_hint = false} : vector<512x128xbf16>, vector<128x512xbf16>, vector<512x512xf32> -> vector<512x512xf32>
    %get3A_46 = arith.constant 0 : index
    %get3A_47 = arith.constant 0 : index
    %get3A_48 = vector.load %arg9[%get3A_46, %get3A_47] : memref<512x1xf32, #tpu.memory_space<vmem>>, vector<512x1xf32>
    %add3A_49 = vector.broadcast %get3A_48 : vector<512x1xf32> to vector<512x512xf32>
    %add3A_50 = arith.addf %dot_general3A_45, %add3A_49 : vector<512x512xf32>
    %max3A = arith.constant 0.000000e+00 : f32
    %max3A_51 = vector.broadcast %max3A : f32 to vector<512x512xf32>
    %max3A_52 = arith.maximumf %add3A_50, %max3A_51 : vector<512x512xf32>
    %slice3A_53 = vector.extract_strided_slice %max3A_52 {offsets = [0, 0], sizes = [16, 512], strides = [1, 1]} : vector<512x512xf32> to vector<16x512xf32>
    %reduce_sum3A = arith.constant dense<0.000000e+00> : vector<512xf32>
    %reduce_sum3A_54 = vector.multi_reduction <add>, %slice3A_53, %reduce_sum3A [0] : vector<16x512xf32> to vector<512xf32>
    %broadcast_in_dim3A_55 = vector.shape_cast %reduce_sum3A_54 : vector<512xf32> to vector<1x512xf32>
    %mul3A_56 = arith.constant 6.250000e-02 : f32
    %mul3A_57 = vector.broadcast %mul3A_56 : f32 to vector<1x512xf32>
    %mul3A_58 = arith.mulf %broadcast_in_dim3A_55, %mul3A_57 : vector<1x512xf32>
    %broadcast_in_dim3A_59 = vector.shape_cast %mul3A_58 : vector<1x512xf32> to vector<1x512xf32>
    %broadcast_in_dim3A_60 = vector.broadcast %broadcast_in_dim3A_59 : vector<1x512xf32> to vector<16x512xf32>
    %slice3A_61 = vector.extract_strided_slice %max3A_52 {offsets = [16, 0], sizes = [16, 512], strides = [1, 1]} : vector<512x512xf32> to vector<16x512xf32>
    %reduce_sum3A_62 = arith.constant dense<0.000000e+00> : vector<512xf32>
    %reduce_sum3A_63 = vector.multi_reduction <add>, %slice3A_61, %reduce_sum3A_62 [0] : vector<16x512xf32> to vector<512xf32>
    %broadcast_in_dim3A_64 = vector.shape_cast %reduce_sum3A_63 : vector<512xf32> to vector<1x512xf32>
    %mul3A_65 = arith.constant 6.250000e-02 : f32
    %mul3A_66 = vector.broadcast %mul3A_65 : f32 to vector<1x512xf32>
    %mul3A_67 = arith.mulf %broadcast_in_dim3A_64, %mul3A_66 : vector<1x512xf32>
    %broadcast_in_dim3A_68 = vector.shape_cast %mul3A_67 : vector<1x512xf32> to vector<1x512xf32>
    %broadcast_in_dim3A_69 = vector.broadcast %broadcast_in_dim3A_68 : vector<1x512xf32> to vector<16x512xf32>
    %slice3A_70 = vector.extract_strided_slice %max3A_52 {offsets = [32, 0], sizes = [16, 512], strides = [1, 1]} : vector<512x512xf32> to vector<16x512xf32>
    %reduce_sum3A_71 = arith.constant dense<0.000000e+00> : vector<512xf32>
    %reduce_sum3A_72 = vector.multi_reduction <add>, %slice3A_70, %reduce_sum3A_71 [0] : vector<16x512xf32> to vector<512xf32>
    %broadcast_in_dim3A_73 = vector.shape_cast %reduce_sum3A_72 : vector<512xf32> to vector<1x512xf32>
    %mul3A_74 = arith.constant 6.250000e-02 : f32
    %mul3A_75 = vector.broadcast %mul3A_74 : f32 to vector<1x512xf32>
    %mul3A_76 = arith.mulf %broadcast_in_dim3A_73, %mul3A_75 : vector<1x512xf32>
    %broadcast_in_dim3A_77 = vector.shape_cast %mul3A_76 : vector<1x512xf32> to vector<1x512xf32>
    %broadcast_in_dim3A_78 = vector.broadcast %broadcast_in_dim3A_77 : vector<1x512xf32> to vector<16x512xf32>
    %slice3A_79 = vector.extract_strided_slice %max3A_52 {offsets = [48, 0], sizes = [16, 512], strides = [1, 1]} : vector<512x512xf32> to vector<16x512xf32>
    %reduce_sum3A_80 = arith.constant dense<0.000000e+00> : vector<512xf32>
    %reduce_sum3A_81 = vector.multi_reduction <add>, %slice3A_79, %reduce_sum3A_80 [0] : vector<16x512xf32> to vector<512xf32>
    %broadcast_in_dim3A_82 = vector.shape_cast %reduce_sum3A_81 : vector<512xf32> to vector<1x512xf32>
    %mul3A_83 = arith.constant 6.250000e-02 : f32
    %mul3A_84 = vector.broadcast %mul3A_83 : f32 to vector<1x512xf32>
    %mul3A_85 = arith.mulf %broadcast_in_dim3A_82, %mul3A_84 : vector<1x512xf32>
    %broadcast_in_dim3A_86 = vector.shape_cast %mul3A_85 : vector<1x512xf32> to vector<1x512xf32>
    %broadcast_in_dim3A_87 = vector.broadcast %broadcast_in_dim3A_86 : vector<1x512xf32> to vector<16x512xf32>
    %slice3A_88 = vector.extract_strided_slice %max3A_52 {offsets = [64, 0], sizes = [16, 512], strides = [1, 1]} : vector<512x512xf32> to vector<16x512xf32>
    %reduce_sum3A_89 = arith.constant dense<0.000000e+00> : vector<512xf32>
    %reduce_sum3A_90 = vector.multi_reduction <add>, %slice3A_88, %reduce_sum3A_89 [0] : vector<16x512xf32> to vector<512xf32>
    %broadcast_in_dim3A_91 = vector.shape_cast %reduce_sum3A_90 : vector<512xf32> to vector<1x512xf32>
    %mul3A_92 = arith.constant 6.250000e-02 : f32
    %mul3A_93 = vector.broadcast %mul3A_92 : f32 to vector<1x512xf32>
    %mul3A_94 = arith.mulf %broadcast_in_dim3A_91, %mul3A_93 : vector<1x512xf32>
    %broadcast_in_dim3A_95 = vector.shape_cast %mul3A_94 : vector<1x512xf32> to vector<1x512xf32>
    %broadcast_in_dim3A_96 = vector.broadcast %broadcast_in_dim3A_95 : vector<1x512xf32> to vector<16x512xf32>
    %slice3A_97 = vector.extract_strided_slice %max3A_52 {offsets = [80, 0], sizes = [16, 512], strides = [1, 1]} : vector<512x512xf32> to vector<16x512xf32>
    %reduce_sum3A_98 = arith.constant dense<0.000000e+00> : vector<512xf32>
    %reduce_sum3A_99 = vector.multi_reduction <add>, %slice3A_97, %reduce_sum3A_98 [0] : vector<16x512xf32> to vector<512xf32>
    %broadcast_in_dim3A_100 = vector.shape_cast %reduce_sum3A_99 : vector<512xf32> to vector<1x512xf32>
    %mul3A_101 = arith.constant 6.250000e-02 : f32
    %mul3A_102 = vector.broadcast %mul3A_101 : f32 to vector<1x512xf32>
    %mul3A_103 = arith.mulf %broadcast_in_dim3A_100, %mul3A_102 : vector<1x512xf32>
    %broadcast_in_dim3A_104 = vector.shape_cast %mul3A_103 : vector<1x512xf32> to vector<1x512xf32>
    %broadcast_in_dim3A_105 = vector.broadcast %broadcast_in_dim3A_104 : vector<1x512xf32> to vector<16x512xf32>
    %slice3A_106 = vector.extract_strided_slice %max3A_52 {offsets = [96, 0], sizes = [16, 512], strides = [1, 1]} : vector<512x512xf32> to vector<16x512xf32>
    %reduce_sum3A_107 = arith.constant dense<0.000000e+00> : vector<512xf32>
    %reduce_sum3A_108 = vector.multi_reduction <add>, %slice3A_106, %reduce_sum3A_107 [0] : vector<16x512xf32> to vector<512xf32>
    %broadcast_in_dim3A_109 = vector.shape_cast %reduce_sum3A_108 : vector<512xf32> to vector<1x512xf32>
    %mul3A_110 = arith.constant 6.250000e-02 : f32
    %mul3A_111 = vector.broadcast %mul3A_110 : f32 to vector<1x512xf32>
    %mul3A_112 = arith.mulf %broadcast_in_dim3A_109, %mul3A_111 : vector<1x512xf32>
    %broadcast_in_dim3A_113 = vector.shape_cast %mul3A_112 : vector<1x512xf32> to vector<1x512xf32>
    %broadcast_in_dim3A_114 = vector.broadcast %broadcast_in_dim3A_113 : vector<1x512xf32> to vector<16x512xf32>
    %slice3A_115 = vector.extract_strided_slice %max3A_52 {offsets = [112, 0], sizes = [16, 512], strides = [1, 1]} : vector<512x512xf32> to vector<16x512xf32>
    %reduce_sum3A_116 = arith.constant dense<0.000000e+00> : vector<512xf32>
    %reduce_sum3A_117 = vector.multi_reduction <add>, %slice3A_115, %reduce_sum3A_116 [0] : vector<16x512xf32> to vector<512xf32>
    %broadcast_in_dim3A_118 = vector.shape_cast %reduce_sum3A_117 : vector<512xf32> to vector<1x512xf32>
    %mul3A_119 = arith.constant 6.250000e-02 : f32
    %mul3A_120 = vector.broadcast %mul3A_119 : f32 to vector<1x512xf32>
    %mul3A_121 = arith.mulf %broadcast_in_dim3A_118, %mul3A_120 : vector<1x512xf32>
    %broadcast_in_dim3A_122 = vector.shape_cast %mul3A_121 : vector<1x512xf32> to vector<1x512xf32>
    %broadcast_in_dim3A_123 = vector.broadcast %broadcast_in_dim3A_122 : vector<1x512xf32> to vector<16x512xf32>
    %slice3A_124 = vector.extract_strided_slice %max3A_52 {offsets = [128, 0], sizes = [16, 512], strides = [1, 1]} : vector<512x512xf32> to vector<16x512xf32>
    %reduce_sum3A_125 = arith.constant dense<0.000000e+00> : vector<512xf32>
    %reduce_sum3A_126 = vector.multi_reduction <add>, %slice3A_124, %reduce_sum3A_125 [0] : vector<16x512xf32> to vector<512xf32>
    %broadcast_in_dim3A_127 = vector.shape_cast %reduce_sum3A_126 : vector<512xf32> to vector<1x512xf32>
    %mul3A_128 = arith.constant 6.250000e-02 : f32
    %mul3A_129 = vector.broadcast %mul3A_128 : f32 to vector<1x512xf32>
    %mul3A_130 = arith.mulf %broadcast_in_dim3A_127, %mul3A_129 : vector<1x512xf32>
    %broadcast_in_dim3A_131 = vector.shape_cast %mul3A_130 : vector<1x512xf32> to vector<1x512xf32>
    %broadcast_in_dim3A_132 = vector.broadcast %broadcast_in_dim3A_131 : vector<1x512xf32> to vector<16x512xf32>
    %slice3A_133 = vector.extract_strided_slice %max3A_52 {offsets = [144, 0], sizes = [16, 512], strides = [1, 1]} : vector<512x512xf32> to vector<16x512xf32>
    %reduce_sum3A_134 = arith.constant dense<0.000000e+00> : vector<512xf32>
    %reduce_sum3A_135 = vector.multi_reduction <add>, %slice3A_133, %reduce_sum3A_134 [0] : vector<16x512xf32> to vector<512xf32>
    %broadcast_in_dim3A_136 = vector.shape_cast %reduce_sum3A_135 : vector<512xf32> to vector<1x512xf32>
    %mul3A_137 = arith.constant 6.250000e-02 : f32
    %mul3A_138 = vector.broadcast %mul3A_137 : f32 to vector<1x512xf32>
    %mul3A_139 = arith.mulf %broadcast_in_dim3A_136, %mul3A_138 : vector<1x512xf32>
    %broadcast_in_dim3A_140 = vector.shape_cast %mul3A_139 : vector<1x512xf32> to vector<1x512xf32>
    %broadcast_in_dim3A_141 = vector.broadcast %broadcast_in_dim3A_140 : vector<1x512xf32> to vector<16x512xf32>
    %slice3A_142 = vector.extract_strided_slice %max3A_52 {offsets = [160, 0], sizes = [16, 512], strides = [1, 1]} : vector<512x512xf32> to vector<16x512xf32>
    %reduce_sum3A_143 = arith.constant dense<0.000000e+00> : vector<512xf32>
    %reduce_sum3A_144 = vector.multi_reduction <add>, %slice3A_142, %reduce_sum3A_143 [0] : vector<16x512xf32> to vector<512xf32>
    %broadcast_in_dim3A_145 = vector.shape_cast %reduce_sum3A_144 : vector<512xf32> to vector<1x512xf32>
    %mul3A_146 = arith.constant 6.250000e-02 : f32
    %mul3A_147 = vector.broadcast %mul3A_146 : f32 to vector<1x512xf32>
    %mul3A_148 = arith.mulf %broadcast_in_dim3A_145, %mul3A_147 : vector<1x512xf32>
    %broadcast_in_dim3A_149 = vector.shape_cast %mul3A_148 : vector<1x512xf32> to vector<1x512xf32>
    %broadcast_in_dim3A_150 = vector.broadcast %broadcast_in_dim3A_149 : vector<1x512xf32> to vector<16x512xf32>
    %slice3A_151 = vector.extract_strided_slice %max3A_52 {offsets = [176, 0], sizes = [16, 512], strides = [1, 1]} : vector<512x512xf32> to vector<16x512xf32>
    %reduce_sum3A_152 = arith.constant dense<0.000000e+00> : vector<512xf32>
    %reduce_sum3A_153 = vector.multi_reduction <add>, %slice3A_151, %reduce_sum3A_152 [0] : vector<16x512xf32> to vector<512xf32>
    %broadcast_in_dim3A_154 = vector.shape_cast %reduce_sum3A_153 : vector<512xf32> to vector<1x512xf32>
    %mul3A_155 = arith.constant 6.250000e-02 : f32
    %mul3A_156 = vector.broadcast %mul3A_155 : f32 to vector<1x512xf32>
    %mul3A_157 = arith.mulf %broadcast_in_dim3A_154, %mul3A_156 : vector<1x512xf32>
    %broadcast_in_dim3A_158 = vector.shape_cast %mul3A_157 : vector<1x512xf32> to vector<1x512xf32>
    %broadcast_in_dim3A_159 = vector.broadcast %broadcast_in_dim3A_158 : vector<1x512xf32> to vector<16x512xf32>
    %slice3A_160 = vector.extract_strided_slice %max3A_52 {offsets = [192, 0], sizes = [16, 512], strides = [1, 1]} : vector<512x512xf32> to vector<16x512xf32>
    %reduce_sum3A_161 = arith.constant dense<0.000000e+00> : vector<512xf32>
    %reduce_sum3A_162 = vector.multi_reduction <add>, %slice3A_160, %reduce_sum3A_161 [0] : vector<16x512xf32> to vector<512xf32>
    %broadcast_in_dim3A_163 = vector.shape_cast %reduce_sum3A_162 : vector<512xf32> to vector<1x512xf32>
    %mul3A_164 = arith.constant 6.250000e-02 : f32
    %mul3A_165 = vector.broadcast %mul3A_164 : f32 to vector<1x512xf32>
    %mul3A_166 = arith.mulf %broadcast_in_dim3A_163, %mul3A_165 : vector<1x512xf32>
    %broadcast_in_dim3A_167 = vector.shape_cast %mul3A_166 : vector<1x512xf32> to vector<1x512xf32>
    %broadcast_in_dim3A_168 = vector.broadcast %broadcast_in_dim3A_167 : vector<1x512xf32> to vector<16x512xf32>
    %slice3A_169 = vector.extract_strided_slice %max3A_52 {offsets = [208, 0], sizes = [16, 512], strides = [1, 1]} : vector<512x512xf32> to vector<16x512xf32>
    %reduce_sum3A_170 = arith.constant dense<0.000000e+00> : vector<512xf32>
    %reduce_sum3A_171 = vector.multi_reduction <add>, %slice3A_169, %reduce_sum3A_170 [0] : vector<16x512xf32> to vector<512xf32>
    %broadcast_in_dim3A_172 = vector.shape_cast %reduce_sum3A_171 : vector<512xf32> to vector<1x512xf32>
    %mul3A_173 = arith.constant 6.250000e-02 : f32
    %mul3A_174 = vector.broadcast %mul3A_173 : f32 to vector<1x512xf32>
    %mul3A_175 = arith.mulf %broadcast_in_dim3A_172, %mul3A_174 : vector<1x512xf32>
    %broadcast_in_dim3A_176 = vector.shape_cast %mul3A_175 : vector<1x512xf32> to vector<1x512xf32>
    %broadcast_in_dim3A_177 = vector.broadcast %broadcast_in_dim3A_176 : vector<1x512xf32> to vector<16x512xf32>
    %slice3A_178 = vector.extract_strided_slice %max3A_52 {offsets = [224, 0], sizes = [16, 512], strides = [1, 1]} : vector<512x512xf32> to vector<16x512xf32>
    %reduce_sum3A_179 = arith.constant dense<0.000000e+00> : vector<512xf32>
    %reduce_sum3A_180 = vector.multi_reduction <add>, %slice3A_178, %reduce_sum3A_179 [0] : vector<16x512xf32> to vector<512xf32>
    %broadcast_in_dim3A_181 = vector.shape_cast %reduce_sum3A_180 : vector<512xf32> to vector<1x512xf32>
    %mul3A_182 = arith.constant 6.250000e-02 : f32
    %mul3A_183 = vector.broadcast %mul3A_182 : f32 to vector<1x512xf32>
    %mul3A_184 = arith.mulf %broadcast_in_dim3A_181, %mul3A_183 : vector<1x512xf32>
    %broadcast_in_dim3A_185 = vector.shape_cast %mul3A_184 : vector<1x512xf32> to vector<1x512xf32>
    %broadcast_in_dim3A_186 = vector.broadcast %broadcast_in_dim3A_185 : vector<1x512xf32> to vector<16x512xf32>
    %slice3A_187 = vector.extract_strided_slice %max3A_52 {offsets = [240, 0], sizes = [16, 512], strides = [1, 1]} : vector<512x512xf32> to vector<16x512xf32>
    %reduce_sum3A_188 = arith.constant dense<0.000000e+00> : vector<512xf32>
    %reduce_sum3A_189 = vector.multi_reduction <add>, %slice3A_187, %reduce_sum3A_188 [0] : vector<16x512xf32> to vector<512xf32>
    %broadcast_in_dim3A_190 = vector.shape_cast %reduce_sum3A_189 : vector<512xf32> to vector<1x512xf32>
    %mul3A_191 = arith.constant 6.250000e-02 : f32
    %mul3A_192 = vector.broadcast %mul3A_191 : f32 to vector<1x512xf32>
    %mul3A_193 = arith.mulf %broadcast_in_dim3A_190, %mul3A_192 : vector<1x512xf32>
    %broadcast_in_dim3A_194 = vector.shape_cast %mul3A_193 : vector<1x512xf32> to vector<1x512xf32>
    %broadcast_in_dim3A_195 = vector.broadcast %broadcast_in_dim3A_194 : vector<1x512xf32> to vector<16x512xf32>
    %slice3A_196 = vector.extract_strided_slice %max3A_52 {offsets = [256, 0], sizes = [16, 512], strides = [1, 1]} : vector<512x512xf32> to vector<16x512xf32>
    %reduce_sum3A_197 = arith.constant dense<0.000000e+00> : vector<512xf32>
    %reduce_sum3A_198 = vector.multi_reduction <add>, %slice3A_196, %reduce_sum3A_197 [0] : vector<16x512xf32> to vector<512xf32>
    %broadcast_in_dim3A_199 = vector.shape_cast %reduce_sum3A_198 : vector<512xf32> to vector<1x512xf32>
    %mul3A_200 = arith.constant 6.250000e-02 : f32
    %mul3A_201 = vector.broadcast %mul3A_200 : f32 to vector<1x512xf32>
    %mul3A_202 = arith.mulf %broadcast_in_dim3A_199, %mul3A_201 : vector<1x512xf32>
    %broadcast_in_dim3A_203 = vector.shape_cast %mul3A_202 : vector<1x512xf32> to vector<1x512xf32>
    %broadcast_in_dim3A_204 = vector.broadcast %broadcast_in_dim3A_203 : vector<1x512xf32> to vector<16x512xf32>
    %slice3A_205 = vector.extract_strided_slice %max3A_52 {offsets = [272, 0], sizes = [16, 512], strides = [1, 1]} : vector<512x512xf32> to vector<16x512xf32>
    %reduce_sum3A_206 = arith.constant dense<0.000000e+00> : vector<512xf32>
    %reduce_sum3A_207 = vector.multi_reduction <add>, %slice3A_205, %reduce_sum3A_206 [0] : vector<16x512xf32> to vector<512xf32>
    %broadcast_in_dim3A_208 = vector.shape_cast %reduce_sum3A_207 : vector<512xf32> to vector<1x512xf32>
    %mul3A_209 = arith.constant 6.250000e-02 : f32
    %mul3A_210 = vector.broadcast %mul3A_209 : f32 to vector<1x512xf32>
    %mul3A_211 = arith.mulf %broadcast_in_dim3A_208, %mul3A_210 : vector<1x512xf32>
    %broadcast_in_dim3A_212 = vector.shape_cast %mul3A_211 : vector<1x512xf32> to vector<1x512xf32>
    %broadcast_in_dim3A_213 = vector.broadcast %broadcast_in_dim3A_212 : vector<1x512xf32> to vector<16x512xf32>
    %slice3A_214 = vector.extract_strided_slice %max3A_52 {offsets = [288, 0], sizes = [16, 512], strides = [1, 1]} : vector<512x512xf32> to vector<16x512xf32>
    %reduce_sum3A_215 = arith.constant dense<0.000000e+00> : vector<512xf32>
    %reduce_sum3A_216 = vector.multi_reduction <add>, %slice3A_214, %reduce_sum3A_215 [0] : vector<16x512xf32> to vector<512xf32>
    %broadcast_in_dim3A_217 = vector.shape_cast %reduce_sum3A_216 : vector<512xf32> to vector<1x512xf32>
    %mul3A_218 = arith.constant 6.250000e-02 : f32
    %mul3A_219 = vector.broadcast %mul3A_218 : f32 to vector<1x512xf32>
    %mul3A_220 = arith.mulf %broadcast_in_dim3A_217, %mul3A_219 : vector<1x512xf32>
    %broadcast_in_dim3A_221 = vector.shape_cast %mul3A_220 : vector<1x512xf32> to vector<1x512xf32>
    %broadcast_in_dim3A_222 = vector.broadcast %broadcast_in_dim3A_221 : vector<1x512xf32> to vector<16x512xf32>
    %slice3A_223 = vector.extract_strided_slice %max3A_52 {offsets = [304, 0], sizes = [16, 512], strides = [1, 1]} : vector<512x512xf32> to vector<16x512xf32>
    %reduce_sum3A_224 = arith.constant dense<0.000000e+00> : vector<512xf32>
    %reduce_sum3A_225 = vector.multi_reduction <add>, %slice3A_223, %reduce_sum3A_224 [0] : vector<16x512xf32> to vector<512xf32>
    %broadcast_in_dim3A_226 = vector.shape_cast %reduce_sum3A_225 : vector<512xf32> to vector<1x512xf32>
    %mul3A_227 = arith.constant 6.250000e-02 : f32
    %mul3A_228 = vector.broadcast %mul3A_227 : f32 to vector<1x512xf32>
    %mul3A_229 = arith.mulf %broadcast_in_dim3A_226, %mul3A_228 : vector<1x512xf32>
    %broadcast_in_dim3A_230 = vector.shape_cast %mul3A_229 : vector<1x512xf32> to vector<1x512xf32>
    %broadcast_in_dim3A_231 = vector.broadcast %broadcast_in_dim3A_230 : vector<1x512xf32> to vector<16x512xf32>
    %slice3A_232 = vector.extract_strided_slice %max3A_52 {offsets = [320, 0], sizes = [16, 512], strides = [1, 1]} : vector<512x512xf32> to vector<16x512xf32>
    %reduce_sum3A_233 = arith.constant dense<0.000000e+00> : vector<512xf32>
    %reduce_sum3A_234 = vector.multi_reduction <add>, %slice3A_232, %reduce_sum3A_233 [0] : vector<16x512xf32> to vector<512xf32>
    %broadcast_in_dim3A_235 = vector.shape_cast %reduce_sum3A_234 : vector<512xf32> to vector<1x512xf32>
    %mul3A_236 = arith.constant 6.250000e-02 : f32
    %mul3A_237 = vector.broadcast %mul3A_236 : f32 to vector<1x512xf32>
    %mul3A_238 = arith.mulf %broadcast_in_dim3A_235, %mul3A_237 : vector<1x512xf32>
    %broadcast_in_dim3A_239 = vector.shape_cast %mul3A_238 : vector<1x512xf32> to vector<1x512xf32>
    %broadcast_in_dim3A_240 = vector.broadcast %broadcast_in_dim3A_239 : vector<1x512xf32> to vector<16x512xf32>
    %slice3A_241 = vector.extract_strided_slice %max3A_52 {offsets = [336, 0], sizes = [16, 512], strides = [1, 1]} : vector<512x512xf32> to vector<16x512xf32>
    %reduce_sum3A_242 = arith.constant dense<0.000000e+00> : vector<512xf32>
    %reduce_sum3A_243 = vector.multi_reduction <add>, %slice3A_241, %reduce_sum3A_242 [0] : vector<16x512xf32> to vector<512xf32>
    %broadcast_in_dim3A_244 = vector.shape_cast %reduce_sum3A_243 : vector<512xf32> to vector<1x512xf32>
    %mul3A_245 = arith.constant 6.250000e-02 : f32
    %mul3A_246 = vector.broadcast %mul3A_245 : f32 to vector<1x512xf32>
    %mul3A_247 = arith.mulf %broadcast_in_dim3A_244, %mul3A_246 : vector<1x512xf32>
    %broadcast_in_dim3A_248 = vector.shape_cast %mul3A_247 : vector<1x512xf32> to vector<1x512xf32>
    %broadcast_in_dim3A_249 = vector.broadcast %broadcast_in_dim3A_248 : vector<1x512xf32> to vector<16x512xf32>
    %slice3A_250 = vector.extract_strided_slice %max3A_52 {offsets = [352, 0], sizes = [16, 512], strides = [1, 1]} : vector<512x512xf32> to vector<16x512xf32>
    %reduce_sum3A_251 = arith.constant dense<0.000000e+00> : vector<512xf32>
    %reduce_sum3A_252 = vector.multi_reduction <add>, %slice3A_250, %reduce_sum3A_251 [0] : vector<16x512xf32> to vector<512xf32>
    %broadcast_in_dim3A_253 = vector.shape_cast %reduce_sum3A_252 : vector<512xf32> to vector<1x512xf32>
    %mul3A_254 = arith.constant 6.250000e-02 : f32
    %mul3A_255 = vector.broadcast %mul3A_254 : f32 to vector<1x512xf32>
    %mul3A_256 = arith.mulf %broadcast_in_dim3A_253, %mul3A_255 : vector<1x512xf32>
    %broadcast_in_dim3A_257 = vector.shape_cast %mul3A_256 : vector<1x512xf32> to vector<1x512xf32>
    %broadcast_in_dim3A_258 = vector.broadcast %broadcast_in_dim3A_257 : vector<1x512xf32> to vector<16x512xf32>
    %slice3A_259 = vector.extract_strided_slice %max3A_52 {offsets = [368, 0], sizes = [16, 512], strides = [1, 1]} : vector<512x512xf32> to vector<16x512xf32>
    %reduce_sum3A_260 = arith.constant dense<0.000000e+00> : vector<512xf32>
    %reduce_sum3A_261 = vector.multi_reduction <add>, %slice3A_259, %reduce_sum3A_260 [0] : vector<16x512xf32> to vector<512xf32>
    %broadcast_in_dim3A_262 = vector.shape_cast %reduce_sum3A_261 : vector<512xf32> to vector<1x512xf32>
    %mul3A_263 = arith.constant 6.250000e-02 : f32
    %mul3A_264 = vector.broadcast %mul3A_263 : f32 to vector<1x512xf32>
    %mul3A_265 = arith.mulf %broadcast_in_dim3A_262, %mul3A_264 : vector<1x512xf32>
    %broadcast_in_dim3A_266 = vector.shape_cast %mul3A_265 : vector<1x512xf32> to vector<1x512xf32>
    %broadcast_in_dim3A_267 = vector.broadcast %broadcast_in_dim3A_266 : vector<1x512xf32> to vector<16x512xf32>
    %slice3A_268 = vector.extract_strided_slice %max3A_52 {offsets = [384, 0], sizes = [16, 512], strides = [1, 1]} : vector<512x512xf32> to vector<16x512xf32>
    %reduce_sum3A_269 = arith.constant dense<0.000000e+00> : vector<512xf32>
    %reduce_sum3A_270 = vector.multi_reduction <add>, %slice3A_268, %reduce_sum3A_269 [0] : vector<16x512xf32> to vector<512xf32>
    %broadcast_in_dim3A_271 = vector.shape_cast %reduce_sum3A_270 : vector<512xf32> to vector<1x512xf32>
    %mul3A_272 = arith.constant 6.250000e-02 : f32
    %mul3A_273 = vector.broadcast %mul3A_272 : f32 to vector<1x512xf32>
    %mul3A_274 = arith.mulf %broadcast_in_dim3A_271, %mul3A_273 : vector<1x512xf32>
    %broadcast_in_dim3A_275 = vector.shape_cast %mul3A_274 : vector<1x512xf32> to vector<1x512xf32>
    %broadcast_in_dim3A_276 = vector.broadcast %broadcast_in_dim3A_275 : vector<1x512xf32> to vector<16x512xf32>
    %slice3A_277 = vector.extract_strided_slice %max3A_52 {offsets = [400, 0], sizes = [16, 512], strides = [1, 1]} : vector<512x512xf32> to vector<16x512xf32>
    %reduce_sum3A_278 = arith.constant dense<0.000000e+00> : vector<512xf32>
    %reduce_sum3A_279 = vector.multi_reduction <add>, %slice3A_277, %reduce_sum3A_278 [0] : vector<16x512xf32> to vector<512xf32>
    %broadcast_in_dim3A_280 = vector.shape_cast %reduce_sum3A_279 : vector<512xf32> to vector<1x512xf32>
    %mul3A_281 = arith.constant 6.250000e-02 : f32
    %mul3A_282 = vector.broadcast %mul3A_281 : f32 to vector<1x512xf32>
    %mul3A_283 = arith.mulf %broadcast_in_dim3A_280, %mul3A_282 : vector<1x512xf32>
    %broadcast_in_dim3A_284 = vector.shape_cast %mul3A_283 : vector<1x512xf32> to vector<1x512xf32>
    %broadcast_in_dim3A_285 = vector.broadcast %broadcast_in_dim3A_284 : vector<1x512xf32> to vector<16x512xf32>
    %slice3A_286 = vector.extract_strided_slice %max3A_52 {offsets = [416, 0], sizes = [16, 512], strides = [1, 1]} : vector<512x512xf32> to vector<16x512xf32>
    %reduce_sum3A_287 = arith.constant dense<0.000000e+00> : vector<512xf32>
    %reduce_sum3A_288 = vector.multi_reduction <add>, %slice3A_286, %reduce_sum3A_287 [0] : vector<16x512xf32> to vector<512xf32>
    %broadcast_in_dim3A_289 = vector.shape_cast %reduce_sum3A_288 : vector<512xf32> to vector<1x512xf32>
    %mul3A_290 = arith.constant 6.250000e-02 : f32
    %mul3A_291 = vector.broadcast %mul3A_290 : f32 to vector<1x512xf32>
    %mul3A_292 = arith.mulf %broadcast_in_dim3A_289, %mul3A_291 : vector<1x512xf32>
    %broadcast_in_dim3A_293 = vector.shape_cast %mul3A_292 : vector<1x512xf32> to vector<1x512xf32>
    %broadcast_in_dim3A_294 = vector.broadcast %broadcast_in_dim3A_293 : vector<1x512xf32> to vector<16x512xf32>
    %slice3A_295 = vector.extract_strided_slice %max3A_52 {offsets = [432, 0], sizes = [16, 512], strides = [1, 1]} : vector<512x512xf32> to vector<16x512xf32>
    %reduce_sum3A_296 = arith.constant dense<0.000000e+00> : vector<512xf32>
    %reduce_sum3A_297 = vector.multi_reduction <add>, %slice3A_295, %reduce_sum3A_296 [0] : vector<16x512xf32> to vector<512xf32>
    %broadcast_in_dim3A_298 = vector.shape_cast %reduce_sum3A_297 : vector<512xf32> to vector<1x512xf32>
    %mul3A_299 = arith.constant 6.250000e-02 : f32
    %mul3A_300 = vector.broadcast %mul3A_299 : f32 to vector<1x512xf32>
    %mul3A_301 = arith.mulf %broadcast_in_dim3A_298, %mul3A_300 : vector<1x512xf32>
    %broadcast_in_dim3A_302 = vector.shape_cast %mul3A_301 : vector<1x512xf32> to vector<1x512xf32>
    %broadcast_in_dim3A_303 = vector.broadcast %broadcast_in_dim3A_302 : vector<1x512xf32> to vector<16x512xf32>
    %slice3A_304 = vector.extract_strided_slice %max3A_52 {offsets = [448, 0], sizes = [16, 512], strides = [1, 1]} : vector<512x512xf32> to vector<16x512xf32>
    %reduce_sum3A_305 = arith.constant dense<0.000000e+00> : vector<512xf32>
    %reduce_sum3A_306 = vector.multi_reduction <add>, %slice3A_304, %reduce_sum3A_305 [0] : vector<16x512xf32> to vector<512xf32>
    %broadcast_in_dim3A_307 = vector.shape_cast %reduce_sum3A_306 : vector<512xf32> to vector<1x512xf32>
    %mul3A_308 = arith.constant 6.250000e-02 : f32
    %mul3A_309 = vector.broadcast %mul3A_308 : f32 to vector<1x512xf32>
    %mul3A_310 = arith.mulf %broadcast_in_dim3A_307, %mul3A_309 : vector<1x512xf32>
    %broadcast_in_dim3A_311 = vector.shape_cast %mul3A_310 : vector<1x512xf32> to vector<1x512xf32>
    %broadcast_in_dim3A_312 = vector.broadcast %broadcast_in_dim3A_311 : vector<1x512xf32> to vector<16x512xf32>
    %slice3A_313 = vector.extract_strided_slice %max3A_52 {offsets = [464, 0], sizes = [16, 512], strides = [1, 1]} : vector<512x512xf32> to vector<16x512xf32>
    %reduce_sum3A_314 = arith.constant dense<0.000000e+00> : vector<512xf32>
    %reduce_sum3A_315 = vector.multi_reduction <add>, %slice3A_313, %reduce_sum3A_314 [0] : vector<16x512xf32> to vector<512xf32>
    %broadcast_in_dim3A_316 = vector.shape_cast %reduce_sum3A_315 : vector<512xf32> to vector<1x512xf32>
    %mul3A_317 = arith.constant 6.250000e-02 : f32
    %mul3A_318 = vector.broadcast %mul3A_317 : f32 to vector<1x512xf32>
    %mul3A_319 = arith.mulf %broadcast_in_dim3A_316, %mul3A_318 : vector<1x512xf32>
    %broadcast_in_dim3A_320 = vector.shape_cast %mul3A_319 : vector<1x512xf32> to vector<1x512xf32>
    %broadcast_in_dim3A_321 = vector.broadcast %broadcast_in_dim3A_320 : vector<1x512xf32> to vector<16x512xf32>
    %slice3A_322 = vector.extract_strided_slice %max3A_52 {offsets = [480, 0], sizes = [16, 512], strides = [1, 1]} : vector<512x512xf32> to vector<16x512xf32>
    %reduce_sum3A_323 = arith.constant dense<0.000000e+00> : vector<512xf32>
    %reduce_sum3A_324 = vector.multi_reduction <add>, %slice3A_322, %reduce_sum3A_323 [0] : vector<16x512xf32> to vector<512xf32>
    %broadcast_in_dim3A_325 = vector.shape_cast %reduce_sum3A_324 : vector<512xf32> to vector<1x512xf32>
    %mul3A_326 = arith.constant 6.250000e-02 : f32
    %mul3A_327 = vector.broadcast %mul3A_326 : f32 to vector<1x512xf32>
    %mul3A_328 = arith.mulf %broadcast_in_dim3A_325, %mul3A_327 : vector<1x512xf32>
    %broadcast_in_dim3A_329 = vector.shape_cast %mul3A_328 : vector<1x512xf32> to vector<1x512xf32>
    %broadcast_in_dim3A_330 = vector.broadcast %broadcast_in_dim3A_329 : vector<1x512xf32> to vector<16x512xf32>
    %slice3A_331 = vector.extract_strided_slice %max3A_52 {offsets = [496, 0], sizes = [16, 512], strides = [1, 1]} : vector<512x512xf32> to vector<16x512xf32>
    %reduce_sum3A_332 = arith.constant dense<0.000000e+00> : vector<512xf32>
    %reduce_sum3A_333 = vector.multi_reduction <add>, %slice3A_331, %reduce_sum3A_332 [0] : vector<16x512xf32> to vector<512xf32>
    %broadcast_in_dim3A_334 = vector.shape_cast %reduce_sum3A_333 : vector<512xf32> to vector<1x512xf32>
    %mul3A_335 = arith.constant 6.250000e-02 : f32
    %mul3A_336 = vector.broadcast %mul3A_335 : f32 to vector<1x512xf32>
    %mul3A_337 = arith.mulf %broadcast_in_dim3A_334, %mul3A_336 : vector<1x512xf32>
    %broadcast_in_dim3A_338 = vector.shape_cast %mul3A_337 : vector<1x512xf32> to vector<1x512xf32>
    %broadcast_in_dim3A_339 = vector.broadcast %broadcast_in_dim3A_338 : vector<1x512xf32> to vector<16x512xf32>
    %convert_element_type3A_340 = arith.truncf %max3A_52 : vector<512x512xf32> to vector<512x512xbf16>
    %convert_element_type3A_341 = arith.truncf %broadcast_in_dim3A_60 : vector<16x512xf32> to vector<16x512xbf16>
    %convert_element_type3A_342 = arith.truncf %broadcast_in_dim3A_69 : vector<16x512xf32> to vector<16x512xbf16>
    %convert_element_type3A_343 = arith.truncf %broadcast_in_dim3A_78 : vector<16x512xf32> to vector<16x512xbf16>
    %convert_element_type3A_344 = arith.truncf %broadcast_in_dim3A_87 : vector<16x512xf32> to vector<16x512xbf16>
    %convert_element_type3A_345 = arith.truncf %broadcast_in_dim3A_96 : vector<16x512xf32> to vector<16x512xbf16>
    %convert_element_type3A_346 = arith.truncf %broadcast_in_dim3A_105 : vector<16x512xf32> to vector<16x512xbf16>
    %convert_element_type3A_347 = arith.truncf %broadcast_in_dim3A_114 : vector<16x512xf32> to vector<16x512xbf16>
    %convert_element_type3A_348 = arith.truncf %broadcast_in_dim3A_123 : vector<16x512xf32> to vector<16x512xbf16>
    %convert_element_type3A_349 = arith.truncf %broadcast_in_dim3A_132 : vector<16x512xf32> to vector<16x512xbf16>
    %convert_element_type3A_350 = arith.truncf %broadcast_in_dim3A_141 : vector<16x512xf32> to vector<16x512xbf16>
    %convert_element_type3A_351 = arith.truncf %broadcast_in_dim3A_150 : vector<16x512xf32> to vector<16x512xbf16>
    %convert_element_type3A_352 = arith.truncf %broadcast_in_dim3A_159 : vector<16x512xf32> to vector<16x512xbf16>
    %convert_element_type3A_353 = arith.truncf %broadcast_in_dim3A_168 : vector<16x512xf32> to vector<16x512xbf16>
    %convert_element_type3A_354 = arith.truncf %broadcast_in_dim3A_177 : vector<16x512xf32> to vector<16x512xbf16>
    %convert_element_type3A_355 = arith.truncf %broadcast_in_dim3A_186 : vector<16x512xf32> to vector<16x512xbf16>
    %convert_element_type3A_356 = arith.truncf %broadcast_in_dim3A_195 : vector<16x512xf32> to vector<16x512xbf16>
    %convert_element_type3A_357 = arith.truncf %broadcast_in_dim3A_204 : vector<16x512xf32> to vector<16x512xbf16>
    %convert_element_type3A_358 = arith.truncf %broadcast_in_dim3A_213 : vector<16x512xf32> to vector<16x512xbf16>
    %convert_element_type3A_359 = arith.truncf %broadcast_in_dim3A_222 : vector<16x512xf32> to vector<16x512xbf16>
    %convert_element_type3A_360 = arith.truncf %broadcast_in_dim3A_231 : vector<16x512xf32> to vector<16x512xbf16>
    %convert_element_type3A_361 = arith.truncf %broadcast_in_dim3A_240 : vector<16x512xf32> to vector<16x512xbf16>
    %convert_element_type3A_362 = arith.truncf %broadcast_in_dim3A_249 : vector<16x512xf32> to vector<16x512xbf16>
    %convert_element_type3A_363 = arith.truncf %broadcast_in_dim3A_258 : vector<16x512xf32> to vector<16x512xbf16>
    %convert_element_type3A_364 = arith.truncf %broadcast_in_dim3A_267 : vector<16x512xf32> to vector<16x512xbf16>
    %convert_element_type3A_365 = arith.truncf %broadcast_in_dim3A_276 : vector<16x512xf32> to vector<16x512xbf16>
    %convert_element_type3A_366 = arith.truncf %broadcast_in_dim3A_285 : vector<16x512xf32> to vector<16x512xbf16>
    %convert_element_type3A_367 = arith.truncf %broadcast_in_dim3A_294 : vector<16x512xf32> to vector<16x512xbf16>
    %convert_element_type3A_368 = arith.truncf %broadcast_in_dim3A_303 : vector<16x512xf32> to vector<16x512xbf16>
    %convert_element_type3A_369 = arith.truncf %broadcast_in_dim3A_312 : vector<16x512xf32> to vector<16x512xbf16>
    %convert_element_type3A_370 = arith.truncf %broadcast_in_dim3A_321 : vector<16x512xf32> to vector<16x512xbf16>
    %convert_element_type3A_371 = arith.truncf %broadcast_in_dim3A_330 : vector<16x512xf32> to vector<16x512xbf16>
    %convert_element_type3A_372 = arith.truncf %broadcast_in_dim3A_339 : vector<16x512xf32> to vector<16x512xbf16>
    %concatenate3A_373 = tpu.concatenate %convert_element_type3A_340, %convert_element_type3A_341, %convert_element_type3A_342, %convert_element_type3A_343, %convert_element_type3A_344, %convert_element_type3A_345, %convert_element_type3A_346, %convert_element_type3A_347, %convert_element_type3A_348, %convert_element_type3A_349, %convert_element_type3A_350, %convert_element_type3A_351, %convert_element_type3A_352, %convert_element_type3A_353, %convert_element_type3A_354, %convert_element_type3A_355, %convert_element_type3A_356, %convert_element_type3A_357, %convert_element_type3A_358, %convert_element_type3A_359, %convert_element_type3A_360, %convert_element_type3A_361, %convert_element_type3A_362, %convert_element_type3A_363, %convert_element_type3A_364, %convert_element_type3A_365, %convert_element_type3A_366, %convert_element_type3A_367, %convert_element_type3A_368, %convert_element_type3A_369, %convert_element_type3A_370, %convert_element_type3A_371, %convert_element_type3A_372 in 0 : vector<512x512xbf16>, vector<16x512xbf16>, vector<16x512xbf16>, vector<16x512xbf16>, vector<16x512xbf16>, vector<16x512xbf16>, vector<16x512xbf16>, vector<16x512xbf16>, vector<16x512xbf16>, vector<16x512xbf16>, vector<16x512xbf16>, vector<16x512xbf16>, vector<16x512xbf16>, vector<16x512xbf16>, vector<16x512xbf16>, vector<16x512xbf16>, vector<16x512xbf16>, vector<16x512xbf16>, vector<16x512xbf16>, vector<16x512xbf16>, vector<16x512xbf16>, vector<16x512xbf16>, vector<16x512xbf16>, vector<16x512xbf16>, vector<16x512xbf16>, vector<16x512xbf16>, vector<16x512xbf16>, vector<16x512xbf16>, vector<16x512xbf16>, vector<16x512xbf16>, vector<16x512xbf16>, vector<16x512xbf16>, vector<16x512xbf16> -> vector<1024x512xbf16>
    %get3A_374 = arith.constant 0 : index
    %get3A_375 = arith.constant 0 : index
    %get3A_376 = vector.load %arg7[%get3A_374, %get3A_375] : memref<512x1024xbf16, #tpu.memory_space<vmem>>, vector<512x1024xbf16>
    %dot_general3A_377 = arith.constant dense<0.000000e+00> : vector<512x512xf32>
    %dot_general3A_378 = tpu.matmul %get3A_376, %concatenate3A_373, %dot_general3A_377 {dimension_numbers = #tpu.dot_dimension_numbers<[1], [0], [0], [1], [0, 0, 1, 1], [], []>, transpose_lhs_hint = false} : vector<512x1024xbf16>, vector<1024x512xbf16>, vector<512x512xf32> -> vector<512x512xf32>
    %get3A_379 = arith.constant 0 : index
    %get3A_380 = arith.constant 0 : index
    %get3A_381 = vector.load %arg10[%get3A_379, %get3A_380] : memref<512x1xf32, #tpu.memory_space<vmem>>, vector<512x1xf32>
    %add3A_382 = vector.broadcast %get3A_381 : vector<512x1xf32> to vector<512x512xf32>
    %add3A_383 = arith.addf %dot_general3A_378, %add3A_382 : vector<512x512xf32>
    %max3A_384 = arith.constant 0.000000e+00 : f32
    %max3A_385 = vector.broadcast %max3A_384 : f32 to vector<512x512xf32>
    %max3A_386 = arith.maximumf %add3A_383, %max3A_385 : vector<512x512xf32>
    %get3A_387 = arith.constant 0 : index
    %get3A_388 = arith.constant 0 : index
    %get3A_389 = vector.load %arg8[%get3A_387, %get3A_388] : memref<16x512xbf16, #tpu.memory_space<vmem>>, vector<16x512xbf16>
    %convert_element_type3A_390 = arith.truncf %max3A_386 : vector<512x512xf32> to vector<512x512xbf16>
    %dot_general3A_391 = arith.constant dense<0.000000e+00> : vector<16x512xf32>
    %dot_general3A_392 = tpu.matmul %get3A_389, %convert_element_type3A_390, %dot_general3A_391 {dimension_numbers = #tpu.dot_dimension_numbers<[1], [0], [0], [1], [0, 0, 1, 1], [], []>, transpose_lhs_hint = false} : vector<16x512xbf16>, vector<512x512xbf16>, vector<16x512xf32> -> vector<16x512xf32>
    %get3A_393 = arith.constant 0 : index
    %get3A_394 = arith.constant 0 : index
    %get3A_395 = memref.load %arg11[%get3A_393, %get3A_394] : memref<1x1xf32, #tpu.memory_space<smem>>
    %add3A_396 = vector.broadcast %get3A_395 : f32 to vector<16x512xf32>
    %add3A_397 = arith.addf %dot_general3A_392, %add3A_396 : vector<16x512xf32>
    %reduce_max3A = arith.constant dense<0xFF800000> : vector<512xf32>
    %reduce_max3A_398 = vector.multi_reduction <maximumf>, %add3A_397, %reduce_max3A [0] : vector<16x512xf32> to vector<512xf32>
    %broadcast_in_dim3A_399 = vector.shape_cast %reduce_max3A_398 : vector<512xf32> to vector<1x512xf32>
    %sub3A_400 = vector.broadcast %broadcast_in_dim3A_399 : vector<1x512xf32> to vector<16x512xf32>
    %sub3A_401 = arith.subf %add3A_397, %sub3A_400 : vector<16x512xf32>
    %exp3A = math.exp %sub3A_401 : vector<16x512xf32>
    %reduce_sum3A_402 = arith.constant dense<0.000000e+00> : vector<512xf32>
    %reduce_sum3A_403 = vector.multi_reduction <add>, %exp3A, %reduce_sum3A_402 [0] : vector<16x512xf32> to vector<512xf32>
    %broadcast_in_dim3A_404 = vector.shape_cast %reduce_sum3A_403 : vector<512xf32> to vector<1x512xf32>
    %div3A_405 = vector.broadcast %broadcast_in_dim3A_404 : vector<1x512xf32> to vector<16x512xf32>
    %div3A_406 = arith.divf %exp3A, %div3A_405 : vector<16x512xf32>
    %swap3A = arith.constant 0 : index
    %swap3A_407 = arith.constant 0 : index
    %swap3A_408 = vector.load %arg12[%swap3A, %swap3A_407] : memref<16x512xf32, #tpu.memory_space<vmem>>, vector<16x512xf32>
    tpu.vector_store %arg12[%swap3A, %swap3A_407], %div3A_406 {strides = array<i32>} : memref<16x512xf32, #tpu.memory_space<vmem>>, vector<16x512xf32>,
    %reduce_sum3A_409 = arith.constant dense<0.000000e+00> : vector<512xf32>
    %reduce_sum3A_410 = vector.multi_reduction <add>, %div3A_406, %reduce_sum3A_409 [0] : vector<16x512xf32> to vector<512xf32>
    %broadcast_in_dim3A_411 = vector.shape_cast %reduce_sum3A_410 : vector<512xf32> to vector<1x512xf32>
    %add3A_412 = arith.constant 9.99999993E-9 : f32
    %add3A_413 = vector.broadcast %add3A_412 : f32 to vector<1x512xf32>
    %add3A_414 = arith.addf %broadcast_in_dim3A_411, %add3A_413 : vector<1x512xf32>
    %mul3A_415 = arith.mulf %div3A_406, %sub3A_20 : vector<16x512xf32>
    %reduce_sum3A_416 = arith.constant dense<0.000000e+00> : vector<512xf32>
    %reduce_sum3A_417 = vector.multi_reduction <add>, %mul3A_415, %reduce_sum3A_416 [0] : vector<16x512xf32> to vector<512xf32>
    %broadcast_in_dim3A_418 = vector.shape_cast %reduce_sum3A_417 : vector<512xf32> to vector<1x512xf32>
    %div3A_419 = arith.divf %broadcast_in_dim3A_418, %add3A_414 : vector<1x512xf32>
    %mul3A_420 = arith.mulf %div3A_406, %sub3A_22 : vector<16x512xf32>
    %reduce_sum3A_421 = arith.constant dense<0.000000e+00> : vector<512xf32>
    %reduce_sum3A_422 = vector.multi_reduction <add>, %mul3A_420, %reduce_sum3A_421 [0] : vector<16x512xf32> to vector<512xf32>
    %broadcast_in_dim3A_423 = vector.shape_cast %reduce_sum3A_422 : vector<512xf32> to vector<1x512xf32>
    %div3A_424 = arith.divf %broadcast_in_dim3A_423, %add3A_414 : vector<1x512xf32>
    %mul3A_425 = arith.mulf %div3A_406, %sub3A_24 : vector<16x512xf32>
    %reduce_sum3A_426 = arith.constant dense<0.000000e+00> : vector<512xf32>
    %reduce_sum3A_427 = vector.multi_reduction <add>, %mul3A_425, %reduce_sum3A_426 [0] : vector<16x512xf32> to vector<512xf32>
    %broadcast_in_dim3A_428 = vector.shape_cast %reduce_sum3A_427 : vector<512xf32> to vector<1x512xf32>
    %div3A_429 = arith.divf %broadcast_in_dim3A_428, %add3A_414 : vector<1x512xf32>
    %sub3A_430 = vector.broadcast %div3A_419 : vector<1x512xf32> to vector<16x512xf32>
    %sub3A_431 = arith.subf %sub3A_20, %sub3A_430 : vector<16x512xf32>
    %sub3A_432 = vector.broadcast %div3A_424 : vector<1x512xf32> to vector<16x512xf32>
    %sub3A_433 = arith.subf %sub3A_22, %sub3A_432 : vector<16x512xf32>
    %sub3A_434 = vector.broadcast %div3A_429 : vector<1x512xf32> to vector<16x512xf32>
    %sub3A_435 = arith.subf %sub3A_24, %sub3A_434 : vector<16x512xf32>
    %mul3A_436 = arith.mulf %div3A_406, %sub3A_431 : vector<16x512xf32>
    %convert_element_type3A_437 = arith.truncf %mul3A_436 : vector<16x512xf32> to vector<16x512xbf16>
    %convert_element_type3A_438 = arith.extf %convert_element_type3A_437 : vector<16x512xbf16> to vector<16x512xf32>
    %mul3A_439 = arith.mulf %div3A_406, %sub3A_433 : vector<16x512xf32>
    %convert_element_type3A_440 = arith.truncf %mul3A_439 : vector<16x512xf32> to vector<16x512xbf16>
    %convert_element_type3A_441 = arith.extf %convert_element_type3A_440 : vector<16x512xbf16> to vector<16x512xf32>
    %mul3A_442 = arith.mulf %div3A_406, %sub3A_435 : vector<16x512xf32>
    %convert_element_type3A_443 = arith.truncf %mul3A_442 : vector<16x512xf32> to vector<16x512xbf16>
    %convert_element_type3A_444 = arith.extf %convert_element_type3A_443 : vector<16x512xbf16> to vector<16x512xf32>
    %convert_element_type3A_445 = arith.truncf %sub3A_431 : vector<16x512xf32> to vector<16x512xbf16>
    %convert_element_type3A_446 = arith.extf %convert_element_type3A_445 : vector<16x512xbf16> to vector<16x512xf32>
    %convert_element_type3A_447 = arith.truncf %sub3A_433 : vector<16x512xf32> to vector<16x512xbf16>
    %convert_element_type3A_448 = arith.extf %convert_element_type3A_447 : vector<16x512xbf16> to vector<16x512xf32>
    %convert_element_type3A_449 = arith.truncf %sub3A_435 : vector<16x512xf32> to vector<16x512xbf16>
    %convert_element_type3A_450 = arith.extf %convert_element_type3A_449 : vector<16x512xbf16> to vector<16x512xf32>
    %slice3A_451 = vector.extract_strided_slice %convert_element_type3A_438 {offsets = [0, 0], sizes = [1, 512], strides = [1, 1]} : vector<16x512xf32> to vector<1x512xf32>
    %slice3A_452 = vector.extract_strided_slice %convert_element_type3A_446 {offsets = [0, 0], sizes = [1, 512], strides = [1, 1]} : vector<16x512xf32> to vector<1x512xf32>
    %mul3A_453 = arith.mulf %slice3A_451, %slice3A_452 : vector<1x512xf32>
    %slice3A_454 = vector.extract_strided_slice %convert_element_type3A_438 {offsets = [1, 0], sizes = [1, 512], strides = [1, 1]} : vector<16x512xf32> to vector<1x512xf32>
    %slice3A_455 = vector.extract_strided_slice %convert_element_type3A_446 {offsets = [1, 0], sizes = [1, 512], strides = [1, 1]} : vector<16x512xf32> to vector<1x512xf32>
    %mul3A_456 = arith.mulf %slice3A_454, %slice3A_455 : vector<1x512xf32>
    %add3A_457 = arith.addf %mul3A_453, %mul3A_456 : vector<1x512xf32>
    %slice3A_458 = vector.extract_strided_slice %convert_element_type3A_438 {offsets = [2, 0], sizes = [1, 512], strides = [1, 1]} : vector<16x512xf32> to vector<1x512xf32>
    %slice3A_459 = vector.extract_strided_slice %convert_element_type3A_446 {offsets = [2, 0], sizes = [1, 512], strides = [1, 1]} : vector<16x512xf32> to vector<1x512xf32>
    %mul3A_460 = arith.mulf %slice3A_458, %slice3A_459 : vector<1x512xf32>
    %add3A_461 = arith.addf %add3A_457, %mul3A_460 : vector<1x512xf32>
    %slice3A_462 = vector.extract_strided_slice %convert_element_type3A_438 {offsets = [3, 0], sizes = [1, 512], strides = [1, 1]} : vector<16x512xf32> to vector<1x512xf32>
    %slice3A_463 = vector.extract_strided_slice %convert_element_type3A_446 {offsets = [3, 0], sizes = [1, 512], strides = [1, 1]} : vector<16x512xf32> to vector<1x512xf32>
    %mul3A_464 = arith.mulf %slice3A_462, %slice3A_463 : vector<1x512xf32>
    %add3A_465 = arith.addf %add3A_461, %mul3A_464 : vector<1x512xf32>
    %slice3A_466 = vector.extract_strided_slice %convert_element_type3A_438 {offsets = [4, 0], sizes = [1, 512], strides = [1, 1]} : vector<16x512xf32> to vector<1x512xf32>
    %slice3A_467 = vector.extract_strided_slice %convert_element_type3A_446 {offsets = [4, 0], sizes = [1, 512], strides = [1, 1]} : vector<16x512xf32> to vector<1x512xf32>
    %mul3A_468 = arith.mulf %slice3A_466, %slice3A_467 : vector<1x512xf32>
    %add3A_469 = arith.addf %add3A_465, %mul3A_468 : vector<1x512xf32>
    %slice3A_470 = vector.extract_strided_slice %convert_element_type3A_438 {offsets = [5, 0], sizes = [1, 512], strides = [1, 1]} : vector<16x512xf32> to vector<1x512xf32>
    %slice3A_471 = vector.extract_strided_slice %convert_element_type3A_446 {offsets = [5, 0], sizes = [1, 512], strides = [1, 1]} : vector<16x512xf32> to vector<1x512xf32>
    %mul3A_472 = arith.mulf %slice3A_470, %slice3A_471 : vector<1x512xf32>
    %add3A_473 = arith.addf %add3A_469, %mul3A_472 : vector<1x512xf32>
    %slice3A_474 = vector.extract_strided_slice %convert_element_type3A_438 {offsets = [6, 0], sizes = [1, 512], strides = [1, 1]} : vector<16x512xf32> to vector<1x512xf32>
    %slice3A_475 = vector.extract_strided_slice %convert_element_type3A_446 {offsets = [6, 0], sizes = [1, 512], strides = [1, 1]} : vector<16x512xf32> to vector<1x512xf32>
    %mul3A_476 = arith.mulf %slice3A_474, %slice3A_475 : vector<1x512xf32>
    %add3A_477 = arith.addf %add3A_473, %mul3A_476 : vector<1x512xf32>
    %slice3A_478 = vector.extract_strided_slice %convert_element_type3A_438 {offsets = [7, 0], sizes = [1, 512], strides = [1, 1]} : vector<16x512xf32> to vector<1x512xf32>
    %slice3A_479 = vector.extract_strided_slice %convert_element_type3A_446 {offsets = [7, 0], sizes = [1, 512], strides = [1, 1]} : vector<16x512xf32> to vector<1x512xf32>
    %mul3A_480 = arith.mulf %slice3A_478, %slice3A_479 : vector<1x512xf32>
    %add3A_481 = arith.addf %add3A_477, %mul3A_480 : vector<1x512xf32>
    %slice3A_482 = vector.extract_strided_slice %convert_element_type3A_438 {offsets = [8, 0], sizes = [1, 512], strides = [1, 1]} : vector<16x512xf32> to vector<1x512xf32>
    %slice3A_483 = vector.extract_strided_slice %convert_element_type3A_446 {offsets = [8, 0], sizes = [1, 512], strides = [1, 1]} : vector<16x512xf32> to vector<1x512xf32>
    %mul3A_484 = arith.mulf %slice3A_482, %slice3A_483 : vector<1x512xf32>
    %add3A_485 = arith.addf %add3A_481, %mul3A_484 : vector<1x512xf32>
    %slice3A_486 = vector.extract_strided_slice %convert_element_type3A_438 {offsets = [9, 0], sizes = [1, 512], strides = [1, 1]} : vector<16x512xf32> to vector<1x512xf32>
    %slice3A_487 = vector.extract_strided_slice %convert_element_type3A_446 {offsets = [9, 0], sizes = [1, 512], strides = [1, 1]} : vector<16x512xf32> to vector<1x512xf32>
    %mul3A_488 = arith.mulf %slice3A_486, %slice3A_487 : vector<1x512xf32>
    %add3A_489 = arith.addf %add3A_485, %mul3A_488 : vector<1x512xf32>
    %slice3A_490 = vector.extract_strided_slice %convert_element_type3A_438 {offsets = [10, 0], sizes = [1, 512], strides = [1, 1]} : vector<16x512xf32> to vector<1x512xf32>
    %slice3A_491 = vector.extract_strided_slice %convert_element_type3A_446 {offsets = [10, 0], sizes = [1, 512], strides = [1, 1]} : vector<16x512xf32> to vector<1x512xf32>
    %mul3A_492 = arith.mulf %slice3A_490, %slice3A_491 : vector<1x512xf32>
    %add3A_493 = arith.addf %add3A_489, %mul3A_492 : vector<1x512xf32>
    %slice3A_494 = vector.extract_strided_slice %convert_element_type3A_438 {offsets = [11, 0], sizes = [1, 512], strides = [1, 1]} : vector<16x512xf32> to vector<1x512xf32>
    %slice3A_495 = vector.extract_strided_slice %convert_element_type3A_446 {offsets = [11, 0], sizes = [1, 512], strides = [1, 1]} : vector<16x512xf32> to vector<1x512xf32>
    %mul3A_496 = arith.mulf %slice3A_494, %slice3A_495 : vector<1x512xf32>
    %add3A_497 = arith.addf %add3A_493, %mul3A_496 : vector<1x512xf32>
    %slice3A_498 = vector.extract_strided_slice %convert_element_type3A_438 {offsets = [12, 0], sizes = [1, 512], strides = [1, 1]} : vector<16x512xf32> to vector<1x512xf32>
    %slice3A_499 = vector.extract_strided_slice %convert_element_type3A_446 {offsets = [12, 0], sizes = [1, 512], strides = [1, 1]} : vector<16x512xf32> to vector<1x512xf32>
    %mul3A_500 = arith.mulf %slice3A_498, %slice3A_499 : vector<1x512xf32>
    %add3A_501 = arith.addf %add3A_497, %mul3A_500 : vector<1x512xf32>
    %slice3A_502 = vector.extract_strided_slice %convert_element_type3A_438 {offsets = [13, 0], sizes = [1, 512], strides = [1, 1]} : vector<16x512xf32> to vector<1x512xf32>
    %slice3A_503 = vector.extract_strided_slice %convert_element_type3A_446 {offsets = [13, 0], sizes = [1, 512], strides = [1, 1]} : vector<16x512xf32> to vector<1x512xf32>
    %mul3A_504 = arith.mulf %slice3A_502, %slice3A_503 : vector<1x512xf32>
    %add3A_505 = arith.addf %add3A_501, %mul3A_504 : vector<1x512xf32>
    %slice3A_506 = vector.extract_strided_slice %convert_element_type3A_438 {offsets = [14, 0], sizes = [1, 512], strides = [1, 1]} : vector<16x512xf32> to vector<1x512xf32>
    %slice3A_507 = vector.extract_strided_slice %convert_element_type3A_446 {offsets = [14, 0], sizes = [1, 512], strides = [1, 1]} : vector<16x512xf32> to vector<1x512xf32>
    %mul3A_508 = arith.mulf %slice3A_506, %slice3A_507 : vector<1x512xf32>
    %add3A_509 = arith.addf %add3A_505, %mul3A_508 : vector<1x512xf32>
    %slice3A_510 = vector.extract_strided_slice %convert_element_type3A_438 {offsets = [15, 0], sizes = [1, 512], strides = [1, 1]} : vector<16x512xf32> to vector<1x512xf32>
    %slice3A_511 = vector.extract_strided_slice %convert_element_type3A_446 {offsets = [15, 0], sizes = [1, 512], strides = [1, 1]} : vector<16x512xf32> to vector<1x512xf32>
    %mul3A_512 = arith.mulf %slice3A_510, %slice3A_511 : vector<1x512xf32>
    %add3A_513 = arith.addf %add3A_509, %mul3A_512 : vector<1x512xf32>
    %div3A_514 = arith.divf %add3A_513, %add3A_414 : vector<1x512xf32>
    %slice3A_515 = vector.extract_strided_slice %convert_element_type3A_438 {offsets = [0, 0], sizes = [1, 512], strides = [1, 1]} : vector<16x512xf32> to vector<1x512xf32>
    %slice3A_516 = vector.extract_strided_slice %convert_element_type3A_448 {offsets = [0, 0], sizes = [1, 512], strides = [1, 1]} : vector<16x512xf32> to vector<1x512xf32>
    %mul3A_517 = arith.mulf %slice3A_515, %slice3A_516 : vector<1x512xf32>
    %slice3A_518 = vector.extract_strided_slice %convert_element_type3A_438 {offsets = [1, 0], sizes = [1, 512], strides = [1, 1]} : vector<16x512xf32> to vector<1x512xf32>
    %slice3A_519 = vector.extract_strided_slice %convert_element_type3A_448 {offsets = [1, 0], sizes = [1, 512], strides = [1, 1]} : vector<16x512xf32> to vector<1x512xf32>
    %mul3A_520 = arith.mulf %slice3A_518, %slice3A_519 : vector<1x512xf32>
    %add3A_521 = arith.addf %mul3A_517, %mul3A_520 : vector<1x512xf32>
    %slice3A_522 = vector.extract_strided_slice %convert_element_type3A_438 {offsets = [2, 0], sizes = [1, 512], strides = [1, 1]} : vector<16x512xf32> to vector<1x512xf32>
    %slice3A_523 = vector.extract_strided_slice %convert_element_type3A_448 {offsets = [2, 0], sizes = [1, 512], strides = [1, 1]} : vector<16x512xf32> to vector<1x512xf32>
    %mul3A_524 = arith.mulf %slice3A_522, %slice3A_523 : vector<1x512xf32>
    %add3A_525 = arith.addf %add3A_521, %mul3A_524 : vector<1x512xf32>
    %slice3A_526 = vector.extract_strided_slice %convert_element_type3A_438 {offsets = [3, 0], sizes = [1, 512], strides = [1, 1]} : vector<16x512xf32> to vector<1x512xf32>
    %slice3A_527 = vector.extract_strided_slice %convert_element_type3A_448 {offsets = [3, 0], sizes = [1, 512], strides = [1, 1]} : vector<16x512xf32> to vector<1x512xf32>
    %mul3A_528 = arith.mulf %slice3A_526, %slice3A_527 : vector<1x512xf32>
    %add3A_529 = arith.addf %add3A_525, %mul3A_528 : vector<1x512xf32>
    %slice3A_530 = vector.extract_strided_slice %convert_element_type3A_438 {offsets = [4, 0], sizes = [1, 512], strides = [1, 1]} : vector<16x512xf32> to vector<1x512xf32>
    %slice3A_531 = vector.extract_strided_slice %convert_element_type3A_448 {offsets = [4, 0], sizes = [1, 512], strides = [1, 1]} : vector<16x512xf32> to vector<1x512xf32>
    %mul3A_532 = arith.mulf %slice3A_530, %slice3A_531 : vector<1x512xf32>
    %add3A_533 = arith.addf %add3A_529, %mul3A_532 : vector<1x512xf32>
    %slice3A_534 = vector.extract_strided_slice %convert_element_type3A_438 {offsets = [5, 0], sizes = [1, 512], strides = [1, 1]} : vector<16x512xf32> to vector<1x512xf32>
    %slice3A_535 = vector.extract_strided_slice %convert_element_type3A_448 {offsets = [5, 0], sizes = [1, 512], strides = [1, 1]} : vector<16x512xf32> to vector<1x512xf32>
    %mul3A_536 = arith.mulf %slice3A_534, %slice3A_535 : vector<1x512xf32>
    %add3A_537 = arith.addf %add3A_533, %mul3A_536 : vector<1x512xf32>
    %slice3A_538 = vector.extract_strided_slice %convert_element_type3A_438 {offsets = [6, 0], sizes = [1, 512], strides = [1, 1]} : vector<16x512xf32> to vector<1x512xf32>
    %slice3A_539 = vector.extract_strided_slice %convert_element_type3A_448 {offsets = [6, 0], sizes = [1, 512], strides = [1, 1]} : vector<16x512xf32> to vector<1x512xf32>
    %mul3A_540 = arith.mulf %slice3A_538, %slice3A_539 : vector<1x512xf32>
    %add3A_541 = arith.addf %add3A_537, %mul3A_540 : vector<1x512xf32>
    %slice3A_542 = vector.extract_strided_slice %convert_element_type3A_438 {offsets = [7, 0], sizes = [1, 512], strides = [1, 1]} : vector<16x512xf32> to vector<1x512xf32>
    %slice3A_543 = vector.extract_strided_slice %convert_element_type3A_448 {offsets = [7, 0], sizes = [1, 512], strides = [1, 1]} : vector<16x512xf32> to vector<1x512xf32>
    %mul3A_544 = arith.mulf %slice3A_542, %slice3A_543 : vector<1x512xf32>
    %add3A_545 = arith.addf %add3A_541, %mul3A_544 : vector<1x512xf32>
    %slice3A_546 = vector.extract_strided_slice %convert_element_type3A_438 {offsets = [8, 0], sizes = [1, 512], strides = [1, 1]} : vector<16x512xf32> to vector<1x512xf32>
    %slice3A_547 = vector.extract_strided_slice %convert_element_type3A_448 {offsets = [8, 0], sizes = [1, 512], strides = [1, 1]} : vector<16x512xf32> to vector<1x512xf32>
    %mul3A_548 = arith.mulf %slice3A_546, %slice3A_547 : vector<1x512xf32>
    %add3A_549 = arith.addf %add3A_545, %mul3A_548 : vector<1x512xf32>
    %slice3A_550 = vector.extract_strided_slice %convert_element_type3A_438 {offsets = [9, 0], sizes = [1, 512], strides = [1, 1]} : vector<16x512xf32> to vector<1x512xf32>
    %slice3A_551 = vector.extract_strided_slice %convert_element_type3A_448 {offsets = [9, 0], sizes = [1, 512], strides = [1, 1]} : vector<16x512xf32> to vector<1x512xf32>
    %mul3A_552 = arith.mulf %slice3A_550, %slice3A_551 : vector<1x512xf32>
    %add3A_553 = arith.addf %add3A_549, %mul3A_552 : vector<1x512xf32>
    %slice3A_554 = vector.extract_strided_slice %convert_element_type3A_438 {offsets = [10, 0], sizes = [1, 512], strides = [1, 1]} : vector<16x512xf32> to vector<1x512xf32>
    %slice3A_555 = vector.extract_strided_slice %convert_element_type3A_448 {offsets = [10, 0], sizes = [1, 512], strides = [1, 1]} : vector<16x512xf32> to vector<1x512xf32>
    %mul3A_556 = arith.mulf %slice3A_554, %slice3A_555 : vector<1x512xf32>
    %add3A_557 = arith.addf %add3A_553, %mul3A_556 : vector<1x512xf32>
    %slice3A_558 = vector.extract_strided_slice %convert_element_type3A_438 {offsets = [11, 0], sizes = [1, 512], strides = [1, 1]} : vector<16x512xf32> to vector<1x512xf32>
    %slice3A_559 = vector.extract_strided_slice %convert_element_type3A_448 {offsets = [11, 0], sizes = [1, 512], strides = [1, 1]} : vector<16x512xf32> to vector<1x512xf32>
    %mul3A_560 = arith.mulf %slice3A_558, %slice3A_559 : vector<1x512xf32>
    %add3A_561 = arith.addf %add3A_557, %mul3A_560 : vector<1x512xf32>
    %slice3A_562 = vector.extract_strided_slice %convert_element_type3A_438 {offsets = [12, 0], sizes = [1, 512], strides = [1, 1]} : vector<16x512xf32> to vector<1x512xf32>
    %slice3A_563 = vector.extract_strided_slice %convert_element_type3A_448 {offsets = [12, 0], sizes = [1, 512], strides = [1, 1]} : vector<16x512xf32> to vector<1x512xf32>
    %mul3A_564 = arith.mulf %slice3A_562, %slice3A_563 : vector<1x512xf32>
    %add3A_565 = arith.addf %add3A_561, %mul3A_564 : vector<1x512xf32>
    %slice3A_566 = vector.extract_strided_slice %convert_element_type3A_438 {offsets = [13, 0], sizes = [1, 512], strides = [1, 1]} : vector<16x512xf32> to vector<1x512xf32>
    %slice3A_567 = vector.extract_strided_slice %convert_element_type3A_448 {offsets = [13, 0], sizes = [1, 512], strides = [1, 1]} : vector<16x512xf32> to vector<1x512xf32>
    %mul3A_568 = arith.mulf %slice3A_566, %slice3A_567 : vector<1x512xf32>
    %add3A_569 = arith.addf %add3A_565, %mul3A_568 : vector<1x512xf32>
    %slice3A_570 = vector.extract_strided_slice %convert_element_type3A_438 {offsets = [14, 0], sizes = [1, 512], strides = [1, 1]} : vector<16x512xf32> to vector<1x512xf32>
    %slice3A_571 = vector.extract_strided_slice %convert_element_type3A_448 {offsets = [14, 0], sizes = [1, 512], strides = [1, 1]} : vector<16x512xf32> to vector<1x512xf32>
    %mul3A_572 = arith.mulf %slice3A_570, %slice3A_571 : vector<1x512xf32>
    %add3A_573 = arith.addf %add3A_569, %mul3A_572 : vector<1x512xf32>
    %slice3A_574 = vector.extract_strided_slice %convert_element_type3A_438 {offsets = [15, 0], sizes = [1, 512], strides = [1, 1]} : vector<16x512xf32> to vector<1x512xf32>
    %slice3A_575 = vector.extract_strided_slice %convert_element_type3A_448 {offsets = [15, 0], sizes = [1, 512], strides = [1, 1]} : vector<16x512xf32> to vector<1x512xf32>
    %mul3A_576 = arith.mulf %slice3A_574, %slice3A_575 : vector<1x512xf32>
    %add3A_577 = arith.addf %add3A_573, %mul3A_576 : vector<1x512xf32>
    %div3A_578 = arith.divf %add3A_577, %add3A_414 : vector<1x512xf32>
    %slice3A_579 = vector.extract_strided_slice %convert_element_type3A_438 {offsets = [0, 0], sizes = [1, 512], strides = [1, 1]} : vector<16x512xf32> to vector<1x512xf32>
    %slice3A_580 = vector.extract_strided_slice %convert_element_type3A_450 {offsets = [0, 0], sizes = [1, 512], strides = [1, 1]} : vector<16x512xf32> to vector<1x512xf32>
    %mul3A_581 = arith.mulf %slice3A_579, %slice3A_580 : vector<1x512xf32>
    %slice3A_582 = vector.extract_strided_slice %convert_element_type3A_438 {offsets = [1, 0], sizes = [1, 512], strides = [1, 1]} : vector<16x512xf32> to vector<1x512xf32>
    %slice3A_583 = vector.extract_strided_slice %convert_element_type3A_450 {offsets = [1, 0], sizes = [1, 512], strides = [1, 1]} : vector<16x512xf32> to vector<1x512xf32>
    %mul3A_584 = arith.mulf %slice3A_582, %slice3A_583 : vector<1x512xf32>
    %add3A_585 = arith.addf %mul3A_581, %mul3A_584 : vector<1x512xf32>
    %slice3A_586 = vector.extract_strided_slice %convert_element_type3A_438 {offsets = [2, 0], sizes = [1, 512], strides = [1, 1]} : vector<16x512xf32> to vector<1x512xf32>
    %slice3A_587 = vector.extract_strided_slice %convert_element_type3A_450 {offsets = [2, 0], sizes = [1, 512], strides = [1, 1]} : vector<16x512xf32> to vector<1x512xf32>
    %mul3A_588 = arith.mulf %slice3A_586, %slice3A_587 : vector<1x512xf32>
    %add3A_589 = arith.addf %add3A_585, %mul3A_588 : vector<1x512xf32>
    %slice3A_590 = vector.extract_strided_slice %convert_element_type3A_438 {offsets = [3, 0], sizes = [1, 512], strides = [1, 1]} : vector<16x512xf32> to vector<1x512xf32>
    %slice3A_591 = vector.extract_strided_slice %convert_element_type3A_450 {offsets = [3, 0], sizes = [1, 512], strides = [1, 1]} : vector<16x512xf32> to vector<1x512xf32>
    %mul3A_592 = arith.mulf %slice3A_590, %slice3A_591 : vector<1x512xf32>
    %add3A_593 = arith.addf %add3A_589, %mul3A_592 : vector<1x512xf32>
    %slice3A_594 = vector.extract_strided_slice %convert_element_type3A_438 {offsets = [4, 0], sizes = [1, 512], strides = [1, 1]} : vector<16x512xf32> to vector<1x512xf32>
    %slice3A_595 = vector.extract_strided_slice %convert_element_type3A_450 {offsets = [4, 0], sizes = [1, 512], strides = [1, 1]} : vector<16x512xf32> to vector<1x512xf32>
    %mul3A_596 = arith.mulf %slice3A_594, %slice3A_595 : vector<1x512xf32>
    %add3A_597 = arith.addf %add3A_593, %mul3A_596 : vector<1x512xf32>
    %slice3A_598 = vector.extract_strided_slice %convert_element_type3A_438 {offsets = [5, 0], sizes = [1, 512], strides = [1, 1]} : vector<16x512xf32> to vector<1x512xf32>
    %slice3A_599 = vector.extract_strided_slice %convert_element_type3A_450 {offsets = [5, 0], sizes = [1, 512], strides = [1, 1]} : vector<16x512xf32> to vector<1x512xf32>
    %mul3A_600 = arith.mulf %slice3A_598, %slice3A_599 : vector<1x512xf32>
    %add3A_601 = arith.addf %add3A_597, %mul3A_600 : vector<1x512xf32>
    %slice3A_602 = vector.extract_strided_slice %convert_element_type3A_438 {offsets = [6, 0], sizes = [1, 512], strides = [1, 1]} : vector<16x512xf32> to vector<1x512xf32>
    %slice3A_603 = vector.extract_strided_slice %convert_element_type3A_450 {offsets = [6, 0], sizes = [1, 512], strides = [1, 1]} : vector<16x512xf32> to vector<1x512xf32>
    %mul3A_604 = arith.mulf %slice3A_602, %slice3A_603 : vector<1x512xf32>
    %add3A_605 = arith.addf %add3A_601, %mul3A_604 : vector<1x512xf32>
    %slice3A_606 = vector.extract_strided_slice %convert_element_type3A_438 {offsets = [7, 0], sizes = [1, 512], strides = [1, 1]} : vector<16x512xf32> to vector<1x512xf32>
    %slice3A_607 = vector.extract_strided_slice %convert_element_type3A_450 {offsets = [7, 0], sizes = [1, 512], strides = [1, 1]} : vector<16x512xf32> to vector<1x512xf32>
    %mul3A_608 = arith.mulf %slice3A_606, %slice3A_607 : vector<1x512xf32>
    %add3A_609 = arith.addf %add3A_605, %mul3A_608 : vector<1x512xf32>
    %slice3A_610 = vector.extract_strided_slice %convert_element_type3A_438 {offsets = [8, 0], sizes = [1, 512], strides = [1, 1]} : vector<16x512xf32> to vector<1x512xf32>
    %slice3A_611 = vector.extract_strided_slice %convert_element_type3A_450 {offsets = [8, 0], sizes = [1, 512], strides = [1, 1]} : vector<16x512xf32> to vector<1x512xf32>
    %mul3A_612 = arith.mulf %slice3A_610, %slice3A_611 : vector<1x512xf32>
    %add3A_613 = arith.addf %add3A_609, %mul3A_612 : vector<1x512xf32>
    %slice3A_614 = vector.extract_strided_slice %convert_element_type3A_438 {offsets = [9, 0], sizes = [1, 512], strides = [1, 1]} : vector<16x512xf32> to vector<1x512xf32>
    %slice3A_615 = vector.extract_strided_slice %convert_element_type3A_450 {offsets = [9, 0], sizes = [1, 512], strides = [1, 1]} : vector<16x512xf32> to vector<1x512xf32>
    %mul3A_616 = arith.mulf %slice3A_614, %slice3A_615 : vector<1x512xf32>
    %add3A_617 = arith.addf %add3A_613, %mul3A_616 : vector<1x512xf32>
    %slice3A_618 = vector.extract_strided_slice %convert_element_type3A_438 {offsets = [10, 0], sizes = [1, 512], strides = [1, 1]} : vector<16x512xf32> to vector<1x512xf32>
    %slice3A_619 = vector.extract_strided_slice %convert_element_type3A_450 {offsets = [10, 0], sizes = [1, 512], strides = [1, 1]} : vector<16x512xf32> to vector<1x512xf32>
    %mul3A_620 = arith.mulf %slice3A_618, %slice3A_619 : vector<1x512xf32>
    %add3A_621 = arith.addf %add3A_617, %mul3A_620 : vector<1x512xf32>
    %slice3A_622 = vector.extract_strided_slice %convert_element_type3A_438 {offsets = [11, 0], sizes = [1, 512], strides = [1, 1]} : vector<16x512xf32> to vector<1x512xf32>
    %slice3A_623 = vector.extract_strided_slice %convert_element_type3A_450 {offsets = [11, 0], sizes = [1, 512], strides = [1, 1]} : vector<16x512xf32> to vector<1x512xf32>
    %mul3A_624 = arith.mulf %slice3A_622, %slice3A_623 : vector<1x512xf32>
    %add3A_625 = arith.addf %add3A_621, %mul3A_624 : vector<1x512xf32>
    %slice3A_626 = vector.extract_strided_slice %convert_element_type3A_438 {offsets = [12, 0], sizes = [1, 512], strides = [1, 1]} : vector<16x512xf32> to vector<1x512xf32>
    %slice3A_627 = vector.extract_strided_slice %convert_element_type3A_450 {offsets = [12, 0], sizes = [1, 512], strides = [1, 1]} : vector<16x512xf32> to vector<1x512xf32>
    %mul3A_628 = arith.mulf %slice3A_626, %slice3A_627 : vector<1x512xf32>
    %add3A_629 = arith.addf %add3A_625, %mul3A_628 : vector<1x512xf32>
    %slice3A_630 = vector.extract_strided_slice %convert_element_type3A_438 {offsets = [13, 0], sizes = [1, 512], strides = [1, 1]} : vector<16x512xf32> to vector<1x512xf32>
    %slice3A_631 = vector.extract_strided_slice %convert_element_type3A_450 {offsets = [13, 0], sizes = [1, 512], strides = [1, 1]} : vector<16x512xf32> to vector<1x512xf32>
    %mul3A_632 = arith.mulf %slice3A_630, %slice3A_631 : vector<1x512xf32>
    %add3A_633 = arith.addf %add3A_629, %mul3A_632 : vector<1x512xf32>
    %slice3A_634 = vector.extract_strided_slice %convert_element_type3A_438 {offsets = [14, 0], sizes = [1, 512], strides = [1, 1]} : vector<16x512xf32> to vector<1x512xf32>
    %slice3A_635 = vector.extract_strided_slice %convert_element_type3A_450 {offsets = [14, 0], sizes = [1, 512], strides = [1, 1]} : vector<16x512xf32> to vector<1x512xf32>
    %mul3A_636 = arith.mulf %slice3A_634, %slice3A_635 : vector<1x512xf32>
    %add3A_637 = arith.addf %add3A_633, %mul3A_636 : vector<1x512xf32>
    %slice3A_638 = vector.extract_strided_slice %convert_element_type3A_438 {offsets = [15, 0], sizes = [1, 512], strides = [1, 1]} : vector<16x512xf32> to vector<1x512xf32>
    %slice3A_639 = vector.extract_strided_slice %convert_element_type3A_450 {offsets = [15, 0], sizes = [1, 512], strides = [1, 1]} : vector<16x512xf32> to vector<1x512xf32>
    %mul3A_640 = arith.mulf %slice3A_638, %slice3A_639 : vector<1x512xf32>
    %add3A_641 = arith.addf %add3A_637, %mul3A_640 : vector<1x512xf32>
    %div3A_642 = arith.divf %add3A_641, %add3A_414 : vector<1x512xf32>
    %slice3A_643 = vector.extract_strided_slice %convert_element_type3A_441 {offsets = [0, 0], sizes = [1, 512], strides = [1, 1]} : vector<16x512xf32> to vector<1x512xf32>
    %slice3A_644 = vector.extract_strided_slice %convert_element_type3A_448 {offsets = [0, 0], sizes = [1, 512], strides = [1, 1]} : vector<16x512xf32> to vector<1x512xf32>
    %mul3A_645 = arith.mulf %slice3A_643, %slice3A_644 : vector<1x512xf32>
    %slice3A_646 = vector.extract_strided_slice %convert_element_type3A_441 {offsets = [1, 0], sizes = [1, 512], strides = [1, 1]} : vector<16x512xf32> to vector<1x512xf32>
    %slice3A_647 = vector.extract_strided_slice %convert_element_type3A_448 {offsets = [1, 0], sizes = [1, 512], strides = [1, 1]} : vector<16x512xf32> to vector<1x512xf32>
    %mul3A_648 = arith.mulf %slice3A_646, %slice3A_647 : vector<1x512xf32>
    %add3A_649 = arith.addf %mul3A_645, %mul3A_648 : vector<1x512xf32>
    %slice3A_650 = vector.extract_strided_slice %convert_element_type3A_441 {offsets = [2, 0], sizes = [1, 512], strides = [1, 1]} : vector<16x512xf32> to vector<1x512xf32>
    %slice3A_651 = vector.extract_strided_slice %convert_element_type3A_448 {offsets = [2, 0], sizes = [1, 512], strides = [1, 1]} : vector<16x512xf32> to vector<1x512xf32>
    %mul3A_652 = arith.mulf %slice3A_650, %slice3A_651 : vector<1x512xf32>
    %add3A_653 = arith.addf %add3A_649, %mul3A_652 : vector<1x512xf32>
    %slice3A_654 = vector.extract_strided_slice %convert_element_type3A_441 {offsets = [3, 0], sizes = [1, 512], strides = [1, 1]} : vector<16x512xf32> to vector<1x512xf32>
    %slice3A_655 = vector.extract_strided_slice %convert_element_type3A_448 {offsets = [3, 0], sizes = [1, 512], strides = [1, 1]} : vector<16x512xf32> to vector<1x512xf32>
    %mul3A_656 = arith.mulf %slice3A_654, %slice3A_655 : vector<1x512xf32>
    %add3A_657 = arith.addf %add3A_653, %mul3A_656 : vector<1x512xf32>
    %slice3A_658 = vector.extract_strided_slice %convert_element_type3A_441 {offsets = [4, 0], sizes = [1, 512], strides = [1, 1]} : vector<16x512xf32> to vector<1x512xf32>
    %slice3A_659 = vector.extract_strided_slice %convert_element_type3A_448 {offsets = [4, 0], sizes = [1, 512], strides = [1, 1]} : vector<16x512xf32> to vector<1x512xf32>
    %mul3A_660 = arith.mulf %slice3A_658, %slice3A_659 : vector<1x512xf32>
    %add3A_661 = arith.addf %add3A_657, %mul3A_660 : vector<1x512xf32>
    %slice3A_662 = vector.extract_strided_slice %convert_element_type3A_441 {offsets = [5, 0], sizes = [1, 512], strides = [1, 1]} : vector<16x512xf32> to vector<1x512xf32>
    %slice3A_663 = vector.extract_strided_slice %convert_element_type3A_448 {offsets = [5, 0], sizes = [1, 512], strides = [1, 1]} : vector<16x512xf32> to vector<1x512xf32>
    %mul3A_664 = arith.mulf %slice3A_662, %slice3A_663 : vector<1x512xf32>
    %add3A_665 = arith.addf %add3A_661, %mul3A_664 : vector<1x512xf32>
    %slice3A_666 = vector.extract_strided_slice %convert_element_type3A_441 {offsets = [6, 0], sizes = [1, 512], strides = [1, 1]} : vector<16x512xf32> to vector<1x512xf32>
    %slice3A_667 = vector.extract_strided_slice %convert_element_type3A_448 {offsets = [6, 0], sizes = [1, 512], strides = [1, 1]} : vector<16x512xf32> to vector<1x512xf32>
    %mul3A_668 = arith.mulf %slice3A_666, %slice3A_667 : vector<1x512xf32>
    %add3A_669 = arith.addf %add3A_665, %mul3A_668 : vector<1x512xf32>
    %slice3A_670 = vector.extract_strided_slice %convert_element_type3A_441 {offsets = [7, 0], sizes = [1, 512], strides = [1, 1]} : vector<16x512xf32> to vector<1x512xf32>
    %slice3A_671 = vector.extract_strided_slice %convert_element_type3A_448 {offsets = [7, 0], sizes = [1, 512], strides = [1, 1]} : vector<16x512xf32> to vector<1x512xf32>
    %mul3A_672 = arith.mulf %slice3A_670, %slice3A_671 : vector<1x512xf32>
    %add3A_673 = arith.addf %add3A_669, %mul3A_672 : vector<1x512xf32>
    %slice3A_674 = vector.extract_strided_slice %convert_element_type3A_441 {offsets = [8, 0], sizes = [1, 512], strides = [1, 1]} : vector<16x512xf32> to vector<1x512xf32>
    %slice3A_675 = vector.extract_strided_slice %convert_element_type3A_448 {offsets = [8, 0], sizes = [1, 512], strides = [1, 1]} : vector<16x512xf32> to vector<1x512xf32>
    %mul3A_676 = arith.mulf %slice3A_674, %slice3A_675 : vector<1x512xf32>
    %add3A_677 = arith.addf %add3A_673, %mul3A_676 : vector<1x512xf32>
    %slice3A_678 = vector.extract_strided_slice %convert_element_type3A_441 {offsets = [9, 0], sizes = [1, 512], strides = [1, 1]} : vector<16x512xf32> to vector<1x512xf32>
    %slice3A_679 = vector.extract_strided_slice %convert_element_type3A_448 {offsets = [9, 0], sizes = [1, 512], strides = [1, 1]} : vector<16x512xf32> to vector<1x512xf32>
    %mul3A_680 = arith.mulf %slice3A_678, %slice3A_679 : vector<1x512xf32>
    %add3A_681 = arith.addf %add3A_677, %mul3A_680 : vector<1x512xf32>
    %slice3A_682 = vector.extract_strided_slice %convert_element_type3A_441 {offsets = [10, 0], sizes = [1, 512], strides = [1, 1]} : vector<16x512xf32> to vector<1x512xf32>
    %slice3A_683 = vector.extract_strided_slice %convert_element_type3A_448 {offsets = [10, 0], sizes = [1, 512], strides = [1, 1]} : vector<16x512xf32> to vector<1x512xf32>
    %mul3A_684 = arith.mulf %slice3A_682, %slice3A_683 : vector<1x512xf32>
    %add3A_685 = arith.addf %add3A_681, %mul3A_684 : vector<1x512xf32>
    %slice3A_686 = vector.extract_strided_slice %convert_element_type3A_441 {offsets = [11, 0], sizes = [1, 512], strides = [1, 1]} : vector<16x512xf32> to vector<1x512xf32>
    %slice3A_687 = vector.extract_strided_slice %convert_element_type3A_448 {offsets = [11, 0], sizes = [1, 512], strides = [1, 1]} : vector<16x512xf32> to vector<1x512xf32>
    %mul3A_688 = arith.mulf %slice3A_686, %slice3A_687 : vector<1x512xf32>
    %add3A_689 = arith.addf %add3A_685, %mul3A_688 : vector<1x512xf32>
    %slice3A_690 = vector.extract_strided_slice %convert_element_type3A_441 {offsets = [12, 0], sizes = [1, 512], strides = [1, 1]} : vector<16x512xf32> to vector<1x512xf32>
    %slice3A_691 = vector.extract_strided_slice %convert_element_type3A_448 {offsets = [12, 0], sizes = [1, 512], strides = [1, 1]} : vector<16x512xf32> to vector<1x512xf32>
    %mul3A_692 = arith.mulf %slice3A_690, %slice3A_691 : vector<1x512xf32>
    %add3A_693 = arith.addf %add3A_689, %mul3A_692 : vector<1x512xf32>
    %slice3A_694 = vector.extract_strided_slice %convert_element_type3A_441 {offsets = [13, 0], sizes = [1, 512], strides = [1, 1]} : vector<16x512xf32> to vector<1x512xf32>
    %slice3A_695 = vector.extract_strided_slice %convert_element_type3A_448 {offsets = [13, 0], sizes = [1, 512], strides = [1, 1]} : vector<16x512xf32> to vector<1x512xf32>
    %mul3A_696 = arith.mulf %slice3A_694, %slice3A_695 : vector<1x512xf32>
    %add3A_697 = arith.addf %add3A_693, %mul3A_696 : vector<1x512xf32>
    %slice3A_698 = vector.extract_strided_slice %convert_element_type3A_441 {offsets = [14, 0], sizes = [1, 512], strides = [1, 1]} : vector<16x512xf32> to vector<1x512xf32>
    %slice3A_699 = vector.extract_strided_slice %convert_element_type3A_448 {offsets = [14, 0], sizes = [1, 512], strides = [1, 1]} : vector<16x512xf32> to vector<1x512xf32>
    %mul3A_700 = arith.mulf %slice3A_698, %slice3A_699 : vector<1x512xf32>
    %add3A_701 = arith.addf %add3A_697, %mul3A_700 : vector<1x512xf32>
    %slice3A_702 = vector.extract_strided_slice %convert_element_type3A_441 {offsets = [15, 0], sizes = [1, 512], strides = [1, 1]} : vector<16x512xf32> to vector<1x512xf32>
    %slice3A_703 = vector.extract_strided_slice %convert_element_type3A_448 {offsets = [15, 0], sizes = [1, 512], strides = [1, 1]} : vector<16x512xf32> to vector<1x512xf32>
    %mul3A_704 = arith.mulf %slice3A_702, %slice3A_703 : vector<1x512xf32>
    %add3A_705 = arith.addf %add3A_701, %mul3A_704 : vector<1x512xf32>
    %div3A_706 = arith.divf %add3A_705, %add3A_414 : vector<1x512xf32>
    %slice3A_707 = vector.extract_strided_slice %convert_element_type3A_441 {offsets = [0, 0], sizes = [1, 512], strides = [1, 1]} : vector<16x512xf32> to vector<1x512xf32>
    %slice3A_708 = vector.extract_strided_slice %convert_element_type3A_450 {offsets = [0, 0], sizes = [1, 512], strides = [1, 1]} : vector<16x512xf32> to vector<1x512xf32>
    %mul3A_709 = arith.mulf %slice3A_707, %slice3A_708 : vector<1x512xf32>
    %slice3A_710 = vector.extract_strided_slice %convert_element_type3A_441 {offsets = [1, 0], sizes = [1, 512], strides = [1, 1]} : vector<16x512xf32> to vector<1x512xf32>
    %slice3A_711 = vector.extract_strided_slice %convert_element_type3A_450 {offsets = [1, 0], sizes = [1, 512], strides = [1, 1]} : vector<16x512xf32> to vector<1x512xf32>
    %mul3A_712 = arith.mulf %slice3A_710, %slice3A_711 : vector<1x512xf32>
    %add3A_713 = arith.addf %mul3A_709, %mul3A_712 : vector<1x512xf32>
    %slice3A_714 = vector.extract_strided_slice %convert_element_type3A_441 {offsets = [2, 0], sizes = [1, 512], strides = [1, 1]} : vector<16x512xf32> to vector<1x512xf32>
    %slice3A_715 = vector.extract_strided_slice %convert_element_type3A_450 {offsets = [2, 0], sizes = [1, 512], strides = [1, 1]} : vector<16x512xf32> to vector<1x512xf32>
    %mul3A_716 = arith.mulf %slice3A_714, %slice3A_715 : vector<1x512xf32>
    %add3A_717 = arith.addf %add3A_713, %mul3A_716 : vector<1x512xf32>
    %slice3A_718 = vector.extract_strided_slice %convert_element_type3A_441 {offsets = [3, 0], sizes = [1, 512], strides = [1, 1]} : vector<16x512xf32> to vector<1x512xf32>
    %slice3A_719 = vector.extract_strided_slice %convert_element_type3A_450 {offsets = [3, 0], sizes = [1, 512], strides = [1, 1]} : vector<16x512xf32> to vector<1x512xf32>
    %mul3A_720 = arith.mulf %slice3A_718, %slice3A_719 : vector<1x512xf32>
    %add3A_721 = arith.addf %add3A_717, %mul3A_720 : vector<1x512xf32>
    %slice3A_722 = vector.extract_strided_slice %convert_element_type3A_441 {offsets = [4, 0], sizes = [1, 512], strides = [1, 1]} : vector<16x512xf32> to vector<1x512xf32>
    %slice3A_723 = vector.extract_strided_slice %convert_element_type3A_450 {offsets = [4, 0], sizes = [1, 512], strides = [1, 1]} : vector<16x512xf32> to vector<1x512xf32>
    %mul3A_724 = arith.mulf %slice3A_722, %slice3A_723 : vector<1x512xf32>
    %add3A_725 = arith.addf %add3A_721, %mul3A_724 : vector<1x512xf32>
    %slice3A_726 = vector.extract_strided_slice %convert_element_type3A_441 {offsets = [5, 0], sizes = [1, 512], strides = [1, 1]} : vector<16x512xf32> to vector<1x512xf32>
    %slice3A_727 = vector.extract_strided_slice %convert_element_type3A_450 {offsets = [5, 0], sizes = [1, 512], strides = [1, 1]} : vector<16x512xf32> to vector<1x512xf32>
    %mul3A_728 = arith.mulf %slice3A_726, %slice3A_727 : vector<1x512xf32>
    %add3A_729 = arith.addf %add3A_725, %mul3A_728 : vector<1x512xf32>
    %slice3A_730 = vector.extract_strided_slice %convert_element_type3A_441 {offsets = [6, 0], sizes = [1, 512], strides = [1, 1]} : vector<16x512xf32> to vector<1x512xf32>
    %slice3A_731 = vector.extract_strided_slice %convert_element_type3A_450 {offsets = [6, 0], sizes = [1, 512], strides = [1, 1]} : vector<16x512xf32> to vector<1x512xf32>
    %mul3A_732 = arith.mulf %slice3A_730, %slice3A_731 : vector<1x512xf32>
    %add3A_733 = arith.addf %add3A_729, %mul3A_732 : vector<1x512xf32>
    %slice3A_734 = vector.extract_strided_slice %convert_element_type3A_441 {offsets = [7, 0], sizes = [1, 512], strides = [1, 1]} : vector<16x512xf32> to vector<1x512xf32>
    %slice3A_735 = vector.extract_strided_slice %convert_element_type3A_450 {offsets = [7, 0], sizes = [1, 512], strides = [1, 1]} : vector<16x512xf32> to vector<1x512xf32>
    %mul3A_736 = arith.mulf %slice3A_734, %slice3A_735 : vector<1x512xf32>
    %add3A_737 = arith.addf %add3A_733, %mul3A_736 : vector<1x512xf32>
    %slice3A_738 = vector.extract_strided_slice %convert_element_type3A_441 {offsets = [8, 0], sizes = [1, 512], strides = [1, 1]} : vector<16x512xf32> to vector<1x512xf32>
    %slice3A_739 = vector.extract_strided_slice %convert_element_type3A_450 {offsets = [8, 0], sizes = [1, 512], strides = [1, 1]} : vector<16x512xf32> to vector<1x512xf32>
    %mul3A_740 = arith.mulf %slice3A_738, %slice3A_739 : vector<1x512xf32>
    %add3A_741 = arith.addf %add3A_737, %mul3A_740 : vector<1x512xf32>
    %slice3A_742 = vector.extract_strided_slice %convert_element_type3A_441 {offsets = [9, 0], sizes = [1, 512], strides = [1, 1]} : vector<16x512xf32> to vector<1x512xf32>
    %slice3A_743 = vector.extract_strided_slice %convert_element_type3A_450 {offsets = [9, 0], sizes = [1, 512], strides = [1, 1]} : vector<16x512xf32> to vector<1x512xf32>
    %mul3A_744 = arith.mulf %slice3A_742, %slice3A_743 : vector<1x512xf32>
    %add3A_745 = arith.addf %add3A_741, %mul3A_744 : vector<1x512xf32>
    %slice3A_746 = vector.extract_strided_slice %convert_element_type3A_441 {offsets = [10, 0], sizes = [1, 512], strides = [1, 1]} : vector<16x512xf32> to vector<1x512xf32>
    %slice3A_747 = vector.extract_strided_slice %convert_element_type3A_450 {offsets = [10, 0], sizes = [1, 512], strides = [1, 1]} : vector<16x512xf32> to vector<1x512xf32>
    %mul3A_748 = arith.mulf %slice3A_746, %slice3A_747 : vector<1x512xf32>
    %add3A_749 = arith.addf %add3A_745, %mul3A_748 : vector<1x512xf32>
    %slice3A_750 = vector.extract_strided_slice %convert_element_type3A_441 {offsets = [11, 0], sizes = [1, 512], strides = [1, 1]} : vector<16x512xf32> to vector<1x512xf32>
    %slice3A_751 = vector.extract_strided_slice %convert_element_type3A_450 {offsets = [11, 0], sizes = [1, 512], strides = [1, 1]} : vector<16x512xf32> to vector<1x512xf32>
    %mul3A_752 = arith.mulf %slice3A_750, %slice3A_751 : vector<1x512xf32>
    %add3A_753 = arith.addf %add3A_749, %mul3A_752 : vector<1x512xf32>
    %slice3A_754 = vector.extract_strided_slice %convert_element_type3A_441 {offsets = [12, 0], sizes = [1, 512], strides = [1, 1]} : vector<16x512xf32> to vector<1x512xf32>
    %slice3A_755 = vector.extract_strided_slice %convert_element_type3A_450 {offsets = [12, 0], sizes = [1, 512], strides = [1, 1]} : vector<16x512xf32> to vector<1x512xf32>
    %mul3A_756 = arith.mulf %slice3A_754, %slice3A_755 : vector<1x512xf32>
    %add3A_757 = arith.addf %add3A_753, %mul3A_756 : vector<1x512xf32>
    %slice3A_758 = vector.extract_strided_slice %convert_element_type3A_441 {offsets = [13, 0], sizes = [1, 512], strides = [1, 1]} : vector<16x512xf32> to vector<1x512xf32>
    %slice3A_759 = vector.extract_strided_slice %convert_element_type3A_450 {offsets = [13, 0], sizes = [1, 512], strides = [1, 1]} : vector<16x512xf32> to vector<1x512xf32>
    %mul3A_760 = arith.mulf %slice3A_758, %slice3A_759 : vector<1x512xf32>
    %add3A_761 = arith.addf %add3A_757, %mul3A_760 : vector<1x512xf32>
    %slice3A_762 = vector.extract_strided_slice %convert_element_type3A_441 {offsets = [14, 0], sizes = [1, 512], strides = [1, 1]} : vector<16x512xf32> to vector<1x512xf32>
    %slice3A_763 = vector.extract_strided_slice %convert_element_type3A_450 {offsets = [14, 0], sizes = [1, 512], strides = [1, 1]} : vector<16x512xf32> to vector<1x512xf32>
    %mul3A_764 = arith.mulf %slice3A_762, %slice3A_763 : vector<1x512xf32>
    %add3A_765 = arith.addf %add3A_761, %mul3A_764 : vector<1x512xf32>
    %slice3A_766 = vector.extract_strided_slice %convert_element_type3A_441 {offsets = [15, 0], sizes = [1, 512], strides = [1, 1]} : vector<16x512xf32> to vector<1x512xf32>
    %slice3A_767 = vector.extract_strided_slice %convert_element_type3A_450 {offsets = [15, 0], sizes = [1, 512], strides = [1, 1]} : vector<16x512xf32> to vector<1x512xf32>
    %mul3A_768 = arith.mulf %slice3A_766, %slice3A_767 : vector<1x512xf32>
    %add3A_769 = arith.addf %add3A_765, %mul3A_768 : vector<1x512xf32>
    %div3A_770 = arith.divf %add3A_769, %add3A_414 : vector<1x512xf32>
    %slice3A_771 = vector.extract_strided_slice %convert_element_type3A_444 {offsets = [0, 0], sizes = [1, 512], strides = [1, 1]} : vector<16x512xf32> to vector<1x512xf32>
    %slice3A_772 = vector.extract_strided_slice %convert_element_type3A_450 {offsets = [0, 0], sizes = [1, 512], strides = [1, 1]} : vector<16x512xf32> to vector<1x512xf32>
    %mul3A_773 = arith.mulf %slice3A_771, %slice3A_772 : vector<1x512xf32>
    %slice3A_774 = vector.extract_strided_slice %convert_element_type3A_444 {offsets = [1, 0], sizes = [1, 512], strides = [1, 1]} : vector<16x512xf32> to vector<1x512xf32>
    %slice3A_775 = vector.extract_strided_slice %convert_element_type3A_450 {offsets = [1, 0], sizes = [1, 512], strides = [1, 1]} : vector<16x512xf32> to vector<1x512xf32>
    %mul3A_776 = arith.mulf %slice3A_774, %slice3A_775 : vector<1x512xf32>
    %add3A_777 = arith.addf %mul3A_773, %mul3A_776 : vector<1x512xf32>
    %slice3A_778 = vector.extract_strided_slice %convert_element_type3A_444 {offsets = [2, 0], sizes = [1, 512], strides = [1, 1]} : vector<16x512xf32> to vector<1x512xf32>
    %slice3A_779 = vector.extract_strided_slice %convert_element_type3A_450 {offsets = [2, 0], sizes = [1, 512], strides = [1, 1]} : vector<16x512xf32> to vector<1x512xf32>
    %mul3A_780 = arith.mulf %slice3A_778, %slice3A_779 : vector<1x512xf32>
    %add3A_781 = arith.addf %add3A_777, %mul3A_780 : vector<1x512xf32>
    %slice3A_782 = vector.extract_strided_slice %convert_element_type3A_444 {offsets = [3, 0], sizes = [1, 512], strides = [1, 1]} : vector<16x512xf32> to vector<1x512xf32>
    %slice3A_783 = vector.extract_strided_slice %convert_element_type3A_450 {offsets = [3, 0], sizes = [1, 512], strides = [1, 1]} : vector<16x512xf32> to vector<1x512xf32>
    %mul3A_784 = arith.mulf %slice3A_782, %slice3A_783 : vector<1x512xf32>
    %add3A_785 = arith.addf %add3A_781, %mul3A_784 : vector<1x512xf32>
    %slice3A_786 = vector.extract_strided_slice %convert_element_type3A_444 {offsets = [4, 0], sizes = [1, 512], strides = [1, 1]} : vector<16x512xf32> to vector<1x512xf32>
    %slice3A_787 = vector.extract_strided_slice %convert_element_type3A_450 {offsets = [4, 0], sizes = [1, 512], strides = [1, 1]} : vector<16x512xf32> to vector<1x512xf32>
    %mul3A_788 = arith.mulf %slice3A_786, %slice3A_787 : vector<1x512xf32>
    %add3A_789 = arith.addf %add3A_785, %mul3A_788 : vector<1x512xf32>
    %slice3A_790 = vector.extract_strided_slice %convert_element_type3A_444 {offsets = [5, 0], sizes = [1, 512], strides = [1, 1]} : vector<16x512xf32> to vector<1x512xf32>
    %slice3A_791 = vector.extract_strided_slice %convert_element_type3A_450 {offsets = [5, 0], sizes = [1, 512], strides = [1, 1]} : vector<16x512xf32> to vector<1x512xf32>
    %mul3A_792 = arith.mulf %slice3A_790, %slice3A_791 : vector<1x512xf32>
    %add3A_793 = arith.addf %add3A_789, %mul3A_792 : vector<1x512xf32>
    %slice3A_794 = vector.extract_strided_slice %convert_element_type3A_444 {offsets = [6, 0], sizes = [1, 512], strides = [1, 1]} : vector<16x512xf32> to vector<1x512xf32>
    %slice3A_795 = vector.extract_strided_slice %convert_element_type3A_450 {offsets = [6, 0], sizes = [1, 512], strides = [1, 1]} : vector<16x512xf32> to vector<1x512xf32>
    %mul3A_796 = arith.mulf %slice3A_794, %slice3A_795 : vector<1x512xf32>
    %add3A_797 = arith.addf %add3A_793, %mul3A_796 : vector<1x512xf32>
    %slice3A_798 = vector.extract_strided_slice %convert_element_type3A_444 {offsets = [7, 0], sizes = [1, 512], strides = [1, 1]} : vector<16x512xf32> to vector<1x512xf32>
    %slice3A_799 = vector.extract_strided_slice %convert_element_type3A_450 {offsets = [7, 0], sizes = [1, 512], strides = [1, 1]} : vector<16x512xf32> to vector<1x512xf32>
    %mul3A_800 = arith.mulf %slice3A_798, %slice3A_799 : vector<1x512xf32>
    %add3A_801 = arith.addf %add3A_797, %mul3A_800 : vector<1x512xf32>
    %slice3A_802 = vector.extract_strided_slice %convert_element_type3A_444 {offsets = [8, 0], sizes = [1, 512], strides = [1, 1]} : vector<16x512xf32> to vector<1x512xf32>
    %slice3A_803 = vector.extract_strided_slice %convert_element_type3A_450 {offsets = [8, 0], sizes = [1, 512], strides = [1, 1]} : vector<16x512xf32> to vector<1x512xf32>
    %mul3A_804 = arith.mulf %slice3A_802, %slice3A_803 : vector<1x512xf32>
    %add3A_805 = arith.addf %add3A_801, %mul3A_804 : vector<1x512xf32>
    %slice3A_806 = vector.extract_strided_slice %convert_element_type3A_444 {offsets = [9, 0], sizes = [1, 512], strides = [1, 1]} : vector<16x512xf32> to vector<1x512xf32>
    %slice3A_807 = vector.extract_strided_slice %convert_element_type3A_450 {offsets = [9, 0], sizes = [1, 512], strides = [1, 1]} : vector<16x512xf32> to vector<1x512xf32>
    %mul3A_808 = arith.mulf %slice3A_806, %slice3A_807 : vector<1x512xf32>
    %add3A_809 = arith.addf %add3A_805, %mul3A_808 : vector<1x512xf32>
    %slice3A_810 = vector.extract_strided_slice %convert_element_type3A_444 {offsets = [10, 0], sizes = [1, 512], strides = [1, 1]} : vector<16x512xf32> to vector<1x512xf32>
    %slice3A_811 = vector.extract_strided_slice %convert_element_type3A_450 {offsets = [10, 0], sizes = [1, 512], strides = [1, 1]} : vector<16x512xf32> to vector<1x512xf32>
    %mul3A_812 = arith.mulf %slice3A_810, %slice3A_811 : vector<1x512xf32>
    %add3A_813 = arith.addf %add3A_809, %mul3A_812 : vector<1x512xf32>
    %slice3A_814 = vector.extract_strided_slice %convert_element_type3A_444 {offsets = [11, 0], sizes = [1, 512], strides = [1, 1]} : vector<16x512xf32> to vector<1x512xf32>
    %slice3A_815 = vector.extract_strided_slice %convert_element_type3A_450 {offsets = [11, 0], sizes = [1, 512], strides = [1, 1]} : vector<16x512xf32> to vector<1x512xf32>
    %mul3A_816 = arith.mulf %slice3A_814, %slice3A_815 : vector<1x512xf32>
    %add3A_817 = arith.addf %add3A_813, %mul3A_816 : vector<1x512xf32>
    %slice3A_818 = vector.extract_strided_slice %convert_element_type3A_444 {offsets = [12, 0], sizes = [1, 512], strides = [1, 1]} : vector<16x512xf32> to vector<1x512xf32>
    %slice3A_819 = vector.extract_strided_slice %convert_element_type3A_450 {offsets = [12, 0], sizes = [1, 512], strides = [1, 1]} : vector<16x512xf32> to vector<1x512xf32>
    %mul3A_820 = arith.mulf %slice3A_818, %slice3A_819 : vector<1x512xf32>
    %add3A_821 = arith.addf %add3A_817, %mul3A_820 : vector<1x512xf32>
    %slice3A_822 = vector.extract_strided_slice %convert_element_type3A_444 {offsets = [13, 0], sizes = [1, 512], strides = [1, 1]} : vector<16x512xf32> to vector<1x512xf32>
    %slice3A_823 = vector.extract_strided_slice %convert_element_type3A_450 {offsets = [13, 0], sizes = [1, 512], strides = [1, 1]} : vector<16x512xf32> to vector<1x512xf32>
    %mul3A_824 = arith.mulf %slice3A_822, %slice3A_823 : vector<1x512xf32>
    %add3A_825 = arith.addf %add3A_821, %mul3A_824 : vector<1x512xf32>
    %slice3A_826 = vector.extract_strided_slice %convert_element_type3A_444 {offsets = [14, 0], sizes = [1, 512], strides = [1, 1]} : vector<16x512xf32> to vector<1x512xf32>
    %slice3A_827 = vector.extract_strided_slice %convert_element_type3A_450 {offsets = [14, 0], sizes = [1, 512], strides = [1, 1]} : vector<16x512xf32> to vector<1x512xf32>
    %mul3A_828 = arith.mulf %slice3A_826, %slice3A_827 : vector<1x512xf32>
    %add3A_829 = arith.addf %add3A_825, %mul3A_828 : vector<1x512xf32>
    %slice3A_830 = vector.extract_strided_slice %convert_element_type3A_444 {offsets = [15, 0], sizes = [1, 512], strides = [1, 1]} : vector<16x512xf32> to vector<1x512xf32>
    %slice3A_831 = vector.extract_strided_slice %convert_element_type3A_450 {offsets = [15, 0], sizes = [1, 512], strides = [1, 1]} : vector<16x512xf32> to vector<1x512xf32>
    %mul3A_832 = arith.mulf %slice3A_830, %slice3A_831 : vector<1x512xf32>
    %add3A_833 = arith.addf %add3A_829, %mul3A_832 : vector<1x512xf32>
    %div3A_834 = arith.divf %add3A_833, %add3A_414 : vector<1x512xf32>
    %broadcast_in_dim3A_835 = arith.constant 1.000000e+00 : f32
    %broadcast_in_dim3A_836 = vector.broadcast %broadcast_in_dim3A_835 : f32 to vector<1x512xf32>
    %broadcast_in_dim3A_837 = arith.constant 0.000000e+00 : f32
    %broadcast_in_dim3A_838 = vector.broadcast %broadcast_in_dim3A_837 : f32 to vector<1x512xf32>
    %sub3A_839 = arith.subf %div3A_834, %div3A_514 : vector<1x512xf32>
    %abs3A_840 = math.absf %sub3A_839 : vector<1x512xf32>
    %abs3A_841 = math.absf %div3A_642 : vector<1x512xf32>
    %mul3A_842 = arith.constant 3.000000e-02 : f32
    %mul3A_843 = vector.broadcast %mul3A_842 : f32 to vector<1x512xf32>
    %mul3A_844 = arith.mulf %mul3A_843, %abs3A_841 : vector<1x512xf32>
    %lt3A = arith.cmpf olt, %abs3A_840, %mul3A_844 : vector<1x512xf32>
    %jit3A = arith.constant 1.000000e+00 : f32
    %jit3A_845 = arith.constant 0.000000e+00 : f32
    %broadcast_in_dim3A_846 = vector.broadcast %jit3A : f32 to vector<1x512xf32>
    %broadcast_in_dim3A_847 = vector.broadcast %jit3A_845 : f32 to vector<1x512xf32>
    %select_n3A = arith.select %lt3A, %broadcast_in_dim3A_846, %broadcast_in_dim3A_847 : vector<1x512xi1>, vector<1x512xf32>
    %max3A_848 = arith.maximumf %broadcast_in_dim3A_838, %select_n3A : vector<1x512xf32>
    %sub3A_849 = arith.subf %div3A_834, %div3A_514 : vector<1x512xf32>
    %mul3A_850 = arith.constant 2.000000e+00 : f32
    %mul3A_851 = vector.broadcast %mul3A_850 : f32 to vector<1x512xf32>
    %mul3A_852 = arith.mulf %mul3A_851, %div3A_642 : vector<1x512xf32>
    %div3A_853 = arith.divf %sub3A_849, %mul3A_852 : vector<1x512xf32>
    %mul3A_854 = arith.mulf %div3A_853, %div3A_853 : vector<1x512xf32>
    %add3A_855 = arith.constant 1.000000e+00 : f32
    %add3A_856 = vector.broadcast %add3A_855 : f32 to vector<1x512xf32>
    %add3A_857 = arith.addf %add3A_856, %mul3A_854 : vector<1x512xf32>
    %sqrt3A_858 = math.sqrt %add3A_857 : vector<1x512xf32>
    %ge3A = arith.constant 0.000000e+00 : f32
    %ge3A_859 = vector.broadcast %ge3A : f32 to vector<1x512xf32>
    %ge3A_860 = arith.cmpf oge, %div3A_853, %ge3A_859 : vector<1x512xf32>
    %add3A_861 = arith.addf %div3A_853, %sqrt3A_858 : vector<1x512xf32>
    %div3A_862 = arith.constant 1.000000e+00 : f32
    %div3A_863 = vector.broadcast %div3A_862 : f32 to vector<1x512xf32>
    %div3A_864 = arith.divf %div3A_863, %add3A_861 : vector<1x512xf32>
    %neg3A = arith.constant 0.000000e+00 : f32
    %neg3A_865 = vector.broadcast %neg3A : f32 to vector<1x512xf32>
    %neg3A_866 = arith.subf %neg3A_865, %div3A_853 : vector<1x512xf32>
    %add3A_867 = arith.addf %neg3A_866, %sqrt3A_858 : vector<1x512xf32>
    %div3A_868 = arith.constant -1.000000e+00 : f32
    %div3A_869 = vector.broadcast %div3A_868 : f32 to vector<1x512xf32>
    %div3A_870 = arith.divf %div3A_869, %add3A_867 : vector<1x512xf32>
    %select_n3A_871 = arith.select %ge3A_860, %div3A_864, %div3A_870 : vector<1x512xi1>, vector<1x512xf32>
    %eq3A = arith.constant 0.000000e+00 : f32
    %eq3A_872 = vector.broadcast %eq3A : f32 to vector<1x512xf32>
    %eq3A_873 = arith.cmpf oeq, %div3A_642, %eq3A_872 : vector<1x512xf32>
    %jit3A_874 = arith.constant 0.000000e+00 : f32
    %broadcast_in_dim3A_875 = vector.broadcast %jit3A_874 : f32 to vector<1x512xf32>
    %select_n3A_876 = arith.select %eq3A_873, %broadcast_in_dim3A_875, %select_n3A_871 : vector<1x512xi1>, vector<1x512xf32>
    %mul3A_877 = arith.mulf %select_n3A_876, %select_n3A_876 : vector<1x512xf32>
    %add3A_878 = arith.constant 1.000000e+00 : f32
    %add3A_879 = vector.broadcast %add3A_878 : f32 to vector<1x512xf32>
    %add3A_880 = arith.addf %add3A_879, %mul3A_877 : vector<1x512xf32>
    %sqrt3A_881 = math.sqrt %add3A_880 : vector<1x512xf32>
    %div3A_882 = arith.constant 1.000000e+00 : f32
    %div3A_883 = vector.broadcast %div3A_882 : f32 to vector<1x512xf32>
    %div3A_884 = arith.divf %div3A_883, %sqrt3A_881 : vector<1x512xf32>
    %mul3A_885 = arith.mulf %select_n3A_876, %div3A_884 : vector<1x512xf32>
    %mul3A_886 = arith.mulf %div3A_884, %div3A_514 : vector<1x512xf32>
    %mul3A_887 = arith.mulf %mul3A_885, %div3A_642 : vector<1x512xf32>
    %sub3A_888 = arith.subf %mul3A_886, %mul3A_887 : vector<1x512xf32>
    %mul3A_889 = arith.mulf %div3A_884, %div3A_578 : vector<1x512xf32>
    %mul3A_890 = arith.mulf %mul3A_885, %div3A_770 : vector<1x512xf32>
    %sub3A_891 = arith.subf %mul3A_889, %mul3A_890 : vector<1x512xf32>
    %mul3A_892 = arith.mulf %div3A_884, %div3A_642 : vector<1x512xf32>
    %mul3A_893 = arith.mulf %mul3A_885, %div3A_834 : vector<1x512xf32>
    %sub3A_894 = arith.subf %mul3A_892, %mul3A_893 : vector<1x512xf32>
    %mul3A_895 = arith.mulf %mul3A_885, %div3A_514 : vector<1x512xf32>
    %mul3A_896 = arith.mulf %div3A_884, %div3A_642 : vector<1x512xf32>
    %add3A_897 = arith.addf %mul3A_895, %mul3A_896 : vector<1x512xf32>
    %mul3A_898 = arith.mulf %mul3A_885, %div3A_578 : vector<1x512xf32>
    %mul3A_899 = arith.mulf %div3A_884, %div3A_770 : vector<1x512xf32>
    %add3A_900 = arith.addf %mul3A_898, %mul3A_899 : vector<1x512xf32>
    %mul3A_901 = arith.mulf %mul3A_885, %div3A_642 : vector<1x512xf32>
    %mul3A_902 = arith.mulf %div3A_884, %div3A_834 : vector<1x512xf32>
    %add3A_903 = arith.addf %mul3A_901, %mul3A_902 : vector<1x512xf32>
    %mul3A_904 = arith.mulf %sub3A_888, %div3A_884 : vector<1x512xf32>
    %mul3A_905 = arith.mulf %mul3A_885, %sub3A_894 : vector<1x512xf32>
    %sub3A_906 = arith.subf %mul3A_904, %mul3A_905 : vector<1x512xf32>
    %mul3A_907 = arith.mulf %div3A_578, %div3A_884 : vector<1x512xf32>
    %mul3A_908 = arith.mulf %mul3A_885, %div3A_770 : vector<1x512xf32>
    %sub3A_909 = arith.subf %mul3A_907, %mul3A_908 : vector<1x512xf32>
    %mul3A_910 = arith.mulf %add3A_897, %div3A_884 : vector<1x512xf32>
    %mul3A_911 = arith.mulf %mul3A_885, %add3A_903 : vector<1x512xf32>
    %sub3A_912 = arith.subf %mul3A_910, %mul3A_911 : vector<1x512xf32>
    %mul3A_913 = arith.mulf %sub3A_888, %mul3A_885 : vector<1x512xf32>
    %mul3A_914 = arith.mulf %sub3A_894, %div3A_884 : vector<1x512xf32>
    %add3A_915 = arith.addf %mul3A_913, %mul3A_914 : vector<1x512xf32>
    %mul3A_916 = arith.mulf %div3A_578, %mul3A_885 : vector<1x512xf32>
    %mul3A_917 = arith.mulf %div3A_770, %div3A_884 : vector<1x512xf32>
    %add3A_918 = arith.addf %mul3A_916, %mul3A_917 : vector<1x512xf32>
    %mul3A_919 = arith.mulf %add3A_897, %mul3A_885 : vector<1x512xf32>
    %mul3A_920 = arith.mulf %add3A_903, %div3A_884 : vector<1x512xf32>
    %add3A_921 = arith.addf %mul3A_919, %mul3A_920 : vector<1x512xf32>
    %mul3A_922 = arith.mulf %broadcast_in_dim3A_836, %div3A_884 : vector<1x512xf32>
    %mul3A_923 = arith.mulf %mul3A_885, %broadcast_in_dim3A_838 : vector<1x512xf32>
    %sub3A_924 = arith.subf %mul3A_922, %mul3A_923 : vector<1x512xf32>
    %mul3A_925 = arith.mulf %broadcast_in_dim3A_838, %div3A_884 : vector<1x512xf32>
    %mul3A_926 = arith.mulf %mul3A_885, %broadcast_in_dim3A_838 : vector<1x512xf32>
    %sub3A_927 = arith.subf %mul3A_925, %mul3A_926 : vector<1x512xf32>
    %mul3A_928 = arith.mulf %broadcast_in_dim3A_838, %div3A_884 : vector<1x512xf32>
    %mul3A_929 = arith.mulf %mul3A_885, %broadcast_in_dim3A_836 : vector<1x512xf32>
    %sub3A_930 = arith.subf %mul3A_928, %mul3A_929 : vector<1x512xf32>
    %mul3A_931 = arith.mulf %broadcast_in_dim3A_836, %mul3A_885 : vector<1x512xf32>
    %mul3A_932 = arith.mulf %broadcast_in_dim3A_838, %div3A_884 : vector<1x512xf32>
    %add3A_933 = arith.addf %mul3A_931, %mul3A_932 : vector<1x512xf32>
    %mul3A_934 = arith.mulf %broadcast_in_dim3A_838, %mul3A_885 : vector<1x512xf32>
    %mul3A_935 = arith.mulf %broadcast_in_dim3A_838, %div3A_884 : vector<1x512xf32>
    %add3A_936 = arith.addf %mul3A_934, %mul3A_935 : vector<1x512xf32>
    %mul3A_937 = arith.mulf %broadcast_in_dim3A_838, %mul3A_885 : vector<1x512xf32>
    %mul3A_938 = arith.mulf %broadcast_in_dim3A_836, %div3A_884 : vector<1x512xf32>
    %add3A_939 = arith.addf %mul3A_937, %mul3A_938 : vector<1x512xf32>
    %sub3A_940 = arith.subf %add3A_921, %div3A_706 : vector<1x512xf32>
    %abs3A_941 = math.absf %sub3A_940 : vector<1x512xf32>
    %abs3A_942 = math.absf %add3A_918 : vector<1x512xf32>
    %mul3A_943 = arith.constant 3.000000e-02 : f32
    %mul3A_944 = vector.broadcast %mul3A_943 : f32 to vector<1x512xf32>
    %mul3A_945 = arith.mulf %mul3A_944, %abs3A_942 : vector<1x512xf32>
    %lt3A_946 = arith.cmpf olt, %abs3A_941, %mul3A_945 : vector<1x512xf32>
    %jit3A_947 = arith.constant 1.000000e+00 : f32
    %jit3A_948 = arith.constant 0.000000e+00 : f32
    %broadcast_in_dim3A_949 = vector.broadcast %jit3A_947 : f32 to vector<1x512xf32>
    %broadcast_in_dim3A_950 = vector.broadcast %jit3A_948 : f32 to vector<1x512xf32>
    %select_n3A_951 = arith.select %lt3A_946, %broadcast_in_dim3A_949, %broadcast_in_dim3A_950 : vector<1x512xi1>, vector<1x512xf32>
    %max3A_952 = arith.maximumf %max3A_848, %select_n3A_951 : vector<1x512xf32>
    %sub3A_953 = arith.subf %add3A_921, %div3A_706 : vector<1x512xf32>
    %mul3A_954 = arith.constant 2.000000e+00 : f32
    %mul3A_955 = vector.broadcast %mul3A_954 : f32 to vector<1x512xf32>
    %mul3A_956 = arith.mulf %mul3A_955, %add3A_918 : vector<1x512xf32>
    %div3A_957 = arith.divf %sub3A_953, %mul3A_956 : vector<1x512xf32>
    %mul3A_958 = arith.mulf %div3A_957, %div3A_957 : vector<1x512xf32>
    %add3A_959 = arith.constant 1.000000e+00 : f32
    %add3A_960 = vector.broadcast %add3A_959 : f32 to vector<1x512xf32>
    %add3A_961 = arith.addf %add3A_960, %mul3A_958 : vector<1x512xf32>
    %sqrt3A_962 = math.sqrt %add3A_961 : vector<1x512xf32>
    %ge3A_963 = arith.constant 0.000000e+00 : f32
    %ge3A_964 = vector.broadcast %ge3A_963 : f32 to vector<1x512xf32>
    %ge3A_965 = arith.cmpf oge, %div3A_957, %ge3A_964 : vector<1x512xf32>
    %add3A_966 = arith.addf %div3A_957, %sqrt3A_962 : vector<1x512xf32>
    %div3A_967 = arith.constant 1.000000e+00 : f32
    %div3A_968 = vector.broadcast %div3A_967 : f32 to vector<1x512xf32>
    %div3A_969 = arith.divf %div3A_968, %add3A_966 : vector<1x512xf32>
    %neg3A_970 = arith.constant 0.000000e+00 : f32
    %neg3A_971 = vector.broadcast %neg3A_970 : f32 to vector<1x512xf32>
    %neg3A_972 = arith.subf %neg3A_971, %div3A_957 : vector<1x512xf32>
    %add3A_973 = arith.addf %neg3A_972, %sqrt3A_962 : vector<1x512xf32>
    %div3A_974 = arith.constant -1.000000e+00 : f32
    %div3A_975 = vector.broadcast %div3A_974 : f32 to vector<1x512xf32>
    %div3A_976 = arith.divf %div3A_975, %add3A_973 : vector<1x512xf32>
    %select_n3A_977 = arith.select %ge3A_965, %div3A_969, %div3A_976 : vector<1x512xi1>, vector<1x512xf32>
    %eq3A_978 = arith.constant 0.000000e+00 : f32
    %eq3A_979 = vector.broadcast %eq3A_978 : f32 to vector<1x512xf32>
    %eq3A_980 = arith.cmpf oeq, %add3A_918, %eq3A_979 : vector<1x512xf32>
    %jit3A_981 = arith.constant 0.000000e+00 : f32
    %broadcast_in_dim3A_982 = vector.broadcast %jit3A_981 : f32 to vector<1x512xf32>
    %select_n3A_983 = arith.select %eq3A_980, %broadcast_in_dim3A_982, %select_n3A_977 : vector<1x512xi1>, vector<1x512xf32>
    %mul3A_984 = arith.mulf %select_n3A_983, %select_n3A_983 : vector<1x512xf32>
    %add3A_985 = arith.constant 1.000000e+00 : f32
    %add3A_986 = vector.broadcast %add3A_985 : f32 to vector<1x512xf32>
    %add3A_987 = arith.addf %add3A_986, %mul3A_984 : vector<1x512xf32>
    %sqrt3A_988 = math.sqrt %add3A_987 : vector<1x512xf32>
    %div3A_989 = arith.constant 1.000000e+00 : f32
    %div3A_990 = vector.broadcast %div3A_989 : f32 to vector<1x512xf32>
    %div3A_991 = arith.divf %div3A_990, %sqrt3A_988 : vector<1x512xf32>
    %mul3A_992 = arith.mulf %select_n3A_983, %div3A_991 : vector<1x512xf32>
    %mul3A_993 = arith.mulf %div3A_991, %sub3A_909 : vector<1x512xf32>
    %mul3A_994 = arith.mulf %mul3A_992, %sub3A_912 : vector<1x512xf32>
    %sub3A_995 = arith.subf %mul3A_993, %mul3A_994 : vector<1x512xf32>
    %mul3A_996 = arith.mulf %div3A_991, %div3A_706 : vector<1x512xf32>
    %mul3A_997 = arith.mulf %mul3A_992, %add3A_900 : vector<1x512xf32>
    %sub3A_998 = arith.subf %mul3A_996, %mul3A_997 : vector<1x512xf32>
    %mul3A_999 = arith.mulf %div3A_991, %add3A_918 : vector<1x512xf32>
    %mul3A_1000 = arith.mulf %mul3A_992, %add3A_921 : vector<1x512xf32>
    %sub3A_1001 = arith.subf %mul3A_999, %mul3A_1000 : vector<1x512xf32>
    %mul3A_1002 = arith.mulf %mul3A_992, %sub3A_909 : vector<1x512xf32>
    %mul3A_1003 = arith.mulf %div3A_991, %sub3A_912 : vector<1x512xf32>
    %add3A_1004 = arith.addf %mul3A_1002, %mul3A_1003 : vector<1x512xf32>
    %mul3A_1005 = arith.mulf %mul3A_992, %div3A_706 : vector<1x512xf32>
    %mul3A_1006 = arith.mulf %div3A_991, %add3A_900 : vector<1x512xf32>
    %add3A_1007 = arith.addf %mul3A_1005, %mul3A_1006 : vector<1x512xf32>
    %mul3A_1008 = arith.mulf %mul3A_992, %add3A_918 : vector<1x512xf32>
    %mul3A_1009 = arith.mulf %div3A_991, %add3A_921 : vector<1x512xf32>
    %add3A_1010 = arith.addf %mul3A_1008, %mul3A_1009 : vector<1x512xf32>
    %mul3A_1011 = arith.mulf %sub3A_891, %div3A_991 : vector<1x512xf32>
    %mul3A_1012 = arith.mulf %mul3A_992, %add3A_915 : vector<1x512xf32>
    %sub3A_1013 = arith.subf %mul3A_1011, %mul3A_1012 : vector<1x512xf32>
    %mul3A_1014 = arith.mulf %sub3A_998, %div3A_991 : vector<1x512xf32>
    %mul3A_1015 = arith.mulf %mul3A_992, %sub3A_1001 : vector<1x512xf32>
    %sub3A_1016 = arith.subf %mul3A_1014, %mul3A_1015 : vector<1x512xf32>
    %mul3A_1017 = arith.mulf %add3A_1007, %div3A_991 : vector<1x512xf32>
    %mul3A_1018 = arith.mulf %mul3A_992, %add3A_1010 : vector<1x512xf32>
    %sub3A_1019 = arith.subf %mul3A_1017, %mul3A_1018 : vector<1x512xf32>
    %mul3A_1020 = arith.mulf %sub3A_891, %mul3A_992 : vector<1x512xf32>
    %mul3A_1021 = arith.mulf %add3A_915, %div3A_991 : vector<1x512xf32>
    %add3A_1022 = arith.addf %mul3A_1020, %mul3A_1021 : vector<1x512xf32>
    %mul3A_1023 = arith.mulf %sub3A_998, %mul3A_992 : vector<1x512xf32>
    %mul3A_1024 = arith.mulf %sub3A_1001, %div3A_991 : vector<1x512xf32>
    %add3A_1025 = arith.addf %mul3A_1023, %mul3A_1024 : vector<1x512xf32>
    %mul3A_1026 = arith.mulf %add3A_1007, %mul3A_992 : vector<1x512xf32>
    %mul3A_1027 = arith.mulf %add3A_1010, %div3A_991 : vector<1x512xf32>
    %add3A_1028 = arith.addf %mul3A_1026, %mul3A_1027 : vector<1x512xf32>
    %mul3A_1029 = arith.mulf %broadcast_in_dim3A_838, %div3A_991 : vector<1x512xf32>
    %mul3A_1030 = arith.mulf %mul3A_992, %add3A_933 : vector<1x512xf32>
    %sub3A_1031 = arith.subf %mul3A_1029, %mul3A_1030 : vector<1x512xf32>
    %mul3A_1032 = arith.mulf %broadcast_in_dim3A_836, %div3A_991 : vector<1x512xf32>
    %mul3A_1033 = arith.mulf %mul3A_992, %add3A_936 : vector<1x512xf32>
    %sub3A_1034 = arith.subf %mul3A_1032, %mul3A_1033 : vector<1x512xf32>
    %mul3A_1035 = arith.mulf %broadcast_in_dim3A_838, %div3A_991 : vector<1x512xf32>
    %mul3A_1036 = arith.mulf %mul3A_992, %add3A_939 : vector<1x512xf32>
    %sub3A_1037 = arith.subf %mul3A_1035, %mul3A_1036 : vector<1x512xf32>
    %mul3A_1038 = arith.mulf %broadcast_in_dim3A_838, %mul3A_992 : vector<1x512xf32>
    %mul3A_1039 = arith.mulf %add3A_933, %div3A_991 : vector<1x512xf32>
    %add3A_1040 = arith.addf %mul3A_1038, %mul3A_1039 : vector<1x512xf32>
    %mul3A_1041 = arith.mulf %broadcast_in_dim3A_836, %mul3A_992 : vector<1x512xf32>
    %mul3A_1042 = arith.mulf %add3A_936, %div3A_991 : vector<1x512xf32>
    %add3A_1043 = arith.addf %mul3A_1041, %mul3A_1042 : vector<1x512xf32>
    %mul3A_1044 = arith.mulf %broadcast_in_dim3A_838, %mul3A_992 : vector<1x512xf32>
    %mul3A_1045 = arith.mulf %add3A_939, %div3A_991 : vector<1x512xf32>
    %add3A_1046 = arith.addf %mul3A_1044, %mul3A_1045 : vector<1x512xf32>
    %sub3A_1047 = arith.subf %sub3A_1016, %sub3A_906 : vector<1x512xf32>
    %abs3A_1048 = math.absf %sub3A_1047 : vector<1x512xf32>
    %abs3A_1049 = math.absf %sub3A_1013 : vector<1x512xf32>
    %mul3A_1050 = arith.constant 3.000000e-02 : f32
    %mul3A_1051 = vector.broadcast %mul3A_1050 : f32 to vector<1x512xf32>
    %mul3A_1052 = arith.mulf %mul3A_1051, %abs3A_1049 : vector<1x512xf32>
    %lt3A_1053 = arith.cmpf olt, %abs3A_1048, %mul3A_1052 : vector<1x512xf32>
    %jit3A_1054 = arith.constant 1.000000e+00 : f32
    %jit3A_1055 = arith.constant 0.000000e+00 : f32
    %broadcast_in_dim3A_1056 = vector.broadcast %jit3A_1054 : f32 to vector<1x512xf32>
    %broadcast_in_dim3A_1057 = vector.broadcast %jit3A_1055 : f32 to vector<1x512xf32>
    %select_n3A_1058 = arith.select %lt3A_1053, %broadcast_in_dim3A_1056, %broadcast_in_dim3A_1057 : vector<1x512xi1>, vector<1x512xf32>
    %max3A_1059 = arith.maximumf %max3A_952, %select_n3A_1058 : vector<1x512xf32>
    %sub3A_1060 = arith.subf %sub3A_1016, %sub3A_906 : vector<1x512xf32>
    %mul3A_1061 = arith.constant 2.000000e+00 : f32
    %mul3A_1062 = vector.broadcast %mul3A_1061 : f32 to vector<1x512xf32>
    %mul3A_1063 = arith.mulf %mul3A_1062, %sub3A_1013 : vector<1x512xf32>
    %div3A_1064 = arith.divf %sub3A_1060, %mul3A_1063 : vector<1x512xf32>
    %mul3A_1065 = arith.mulf %div3A_1064, %div3A_1064 : vector<1x512xf32>
    %add3A_1066 = arith.constant 1.000000e+00 : f32
    %add3A_1067 = vector.broadcast %add3A_1066 : f32 to vector<1x512xf32>
    %add3A_1068 = arith.addf %add3A_1067, %mul3A_1065 : vector<1x512xf32>
    %sqrt3A_1069 = math.sqrt %add3A_1068 : vector<1x512xf32>
    %ge3A_1070 = arith.constant 0.000000e+00 : f32
    %ge3A_1071 = vector.broadcast %ge3A_1070 : f32 to vector<1x512xf32>
    %ge3A_1072 = arith.cmpf oge, %div3A_1064, %ge3A_1071 : vector<1x512xf32>
    %add3A_1073 = arith.addf %div3A_1064, %sqrt3A_1069 : vector<1x512xf32>
    %div3A_1074 = arith.constant 1.000000e+00 : f32
    %div3A_1075 = vector.broadcast %div3A_1074 : f32 to vector<1x512xf32>
    %div3A_1076 = arith.divf %div3A_1075, %add3A_1073 : vector<1x512xf32>
    %neg3A_1077 = arith.constant 0.000000e+00 : f32
    %neg3A_1078 = vector.broadcast %neg3A_1077 : f32 to vector<1x512xf32>
    %neg3A_1079 = arith.subf %neg3A_1078, %div3A_1064 : vector<1x512xf32>
    %add3A_1080 = arith.addf %neg3A_1079, %sqrt3A_1069 : vector<1x512xf32>
    %div3A_1081 = arith.constant -1.000000e+00 : f32
    %div3A_1082 = vector.broadcast %div3A_1081 : f32 to vector<1x512xf32>
    %div3A_1083 = arith.divf %div3A_1082, %add3A_1080 : vector<1x512xf32>
    %select_n3A_1084 = arith.select %ge3A_1072, %div3A_1076, %div3A_1083 : vector<1x512xi1>, vector<1x512xf32>
    %eq3A_1085 = arith.constant 0.000000e+00 : f32
    %eq3A_1086 = vector.broadcast %eq3A_1085 : f32 to vector<1x512xf32>
    %eq3A_1087 = arith.cmpf oeq, %sub3A_1013, %eq3A_1086 : vector<1x512xf32>
    %jit3A_1088 = arith.constant 0.000000e+00 : f32
    %broadcast_in_dim3A_1089 = vector.broadcast %jit3A_1088 : f32 to vector<1x512xf32>
    %select_n3A_1090 = arith.select %eq3A_1087, %broadcast_in_dim3A_1089, %select_n3A_1084 : vector<1x512xi1>, vector<1x512xf32>
    %mul3A_1091 = arith.mulf %select_n3A_1090, %select_n3A_1090 : vector<1x512xf32>
    %add3A_1092 = arith.constant 1.000000e+00 : f32
    %add3A_1093 = vector.broadcast %add3A_1092 : f32 to vector<1x512xf32>
    %add3A_1094 = arith.addf %add3A_1093, %mul3A_1091 : vector<1x512xf32>
    %sqrt3A_1095 = math.sqrt %add3A_1094 : vector<1x512xf32>
    %div3A_1096 = arith.constant 1.000000e+00 : f32
    %div3A_1097 = vector.broadcast %div3A_1096 : f32 to vector<1x512xf32>
    %div3A_1098 = arith.divf %div3A_1097, %sqrt3A_1095 : vector<1x512xf32>
    %mul3A_1099 = arith.mulf %select_n3A_1090, %div3A_1098 : vector<1x512xf32>
    %mul3A_1100 = arith.mulf %div3A_1098, %sub3A_906 : vector<1x512xf32>
    %mul3A_1101 = arith.mulf %mul3A_1099, %sub3A_995 : vector<1x512xf32>
    %sub3A_1102 = arith.subf %mul3A_1100, %mul3A_1101 : vector<1x512xf32>
    %mul3A_1103 = arith.mulf %div3A_1098, %sub3A_1013 : vector<1x512xf32>
    %mul3A_1104 = arith.mulf %mul3A_1099, %sub3A_1016 : vector<1x512xf32>
    %sub3A_1105 = arith.subf %mul3A_1103, %mul3A_1104 : vector<1x512xf32>
    %mul3A_1106 = arith.mulf %div3A_1098, %add3A_1022 : vector<1x512xf32>
    %mul3A_1107 = arith.mulf %mul3A_1099, %add3A_1025 : vector<1x512xf32>
    %sub3A_1108 = arith.subf %mul3A_1106, %mul3A_1107 : vector<1x512xf32>
    %mul3A_1109 = arith.mulf %mul3A_1099, %sub3A_906 : vector<1x512xf32>
    %mul3A_1110 = arith.mulf %div3A_1098, %sub3A_995 : vector<1x512xf32>
    %add3A_1111 = arith.addf %mul3A_1109, %mul3A_1110 : vector<1x512xf32>
    %mul3A_1112 = arith.mulf %mul3A_1099, %sub3A_1013 : vector<1x512xf32>
    %mul3A_1113 = arith.mulf %div3A_1098, %sub3A_1016 : vector<1x512xf32>
    %add3A_1114 = arith.addf %mul3A_1112, %mul3A_1113 : vector<1x512xf32>
    %mul3A_1115 = arith.mulf %mul3A_1099, %add3A_1022 : vector<1x512xf32>
    %mul3A_1116 = arith.mulf %div3A_1098, %add3A_1025 : vector<1x512xf32>
    %add3A_1117 = arith.addf %mul3A_1115, %mul3A_1116 : vector<1x512xf32>
    %mul3A_1118 = arith.mulf %sub3A_1102, %div3A_1098 : vector<1x512xf32>
    %mul3A_1119 = arith.mulf %mul3A_1099, %sub3A_1105 : vector<1x512xf32>
    %sub3A_1120 = arith.subf %mul3A_1118, %mul3A_1119 : vector<1x512xf32>
    %mul3A_1121 = arith.mulf %add3A_1111, %div3A_1098 : vector<1x512xf32>
    %mul3A_1122 = arith.mulf %mul3A_1099, %add3A_1114 : vector<1x512xf32>
    %sub3A_1123 = arith.subf %mul3A_1121, %mul3A_1122 : vector<1x512xf32>
    %mul3A_1124 = arith.mulf %add3A_1004, %div3A_1098 : vector<1x512xf32>
    %mul3A_1125 = arith.mulf %mul3A_1099, %sub3A_1019 : vector<1x512xf32>
    %sub3A_1126 = arith.subf %mul3A_1124, %mul3A_1125 : vector<1x512xf32>
    %mul3A_1127 = arith.mulf %sub3A_1102, %mul3A_1099 : vector<1x512xf32>
    %mul3A_1128 = arith.mulf %sub3A_1105, %div3A_1098 : vector<1x512xf32>
    %add3A_1129 = arith.addf %mul3A_1127, %mul3A_1128 : vector<1x512xf32>
    %mul3A_1130 = arith.mulf %add3A_1111, %mul3A_1099 : vector<1x512xf32>
    %mul3A_1131 = arith.mulf %add3A_1114, %div3A_1098 : vector<1x512xf32>
    %add3A_1132 = arith.addf %mul3A_1130, %mul3A_1131 : vector<1x512xf32>
    %mul3A_1133 = arith.mulf %add3A_1004, %mul3A_1099 : vector<1x512xf32>
    %mul3A_1134 = arith.mulf %sub3A_1019, %div3A_1098 : vector<1x512xf32>
    %add3A_1135 = arith.addf %mul3A_1133, %mul3A_1134 : vector<1x512xf32>
    %mul3A_1136 = arith.mulf %sub3A_924, %div3A_1098 : vector<1x512xf32>
    %mul3A_1137 = arith.mulf %mul3A_1099, %sub3A_1031 : vector<1x512xf32>
    %sub3A_1138 = arith.subf %mul3A_1136, %mul3A_1137 : vector<1x512xf32>
    %mul3A_1139 = arith.mulf %sub3A_927, %div3A_1098 : vector<1x512xf32>
    %mul3A_1140 = arith.mulf %mul3A_1099, %sub3A_1034 : vector<1x512xf32>
    %sub3A_1141 = arith.subf %mul3A_1139, %mul3A_1140 : vector<1x512xf32>
    %mul3A_1142 = arith.mulf %sub3A_930, %div3A_1098 : vector<1x512xf32>
    %mul3A_1143 = arith.mulf %mul3A_1099, %sub3A_1037 : vector<1x512xf32>
    %sub3A_1144 = arith.subf %mul3A_1142, %mul3A_1143 : vector<1x512xf32>
    %mul3A_1145 = arith.mulf %sub3A_924, %mul3A_1099 : vector<1x512xf32>
    %mul3A_1146 = arith.mulf %sub3A_1031, %div3A_1098 : vector<1x512xf32>
    %add3A_1147 = arith.addf %mul3A_1145, %mul3A_1146 : vector<1x512xf32>
    %mul3A_1148 = arith.mulf %sub3A_927, %mul3A_1099 : vector<1x512xf32>
    %mul3A_1149 = arith.mulf %sub3A_1034, %div3A_1098 : vector<1x512xf32>
    %add3A_1150 = arith.addf %mul3A_1148, %mul3A_1149 : vector<1x512xf32>
    %mul3A_1151 = arith.mulf %sub3A_930, %mul3A_1099 : vector<1x512xf32>
    %mul3A_1152 = arith.mulf %sub3A_1037, %div3A_1098 : vector<1x512xf32>
    %add3A_1153 = arith.addf %mul3A_1151, %mul3A_1152 : vector<1x512xf32>
    %sub3A_1154 = arith.subf %add3A_1028, %sub3A_1120 : vector<1x512xf32>
    %abs3A_1155 = math.absf %sub3A_1154 : vector<1x512xf32>
    %abs3A_1156 = math.absf %sub3A_1108 : vector<1x512xf32>
    %mul3A_1157 = arith.constant 3.000000e-02 : f32
    %mul3A_1158 = vector.broadcast %mul3A_1157 : f32 to vector<1x512xf32>
    %mul3A_1159 = arith.mulf %mul3A_1158, %abs3A_1156 : vector<1x512xf32>
    %lt3A_1160 = arith.cmpf olt, %abs3A_1155, %mul3A_1159 : vector<1x512xf32>
    %jit3A_1161 = arith.constant 1.000000e+00 : f32
    %jit3A_1162 = arith.constant 0.000000e+00 : f32
    %broadcast_in_dim3A_1163 = vector.broadcast %jit3A_1161 : f32 to vector<1x512xf32>
    %broadcast_in_dim3A_1164 = vector.broadcast %jit3A_1162 : f32 to vector<1x512xf32>
    %select_n3A_1165 = arith.select %lt3A_1160, %broadcast_in_dim3A_1163, %broadcast_in_dim3A_1164 : vector<1x512xi1>, vector<1x512xf32>
    %max3A_1166 = arith.maximumf %max3A_1059, %select_n3A_1165 : vector<1x512xf32>
    %sub3A_1167 = arith.subf %add3A_1028, %sub3A_1120 : vector<1x512xf32>
    %mul3A_1168 = arith.constant 2.000000e+00 : f32
    %mul3A_1169 = vector.broadcast %mul3A_1168 : f32 to vector<1x512xf32>
    %mul3A_1170 = arith.mulf %mul3A_1169, %sub3A_1108 : vector<1x512xf32>
    %div3A_1171 = arith.divf %sub3A_1167, %mul3A_1170 : vector<1x512xf32>
    %mul3A_1172 = arith.mulf %div3A_1171, %div3A_1171 : vector<1x512xf32>
    %add3A_1173 = arith.constant 1.000000e+00 : f32
    %add3A_1174 = vector.broadcast %add3A_1173 : f32 to vector<1x512xf32>
    %add3A_1175 = arith.addf %add3A_1174, %mul3A_1172 : vector<1x512xf32>
    %sqrt3A_1176 = math.sqrt %add3A_1175 : vector<1x512xf32>
    %ge3A_1177 = arith.constant 0.000000e+00 : f32
    %ge3A_1178 = vector.broadcast %ge3A_1177 : f32 to vector<1x512xf32>
    %ge3A_1179 = arith.cmpf oge, %div3A_1171, %ge3A_1178 : vector<1x512xf32>
    %add3A_1180 = arith.addf %div3A_1171, %sqrt3A_1176 : vector<1x512xf32>
    %div3A_1181 = arith.constant 1.000000e+00 : f32
    %div3A_1182 = vector.broadcast %div3A_1181 : f32 to vector<1x512xf32>
    %div3A_1183 = arith.divf %div3A_1182, %add3A_1180 : vector<1x512xf32>
    %neg3A_1184 = arith.constant 0.000000e+00 : f32
    %neg3A_1185 = vector.broadcast %neg3A_1184 : f32 to vector<1x512xf32>
    %neg3A_1186 = arith.subf %neg3A_1185, %div3A_1171 : vector<1x512xf32>
    %add3A_1187 = arith.addf %neg3A_1186, %sqrt3A_1176 : vector<1x512xf32>
    %div3A_1188 = arith.constant -1.000000e+00 : f32
    %div3A_1189 = vector.broadcast %div3A_1188 : f32 to vector<1x512xf32>
    %div3A_1190 = arith.divf %div3A_1189, %add3A_1187 : vector<1x512xf32>
    %select_n3A_1191 = arith.select %ge3A_1179, %div3A_1183, %div3A_1190 : vector<1x512xi1>, vector<1x512xf32>
    %eq3A_1192 = arith.constant 0.000000e+00 : f32
    %eq3A_1193 = vector.broadcast %eq3A_1192 : f32 to vector<1x512xf32>
    %eq3A_1194 = arith.cmpf oeq, %sub3A_1108, %eq3A_1193 : vector<1x512xf32>
    %jit3A_1195 = arith.constant 0.000000e+00 : f32
    %broadcast_in_dim3A_1196 = vector.broadcast %jit3A_1195 : f32 to vector<1x512xf32>
    %select_n3A_1197 = arith.select %eq3A_1194, %broadcast_in_dim3A_1196, %select_n3A_1191 : vector<1x512xi1>, vector<1x512xf32>
    %mul3A_1198 = arith.mulf %select_n3A_1197, %select_n3A_1197 : vector<1x512xf32>
    %add3A_1199 = arith.constant 1.000000e+00 : f32
    %add3A_1200 = vector.broadcast %add3A_1199 : f32 to vector<1x512xf32>
    %add3A_1201 = arith.addf %add3A_1200, %mul3A_1198 : vector<1x512xf32>
    %sqrt3A_1202 = math.sqrt %add3A_1201 : vector<1x512xf32>
    %div3A_1203 = arith.constant 1.000000e+00 : f32
    %div3A_1204 = vector.broadcast %div3A_1203 : f32 to vector<1x512xf32>
    %div3A_1205 = arith.divf %div3A_1204, %sqrt3A_1202 : vector<1x512xf32>
    %mul3A_1206 = arith.mulf %select_n3A_1197, %div3A_1205 : vector<1x512xf32>
    %mul3A_1207 = arith.mulf %div3A_1205, %sub3A_1120 : vector<1x512xf32>
    %mul3A_1208 = arith.mulf %mul3A_1206, %sub3A_1126 : vector<1x512xf32>
    %sub3A_1209 = arith.subf %mul3A_1207, %mul3A_1208 : vector<1x512xf32>
    %mul3A_1210 = arith.mulf %div3A_1205, %add3A_1129 : vector<1x512xf32>
    %mul3A_1211 = arith.mulf %mul3A_1206, %add3A_1135 : vector<1x512xf32>
    %sub3A_1212 = arith.subf %mul3A_1210, %mul3A_1211 : vector<1x512xf32>
    %mul3A_1213 = arith.mulf %div3A_1205, %sub3A_1108 : vector<1x512xf32>
    %mul3A_1214 = arith.mulf %mul3A_1206, %add3A_1028 : vector<1x512xf32>
    %sub3A_1215 = arith.subf %mul3A_1213, %mul3A_1214 : vector<1x512xf32>
    %mul3A_1216 = arith.mulf %mul3A_1206, %sub3A_1120 : vector<1x512xf32>
    %mul3A_1217 = arith.mulf %div3A_1205, %sub3A_1126 : vector<1x512xf32>
    %add3A_1218 = arith.addf %mul3A_1216, %mul3A_1217 : vector<1x512xf32>
    %mul3A_1219 = arith.mulf %mul3A_1206, %add3A_1129 : vector<1x512xf32>
    %mul3A_1220 = arith.mulf %div3A_1205, %add3A_1135 : vector<1x512xf32>
    %add3A_1221 = arith.addf %mul3A_1219, %mul3A_1220 : vector<1x512xf32>
    %mul3A_1222 = arith.mulf %mul3A_1206, %sub3A_1108 : vector<1x512xf32>
    %mul3A_1223 = arith.mulf %div3A_1205, %add3A_1028 : vector<1x512xf32>
    %add3A_1224 = arith.addf %mul3A_1222, %mul3A_1223 : vector<1x512xf32>
    %mul3A_1225 = arith.mulf %sub3A_1209, %div3A_1205 : vector<1x512xf32>
    %mul3A_1226 = arith.mulf %mul3A_1206, %sub3A_1215 : vector<1x512xf32>
    %sub3A_1227 = arith.subf %mul3A_1225, %mul3A_1226 : vector<1x512xf32>
    %mul3A_1228 = arith.mulf %sub3A_1123, %div3A_1205 : vector<1x512xf32>
    %mul3A_1229 = arith.mulf %mul3A_1206, %add3A_1117 : vector<1x512xf32>
    %sub3A_1230 = arith.subf %mul3A_1228, %mul3A_1229 : vector<1x512xf32>
    %mul3A_1231 = arith.mulf %add3A_1218, %div3A_1205 : vector<1x512xf32>
    %mul3A_1232 = arith.mulf %mul3A_1206, %add3A_1224 : vector<1x512xf32>
    %sub3A_1233 = arith.subf %mul3A_1231, %mul3A_1232 : vector<1x512xf32>
    %mul3A_1234 = arith.mulf %sub3A_1209, %mul3A_1206 : vector<1x512xf32>
    %mul3A_1235 = arith.mulf %sub3A_1215, %div3A_1205 : vector<1x512xf32>
    %add3A_1236 = arith.addf %mul3A_1234, %mul3A_1235 : vector<1x512xf32>
    %mul3A_1237 = arith.mulf %sub3A_1123, %mul3A_1206 : vector<1x512xf32>
    %mul3A_1238 = arith.mulf %add3A_1117, %div3A_1205 : vector<1x512xf32>
    %add3A_1239 = arith.addf %mul3A_1237, %mul3A_1238 : vector<1x512xf32>
    %mul3A_1240 = arith.mulf %add3A_1218, %mul3A_1206 : vector<1x512xf32>
    %mul3A_1241 = arith.mulf %add3A_1224, %div3A_1205 : vector<1x512xf32>
    %add3A_1242 = arith.addf %mul3A_1240, %mul3A_1241 : vector<1x512xf32>
    %mul3A_1243 = arith.mulf %sub3A_1138, %div3A_1205 : vector<1x512xf32>
    %mul3A_1244 = arith.mulf %mul3A_1206, %add3A_1040 : vector<1x512xf32>
    %sub3A_1245 = arith.subf %mul3A_1243, %mul3A_1244 : vector<1x512xf32>
    %mul3A_1246 = arith.mulf %sub3A_1141, %div3A_1205 : vector<1x512xf32>
    %mul3A_1247 = arith.mulf %mul3A_1206, %add3A_1043 : vector<1x512xf32>
    %sub3A_1248 = arith.subf %mul3A_1246, %mul3A_1247 : vector<1x512xf32>
    %mul3A_1249 = arith.mulf %sub3A_1144, %div3A_1205 : vector<1x512xf32>
    %mul3A_1250 = arith.mulf %mul3A_1206, %add3A_1046 : vector<1x512xf32>
    %sub3A_1251 = arith.subf %mul3A_1249, %mul3A_1250 : vector<1x512xf32>
    %mul3A_1252 = arith.mulf %sub3A_1138, %mul3A_1206 : vector<1x512xf32>
    %mul3A_1253 = arith.mulf %add3A_1040, %div3A_1205 : vector<1x512xf32>
    %add3A_1254 = arith.addf %mul3A_1252, %mul3A_1253 : vector<1x512xf32>
    %mul3A_1255 = arith.mulf %sub3A_1141, %mul3A_1206 : vector<1x512xf32>
    %mul3A_1256 = arith.mulf %add3A_1043, %div3A_1205 : vector<1x512xf32>
    %add3A_1257 = arith.addf %mul3A_1255, %mul3A_1256 : vector<1x512xf32>
    %mul3A_1258 = arith.mulf %sub3A_1144, %mul3A_1206 : vector<1x512xf32>
    %mul3A_1259 = arith.mulf %add3A_1046, %div3A_1205 : vector<1x512xf32>
    %add3A_1260 = arith.addf %mul3A_1258, %mul3A_1259 : vector<1x512xf32>
    %sub3A_1261 = arith.subf %add3A_1242, %add3A_1132 : vector<1x512xf32>
    %abs3A_1262 = math.absf %sub3A_1261 : vector<1x512xf32>
    %abs3A_1263 = math.absf %add3A_1239 : vector<1x512xf32>
    %mul3A_1264 = arith.constant 3.000000e-02 : f32
    %mul3A_1265 = vector.broadcast %mul3A_1264 : f32 to vector<1x512xf32>
    %mul3A_1266 = arith.mulf %mul3A_1265, %abs3A_1263 : vector<1x512xf32>
    %lt3A_1267 = arith.cmpf olt, %abs3A_1262, %mul3A_1266 : vector<1x512xf32>
    %jit3A_1268 = arith.constant 1.000000e+00 : f32
    %jit3A_1269 = arith.constant 0.000000e+00 : f32
    %broadcast_in_dim3A_1270 = vector.broadcast %jit3A_1268 : f32 to vector<1x512xf32>
    %broadcast_in_dim3A_1271 = vector.broadcast %jit3A_1269 : f32 to vector<1x512xf32>
    %select_n3A_1272 = arith.select %lt3A_1267, %broadcast_in_dim3A_1270, %broadcast_in_dim3A_1271 : vector<1x512xi1>, vector<1x512xf32>
    %max3A_1273 = arith.maximumf %max3A_1166, %select_n3A_1272 : vector<1x512xf32>
    %sub3A_1274 = arith.subf %add3A_1242, %add3A_1132 : vector<1x512xf32>
    %mul3A_1275 = arith.constant 2.000000e+00 : f32
    %mul3A_1276 = vector.broadcast %mul3A_1275 : f32 to vector<1x512xf32>
    %mul3A_1277 = arith.mulf %mul3A_1276, %add3A_1239 : vector<1x512xf32>
    %div3A_1278 = arith.divf %sub3A_1274, %mul3A_1277 : vector<1x512xf32>
    %mul3A_1279 = arith.mulf %div3A_1278, %div3A_1278 : vector<1x512xf32>
    %add3A_1280 = arith.constant 1.000000e+00 : f32
    %add3A_1281 = vector.broadcast %add3A_1280 : f32 to vector<1x512xf32>
    %add3A_1282 = arith.addf %add3A_1281, %mul3A_1279 : vector<1x512xf32>
    %sqrt3A_1283 = math.sqrt %add3A_1282 : vector<1x512xf32>
    %ge3A_1284 = arith.constant 0.000000e+00 : f32
    %ge3A_1285 = vector.broadcast %ge3A_1284 : f32 to vector<1x512xf32>
    %ge3A_1286 = arith.cmpf oge, %div3A_1278, %ge3A_1285 : vector<1x512xf32>
    %add3A_1287 = arith.addf %div3A_1278, %sqrt3A_1283 : vector<1x512xf32>
    %div3A_1288 = arith.constant 1.000000e+00 : f32
    %div3A_1289 = vector.broadcast %div3A_1288 : f32 to vector<1x512xf32>
    %div3A_1290 = arith.divf %div3A_1289, %add3A_1287 : vector<1x512xf32>
    %neg3A_1291 = arith.constant 0.000000e+00 : f32
    %neg3A_1292 = vector.broadcast %neg3A_1291 : f32 to vector<1x512xf32>
    %neg3A_1293 = arith.subf %neg3A_1292, %div3A_1278 : vector<1x512xf32>
    %add3A_1294 = arith.addf %neg3A_1293, %sqrt3A_1283 : vector<1x512xf32>
    %div3A_1295 = arith.constant -1.000000e+00 : f32
    %div3A_1296 = vector.broadcast %div3A_1295 : f32 to vector<1x512xf32>
    %div3A_1297 = arith.divf %div3A_1296, %add3A_1294 : vector<1x512xf32>
    %select_n3A_1298 = arith.select %ge3A_1286, %div3A_1290, %div3A_1297 : vector<1x512xi1>, vector<1x512xf32>
    %eq3A_1299 = arith.constant 0.000000e+00 : f32
    %eq3A_1300 = vector.broadcast %eq3A_1299 : f32 to vector<1x512xf32>
    %eq3A_1301 = arith.cmpf oeq, %add3A_1239, %eq3A_1300 : vector<1x512xf32>
    %jit3A_1302 = arith.constant 0.000000e+00 : f32
    %broadcast_in_dim3A_1303 = vector.broadcast %jit3A_1302 : f32 to vector<1x512xf32>
    %select_n3A_1304 = arith.select %eq3A_1301, %broadcast_in_dim3A_1303, %select_n3A_1298 : vector<1x512xi1>, vector<1x512xf32>
    %mul3A_1305 = arith.mulf %select_n3A_1304, %select_n3A_1304 : vector<1x512xf32>
    %add3A_1306 = arith.constant 1.000000e+00 : f32
    %add3A_1307 = vector.broadcast %add3A_1306 : f32 to vector<1x512xf32>
    %add3A_1308 = arith.addf %add3A_1307, %mul3A_1305 : vector<1x512xf32>
    %sqrt3A_1309 = math.sqrt %add3A_1308 : vector<1x512xf32>
    %div3A_1310 = arith.constant 1.000000e+00 : f32
    %div3A_1311 = vector.broadcast %div3A_1310 : f32 to vector<1x512xf32>
    %div3A_1312 = arith.divf %div3A_1311, %sqrt3A_1309 : vector<1x512xf32>
    %mul3A_1313 = arith.mulf %select_n3A_1304, %div3A_1312 : vector<1x512xf32>
    %mul3A_1314 = arith.mulf %div3A_1312, %sub3A_1230 : vector<1x512xf32>
    %mul3A_1315 = arith.mulf %mul3A_1313, %sub3A_1233 : vector<1x512xf32>
    %sub3A_1316 = arith.subf %mul3A_1314, %mul3A_1315 : vector<1x512xf32>
    %mul3A_1317 = arith.mulf %div3A_1312, %add3A_1132 : vector<1x512xf32>
    %mul3A_1318 = arith.mulf %mul3A_1313, %add3A_1221 : vector<1x512xf32>
    %sub3A_1319 = arith.subf %mul3A_1317, %mul3A_1318 : vector<1x512xf32>
    %mul3A_1320 = arith.mulf %div3A_1312, %add3A_1239 : vector<1x512xf32>
    %mul3A_1321 = arith.mulf %mul3A_1313, %add3A_1242 : vector<1x512xf32>
    %sub3A_1322 = arith.subf %mul3A_1320, %mul3A_1321 : vector<1x512xf32>
    %mul3A_1323 = arith.mulf %mul3A_1313, %sub3A_1230 : vector<1x512xf32>
    %mul3A_1324 = arith.mulf %div3A_1312, %sub3A_1233 : vector<1x512xf32>
    %add3A_1325 = arith.addf %mul3A_1323, %mul3A_1324 : vector<1x512xf32>
    %mul3A_1326 = arith.mulf %mul3A_1313, %add3A_1132 : vector<1x512xf32>
    %mul3A_1327 = arith.mulf %div3A_1312, %add3A_1221 : vector<1x512xf32>
    %add3A_1328 = arith.addf %mul3A_1326, %mul3A_1327 : vector<1x512xf32>
    %mul3A_1329 = arith.mulf %mul3A_1313, %add3A_1239 : vector<1x512xf32>
    %mul3A_1330 = arith.mulf %div3A_1312, %add3A_1242 : vector<1x512xf32>
    %add3A_1331 = arith.addf %mul3A_1329, %mul3A_1330 : vector<1x512xf32>
    %mul3A_1332 = arith.mulf %sub3A_1212, %div3A_1312 : vector<1x512xf32>
    %mul3A_1333 = arith.mulf %mul3A_1313, %add3A_1236 : vector<1x512xf32>
    %sub3A_1334 = arith.subf %mul3A_1332, %mul3A_1333 : vector<1x512xf32>
    %mul3A_1335 = arith.mulf %sub3A_1319, %div3A_1312 : vector<1x512xf32>
    %mul3A_1336 = arith.mulf %mul3A_1313, %sub3A_1322 : vector<1x512xf32>
    %sub3A_1337 = arith.subf %mul3A_1335, %mul3A_1336 : vector<1x512xf32>
    %mul3A_1338 = arith.mulf %add3A_1328, %div3A_1312 : vector<1x512xf32>
    %mul3A_1339 = arith.mulf %mul3A_1313, %add3A_1331 : vector<1x512xf32>
    %sub3A_1340 = arith.subf %mul3A_1338, %mul3A_1339 : vector<1x512xf32>
    %mul3A_1341 = arith.mulf %sub3A_1212, %mul3A_1313 : vector<1x512xf32>
    %mul3A_1342 = arith.mulf %add3A_1236, %div3A_1312 : vector<1x512xf32>
    %add3A_1343 = arith.addf %mul3A_1341, %mul3A_1342 : vector<1x512xf32>
    %mul3A_1344 = arith.mulf %sub3A_1319, %mul3A_1313 : vector<1x512xf32>
    %mul3A_1345 = arith.mulf %sub3A_1322, %div3A_1312 : vector<1x512xf32>
    %add3A_1346 = arith.addf %mul3A_1344, %mul3A_1345 : vector<1x512xf32>
    %mul3A_1347 = arith.mulf %add3A_1328, %mul3A_1313 : vector<1x512xf32>
    %mul3A_1348 = arith.mulf %add3A_1331, %div3A_1312 : vector<1x512xf32>
    %add3A_1349 = arith.addf %mul3A_1347, %mul3A_1348 : vector<1x512xf32>
    %mul3A_1350 = arith.mulf %add3A_1147, %div3A_1312 : vector<1x512xf32>
    %mul3A_1351 = arith.mulf %mul3A_1313, %add3A_1254 : vector<1x512xf32>
    %sub3A_1352 = arith.subf %mul3A_1350, %mul3A_1351 : vector<1x512xf32>
    %mul3A_1353 = arith.mulf %add3A_1150, %div3A_1312 : vector<1x512xf32>
    %mul3A_1354 = arith.mulf %mul3A_1313, %add3A_1257 : vector<1x512xf32>
    %sub3A_1355 = arith.subf %mul3A_1353, %mul3A_1354 : vector<1x512xf32>
    %mul3A_1356 = arith.mulf %add3A_1153, %div3A_1312 : vector<1x512xf32>
    %mul3A_1357 = arith.mulf %mul3A_1313, %add3A_1260 : vector<1x512xf32>
    %sub3A_1358 = arith.subf %mul3A_1356, %mul3A_1357 : vector<1x512xf32>
    %mul3A_1359 = arith.mulf %add3A_1147, %mul3A_1313 : vector<1x512xf32>
    %mul3A_1360 = arith.mulf %add3A_1254, %div3A_1312 : vector<1x512xf32>
    %add3A_1361 = arith.addf %mul3A_1359, %mul3A_1360 : vector<1x512xf32>
    %mul3A_1362 = arith.mulf %add3A_1150, %mul3A_1313 : vector<1x512xf32>
    %mul3A_1363 = arith.mulf %add3A_1257, %div3A_1312 : vector<1x512xf32>
    %add3A_1364 = arith.addf %mul3A_1362, %mul3A_1363 : vector<1x512xf32>
    %mul3A_1365 = arith.mulf %add3A_1153, %mul3A_1313 : vector<1x512xf32>
    %mul3A_1366 = arith.mulf %add3A_1260, %div3A_1312 : vector<1x512xf32>
    %add3A_1367 = arith.addf %mul3A_1365, %mul3A_1366 : vector<1x512xf32>
    %sub3A_1368 = arith.subf %sub3A_1337, %sub3A_1227 : vector<1x512xf32>
    %abs3A_1369 = math.absf %sub3A_1368 : vector<1x512xf32>
    %abs3A_1370 = math.absf %sub3A_1334 : vector<1x512xf32>
    %mul3A_1371 = arith.constant 3.000000e-02 : f32
    %mul3A_1372 = vector.broadcast %mul3A_1371 : f32 to vector<1x512xf32>
    %mul3A_1373 = arith.mulf %mul3A_1372, %abs3A_1370 : vector<1x512xf32>
    %lt3A_1374 = arith.cmpf olt, %abs3A_1369, %mul3A_1373 : vector<1x512xf32>
    %jit3A_1375 = arith.constant 1.000000e+00 : f32
    %jit3A_1376 = arith.constant 0.000000e+00 : f32
    %broadcast_in_dim3A_1377 = vector.broadcast %jit3A_1375 : f32 to vector<1x512xf32>
    %broadcast_in_dim3A_1378 = vector.broadcast %jit3A_1376 : f32 to vector<1x512xf32>
    %select_n3A_1379 = arith.select %lt3A_1374, %broadcast_in_dim3A_1377, %broadcast_in_dim3A_1378 : vector<1x512xi1>, vector<1x512xf32>
    %max3A_1380 = arith.maximumf %max3A_1273, %select_n3A_1379 : vector<1x512xf32>
    %sub3A_1381 = arith.subf %sub3A_1337, %sub3A_1227 : vector<1x512xf32>
    %mul3A_1382 = arith.constant 2.000000e+00 : f32
    %mul3A_1383 = vector.broadcast %mul3A_1382 : f32 to vector<1x512xf32>
    %mul3A_1384 = arith.mulf %mul3A_1383, %sub3A_1334 : vector<1x512xf32>
    %div3A_1385 = arith.divf %sub3A_1381, %mul3A_1384 : vector<1x512xf32>
    %mul3A_1386 = arith.mulf %div3A_1385, %div3A_1385 : vector<1x512xf32>
    %add3A_1387 = arith.constant 1.000000e+00 : f32
    %add3A_1388 = vector.broadcast %add3A_1387 : f32 to vector<1x512xf32>
    %add3A_1389 = arith.addf %add3A_1388, %mul3A_1386 : vector<1x512xf32>
    %sqrt3A_1390 = math.sqrt %add3A_1389 : vector<1x512xf32>
    %ge3A_1391 = arith.constant 0.000000e+00 : f32
    %ge3A_1392 = vector.broadcast %ge3A_1391 : f32 to vector<1x512xf32>
    %ge3A_1393 = arith.cmpf oge, %div3A_1385, %ge3A_1392 : vector<1x512xf32>
    %add3A_1394 = arith.addf %div3A_1385, %sqrt3A_1390 : vector<1x512xf32>
    %div3A_1395 = arith.constant 1.000000e+00 : f32
    %div3A_1396 = vector.broadcast %div3A_1395 : f32 to vector<1x512xf32>
    %div3A_1397 = arith.divf %div3A_1396, %add3A_1394 : vector<1x512xf32>
    %neg3A_1398 = arith.constant 0.000000e+00 : f32
    %neg3A_1399 = vector.broadcast %neg3A_1398 : f32 to vector<1x512xf32>
    %neg3A_1400 = arith.subf %neg3A_1399, %div3A_1385 : vector<1x512xf32>
    %add3A_1401 = arith.addf %neg3A_1400, %sqrt3A_1390 : vector<1x512xf32>
    %div3A_1402 = arith.constant -1.000000e+00 : f32
    %div3A_1403 = vector.broadcast %div3A_1402 : f32 to vector<1x512xf32>
    %div3A_1404 = arith.divf %div3A_1403, %add3A_1401 : vector<1x512xf32>
    %select_n3A_1405 = arith.select %ge3A_1393, %div3A_1397, %div3A_1404 : vector<1x512xi1>, vector<1x512xf32>
    %eq3A_1406 = arith.constant 0.000000e+00 : f32
    %eq3A_1407 = vector.broadcast %eq3A_1406 : f32 to vector<1x512xf32>
    %eq3A_1408 = arith.cmpf oeq, %sub3A_1334, %eq3A_1407 : vector<1x512xf32>
    %jit3A_1409 = arith.constant 0.000000e+00 : f32
    %broadcast_in_dim3A_1410 = vector.broadcast %jit3A_1409 : f32 to vector<1x512xf32>
    %select_n3A_1411 = arith.select %eq3A_1408, %broadcast_in_dim3A_1410, %select_n3A_1405 : vector<1x512xi1>, vector<1x512xf32>
    %mul3A_1412 = arith.mulf %select_n3A_1411, %select_n3A_1411 : vector<1x512xf32>
    %add3A_1413 = arith.constant 1.000000e+00 : f32
    %add3A_1414 = vector.broadcast %add3A_1413 : f32 to vector<1x512xf32>
    %add3A_1415 = arith.addf %add3A_1414, %mul3A_1412 : vector<1x512xf32>
    %sqrt3A_1416 = math.sqrt %add3A_1415 : vector<1x512xf32>
    %div3A_1417 = arith.constant 1.000000e+00 : f32
    %div3A_1418 = vector.broadcast %div3A_1417 : f32 to vector<1x512xf32>
    %div3A_1419 = arith.divf %div3A_1418, %sqrt3A_1416 : vector<1x512xf32>
    %mul3A_1420 = arith.mulf %select_n3A_1411, %div3A_1419 : vector<1x512xf32>
    %mul3A_1421 = arith.mulf %div3A_1419, %sub3A_1227 : vector<1x512xf32>
    %mul3A_1422 = arith.mulf %mul3A_1420, %sub3A_1316 : vector<1x512xf32>
    %sub3A_1423 = arith.subf %mul3A_1421, %mul3A_1422 : vector<1x512xf32>
    %mul3A_1424 = arith.mulf %div3A_1419, %sub3A_1334 : vector<1x512xf32>
    %mul3A_1425 = arith.mulf %mul3A_1420, %sub3A_1337 : vector<1x512xf32>
    %sub3A_1426 = arith.subf %mul3A_1424, %mul3A_1425 : vector<1x512xf32>
    %mul3A_1427 = arith.mulf %div3A_1419, %add3A_1343 : vector<1x512xf32>
    %mul3A_1428 = arith.mulf %mul3A_1420, %add3A_1346 : vector<1x512xf32>
    %sub3A_1429 = arith.subf %mul3A_1427, %mul3A_1428 : vector<1x512xf32>
    %mul3A_1430 = arith.mulf %mul3A_1420, %sub3A_1227 : vector<1x512xf32>
    %mul3A_1431 = arith.mulf %div3A_1419, %sub3A_1316 : vector<1x512xf32>
    %add3A_1432 = arith.addf %mul3A_1430, %mul3A_1431 : vector<1x512xf32>
    %mul3A_1433 = arith.mulf %mul3A_1420, %sub3A_1334 : vector<1x512xf32>
    %mul3A_1434 = arith.mulf %div3A_1419, %sub3A_1337 : vector<1x512xf32>
    %add3A_1435 = arith.addf %mul3A_1433, %mul3A_1434 : vector<1x512xf32>
    %mul3A_1436 = arith.mulf %mul3A_1420, %add3A_1343 : vector<1x512xf32>
    %mul3A_1437 = arith.mulf %div3A_1419, %add3A_1346 : vector<1x512xf32>
    %add3A_1438 = arith.addf %mul3A_1436, %mul3A_1437 : vector<1x512xf32>
    %mul3A_1439 = arith.mulf %sub3A_1423, %div3A_1419 : vector<1x512xf32>
    %mul3A_1440 = arith.mulf %mul3A_1420, %sub3A_1426 : vector<1x512xf32>
    %sub3A_1441 = arith.subf %mul3A_1439, %mul3A_1440 : vector<1x512xf32>
    %mul3A_1442 = arith.mulf %add3A_1432, %div3A_1419 : vector<1x512xf32>
    %mul3A_1443 = arith.mulf %mul3A_1420, %add3A_1435 : vector<1x512xf32>
    %sub3A_1444 = arith.subf %mul3A_1442, %mul3A_1443 : vector<1x512xf32>
    %mul3A_1445 = arith.mulf %add3A_1325, %div3A_1419 : vector<1x512xf32>
    %mul3A_1446 = arith.mulf %mul3A_1420, %sub3A_1340 : vector<1x512xf32>
    %sub3A_1447 = arith.subf %mul3A_1445, %mul3A_1446 : vector<1x512xf32>
    %mul3A_1448 = arith.mulf %sub3A_1423, %mul3A_1420 : vector<1x512xf32>
    %mul3A_1449 = arith.mulf %sub3A_1426, %div3A_1419 : vector<1x512xf32>
    %add3A_1450 = arith.addf %mul3A_1448, %mul3A_1449 : vector<1x512xf32>
    %mul3A_1451 = arith.mulf %add3A_1432, %mul3A_1420 : vector<1x512xf32>
    %mul3A_1452 = arith.mulf %add3A_1435, %div3A_1419 : vector<1x512xf32>
    %add3A_1453 = arith.addf %mul3A_1451, %mul3A_1452 : vector<1x512xf32>
    %mul3A_1454 = arith.mulf %add3A_1325, %mul3A_1420 : vector<1x512xf32>
    %mul3A_1455 = arith.mulf %sub3A_1340, %div3A_1419 : vector<1x512xf32>
    %add3A_1456 = arith.addf %mul3A_1454, %mul3A_1455 : vector<1x512xf32>
    %mul3A_1457 = arith.mulf %sub3A_1245, %div3A_1419 : vector<1x512xf32>
    %mul3A_1458 = arith.mulf %mul3A_1420, %sub3A_1352 : vector<1x512xf32>
    %sub3A_1459 = arith.subf %mul3A_1457, %mul3A_1458 : vector<1x512xf32>
    %mul3A_1460 = arith.mulf %sub3A_1248, %div3A_1419 : vector<1x512xf32>
    %mul3A_1461 = arith.mulf %mul3A_1420, %sub3A_1355 : vector<1x512xf32>
    %sub3A_1462 = arith.subf %mul3A_1460, %mul3A_1461 : vector<1x512xf32>
    %mul3A_1463 = arith.mulf %sub3A_1251, %div3A_1419 : vector<1x512xf32>
    %mul3A_1464 = arith.mulf %mul3A_1420, %sub3A_1358 : vector<1x512xf32>
    %sub3A_1465 = arith.subf %mul3A_1463, %mul3A_1464 : vector<1x512xf32>
    %mul3A_1466 = arith.mulf %sub3A_1245, %mul3A_1420 : vector<1x512xf32>
    %mul3A_1467 = arith.mulf %sub3A_1352, %div3A_1419 : vector<1x512xf32>
    %add3A_1468 = arith.addf %mul3A_1466, %mul3A_1467 : vector<1x512xf32>
    %mul3A_1469 = arith.mulf %sub3A_1248, %mul3A_1420 : vector<1x512xf32>
    %mul3A_1470 = arith.mulf %sub3A_1355, %div3A_1419 : vector<1x512xf32>
    %add3A_1471 = arith.addf %mul3A_1469, %mul3A_1470 : vector<1x512xf32>
    %mul3A_1472 = arith.mulf %sub3A_1251, %mul3A_1420 : vector<1x512xf32>
    %mul3A_1473 = arith.mulf %sub3A_1358, %div3A_1419 : vector<1x512xf32>
    %add3A_1474 = arith.addf %mul3A_1472, %mul3A_1473 : vector<1x512xf32>
    %sub3A_1475 = arith.subf %add3A_1349, %sub3A_1441 : vector<1x512xf32>
    %abs3A_1476 = math.absf %sub3A_1475 : vector<1x512xf32>
    %abs3A_1477 = math.absf %sub3A_1429 : vector<1x512xf32>
    %mul3A_1478 = arith.constant 3.000000e-02 : f32
    %mul3A_1479 = vector.broadcast %mul3A_1478 : f32 to vector<1x512xf32>
    %mul3A_1480 = arith.mulf %mul3A_1479, %abs3A_1477 : vector<1x512xf32>
    %lt3A_1481 = arith.cmpf olt, %abs3A_1476, %mul3A_1480 : vector<1x512xf32>
    %jit3A_1482 = arith.constant 1.000000e+00 : f32
    %jit3A_1483 = arith.constant 0.000000e+00 : f32
    %broadcast_in_dim3A_1484 = vector.broadcast %jit3A_1482 : f32 to vector<1x512xf32>
    %broadcast_in_dim3A_1485 = vector.broadcast %jit3A_1483 : f32 to vector<1x512xf32>
    %select_n3A_1486 = arith.select %lt3A_1481, %broadcast_in_dim3A_1484, %broadcast_in_dim3A_1485 : vector<1x512xi1>, vector<1x512xf32>
    %max3A_1487 = arith.maximumf %max3A_1380, %select_n3A_1486 : vector<1x512xf32>
    %sub3A_1488 = arith.subf %add3A_1349, %sub3A_1441 : vector<1x512xf32>
    %mul3A_1489 = arith.constant 2.000000e+00 : f32
    %mul3A_1490 = vector.broadcast %mul3A_1489 : f32 to vector<1x512xf32>
    %mul3A_1491 = arith.mulf %mul3A_1490, %sub3A_1429 : vector<1x512xf32>
    %div3A_1492 = arith.divf %sub3A_1488, %mul3A_1491 : vector<1x512xf32>
    %mul3A_1493 = arith.mulf %div3A_1492, %div3A_1492 : vector<1x512xf32>
    %add3A_1494 = arith.constant 1.000000e+00 : f32
    %add3A_1495 = vector.broadcast %add3A_1494 : f32 to vector<1x512xf32>
    %add3A_1496 = arith.addf %add3A_1495, %mul3A_1493 : vector<1x512xf32>
    %sqrt3A_1497 = math.sqrt %add3A_1496 : vector<1x512xf32>
    %ge3A_1498 = arith.constant 0.000000e+00 : f32
    %ge3A_1499 = vector.broadcast %ge3A_1498 : f32 to vector<1x512xf32>
    %ge3A_1500 = arith.cmpf oge, %div3A_1492, %ge3A_1499 : vector<1x512xf32>
    %add3A_1501 = arith.addf %div3A_1492, %sqrt3A_1497 : vector<1x512xf32>
    %div3A_1502 = arith.constant 1.000000e+00 : f32
    %div3A_1503 = vector.broadcast %div3A_1502 : f32 to vector<1x512xf32>
    %div3A_1504 = arith.divf %div3A_1503, %add3A_1501 : vector<1x512xf32>
    %neg3A_1505 = arith.constant 0.000000e+00 : f32
    %neg3A_1506 = vector.broadcast %neg3A_1505 : f32 to vector<1x512xf32>
    %neg3A_1507 = arith.subf %neg3A_1506, %div3A_1492 : vector<1x512xf32>
    %add3A_1508 = arith.addf %neg3A_1507, %sqrt3A_1497 : vector<1x512xf32>
    %div3A_1509 = arith.constant -1.000000e+00 : f32
    %div3A_1510 = vector.broadcast %div3A_1509 : f32 to vector<1x512xf32>
    %div3A_1511 = arith.divf %div3A_1510, %add3A_1508 : vector<1x512xf32>
    %select_n3A_1512 = arith.select %ge3A_1500, %div3A_1504, %div3A_1511 : vector<1x512xi1>, vector<1x512xf32>
    %eq3A_1513 = arith.constant 0.000000e+00 : f32
    %eq3A_1514 = vector.broadcast %eq3A_1513 : f32 to vector<1x512xf32>
    %eq3A_1515 = arith.cmpf oeq, %sub3A_1429, %eq3A_1514 : vector<1x512xf32>
    %jit3A_1516 = arith.constant 0.000000e+00 : f32
    %broadcast_in_dim3A_1517 = vector.broadcast %jit3A_1516 : f32 to vector<1x512xf32>
    %select_n3A_1518 = arith.select %eq3A_1515, %broadcast_in_dim3A_1517, %select_n3A_1512 : vector<1x512xi1>, vector<1x512xf32>
    %mul3A_1519 = arith.mulf %select_n3A_1518, %select_n3A_1518 : vector<1x512xf32>
    %add3A_1520 = arith.constant 1.000000e+00 : f32
    %add3A_1521 = vector.broadcast %add3A_1520 : f32 to vector<1x512xf32>
    %add3A_1522 = arith.addf %add3A_1521, %mul3A_1519 : vector<1x512xf32>
    %sqrt3A_1523 = math.sqrt %add3A_1522 : vector<1x512xf32>
    %div3A_1524 = arith.constant 1.000000e+00 : f32
    %div3A_1525 = vector.broadcast %div3A_1524 : f32 to vector<1x512xf32>
    %div3A_1526 = arith.divf %div3A_1525, %sqrt3A_1523 : vector<1x512xf32>
    %mul3A_1527 = arith.mulf %select_n3A_1518, %div3A_1526 : vector<1x512xf32>
    %mul3A_1528 = arith.mulf %div3A_1526, %sub3A_1441 : vector<1x512xf32>
    %mul3A_1529 = arith.mulf %mul3A_1527, %sub3A_1447 : vector<1x512xf32>
    %sub3A_1530 = arith.subf %mul3A_1528, %mul3A_1529 : vector<1x512xf32>
    %mul3A_1531 = arith.mulf %div3A_1526, %add3A_1450 : vector<1x512xf32>
    %mul3A_1532 = arith.mulf %mul3A_1527, %add3A_1456 : vector<1x512xf32>
    %sub3A_1533 = arith.subf %mul3A_1531, %mul3A_1532 : vector<1x512xf32>
    %mul3A_1534 = arith.mulf %div3A_1526, %sub3A_1429 : vector<1x512xf32>
    %mul3A_1535 = arith.mulf %mul3A_1527, %add3A_1349 : vector<1x512xf32>
    %sub3A_1536 = arith.subf %mul3A_1534, %mul3A_1535 : vector<1x512xf32>
    %mul3A_1537 = arith.mulf %mul3A_1527, %sub3A_1441 : vector<1x512xf32>
    %mul3A_1538 = arith.mulf %div3A_1526, %sub3A_1447 : vector<1x512xf32>
    %add3A_1539 = arith.addf %mul3A_1537, %mul3A_1538 : vector<1x512xf32>
    %mul3A_1540 = arith.mulf %mul3A_1527, %add3A_1450 : vector<1x512xf32>
    %mul3A_1541 = arith.mulf %div3A_1526, %add3A_1456 : vector<1x512xf32>
    %add3A_1542 = arith.addf %mul3A_1540, %mul3A_1541 : vector<1x512xf32>
    %mul3A_1543 = arith.mulf %mul3A_1527, %sub3A_1429 : vector<1x512xf32>
    %mul3A_1544 = arith.mulf %div3A_1526, %add3A_1349 : vector<1x512xf32>
    %add3A_1545 = arith.addf %mul3A_1543, %mul3A_1544 : vector<1x512xf32>
    %mul3A_1546 = arith.mulf %sub3A_1530, %div3A_1526 : vector<1x512xf32>
    %mul3A_1547 = arith.mulf %mul3A_1527, %sub3A_1536 : vector<1x512xf32>
    %sub3A_1548 = arith.subf %mul3A_1546, %mul3A_1547 : vector<1x512xf32>
    %mul3A_1549 = arith.mulf %sub3A_1444, %div3A_1526 : vector<1x512xf32>
    %mul3A_1550 = arith.mulf %mul3A_1527, %add3A_1438 : vector<1x512xf32>
    %sub3A_1551 = arith.subf %mul3A_1549, %mul3A_1550 : vector<1x512xf32>
    %mul3A_1552 = arith.mulf %add3A_1539, %div3A_1526 : vector<1x512xf32>
    %mul3A_1553 = arith.mulf %mul3A_1527, %add3A_1545 : vector<1x512xf32>
    %sub3A_1554 = arith.subf %mul3A_1552, %mul3A_1553 : vector<1x512xf32>
    %mul3A_1555 = arith.mulf %sub3A_1530, %mul3A_1527 : vector<1x512xf32>
    %mul3A_1556 = arith.mulf %sub3A_1536, %div3A_1526 : vector<1x512xf32>
    %add3A_1557 = arith.addf %mul3A_1555, %mul3A_1556 : vector<1x512xf32>
    %mul3A_1558 = arith.mulf %sub3A_1444, %mul3A_1527 : vector<1x512xf32>
    %mul3A_1559 = arith.mulf %add3A_1438, %div3A_1526 : vector<1x512xf32>
    %add3A_1560 = arith.addf %mul3A_1558, %mul3A_1559 : vector<1x512xf32>
    %mul3A_1561 = arith.mulf %add3A_1539, %mul3A_1527 : vector<1x512xf32>
    %mul3A_1562 = arith.mulf %add3A_1545, %div3A_1526 : vector<1x512xf32>
    %add3A_1563 = arith.addf %mul3A_1561, %mul3A_1562 : vector<1x512xf32>
    %mul3A_1564 = arith.mulf %sub3A_1459, %div3A_1526 : vector<1x512xf32>
    %mul3A_1565 = arith.mulf %mul3A_1527, %add3A_1361 : vector<1x512xf32>
    %sub3A_1566 = arith.subf %mul3A_1564, %mul3A_1565 : vector<1x512xf32>
    %mul3A_1567 = arith.mulf %sub3A_1462, %div3A_1526 : vector<1x512xf32>
    %mul3A_1568 = arith.mulf %mul3A_1527, %add3A_1364 : vector<1x512xf32>
    %sub3A_1569 = arith.subf %mul3A_1567, %mul3A_1568 : vector<1x512xf32>
    %mul3A_1570 = arith.mulf %sub3A_1465, %div3A_1526 : vector<1x512xf32>
    %mul3A_1571 = arith.mulf %mul3A_1527, %add3A_1367 : vector<1x512xf32>
    %sub3A_1572 = arith.subf %mul3A_1570, %mul3A_1571 : vector<1x512xf32>
    %mul3A_1573 = arith.mulf %sub3A_1459, %mul3A_1527 : vector<1x512xf32>
    %mul3A_1574 = arith.mulf %add3A_1361, %div3A_1526 : vector<1x512xf32>
    %add3A_1575 = arith.addf %mul3A_1573, %mul3A_1574 : vector<1x512xf32>
    %mul3A_1576 = arith.mulf %sub3A_1462, %mul3A_1527 : vector<1x512xf32>
    %mul3A_1577 = arith.mulf %add3A_1364, %div3A_1526 : vector<1x512xf32>
    %add3A_1578 = arith.addf %mul3A_1576, %mul3A_1577 : vector<1x512xf32>
    %mul3A_1579 = arith.mulf %sub3A_1465, %mul3A_1527 : vector<1x512xf32>
    %mul3A_1580 = arith.mulf %add3A_1367, %div3A_1526 : vector<1x512xf32>
    %add3A_1581 = arith.addf %mul3A_1579, %mul3A_1580 : vector<1x512xf32>
    %sub3A_1582 = arith.subf %add3A_1563, %add3A_1453 : vector<1x512xf32>
    %abs3A_1583 = math.absf %sub3A_1582 : vector<1x512xf32>
    %abs3A_1584 = math.absf %add3A_1560 : vector<1x512xf32>
    %mul3A_1585 = arith.constant 3.000000e-02 : f32
    %mul3A_1586 = vector.broadcast %mul3A_1585 : f32 to vector<1x512xf32>
    %mul3A_1587 = arith.mulf %mul3A_1586, %abs3A_1584 : vector<1x512xf32>
    %lt3A_1588 = arith.cmpf olt, %abs3A_1583, %mul3A_1587 : vector<1x512xf32>
    %jit3A_1589 = arith.constant 1.000000e+00 : f32
    %jit3A_1590 = arith.constant 0.000000e+00 : f32
    %broadcast_in_dim3A_1591 = vector.broadcast %jit3A_1589 : f32 to vector<1x512xf32>
    %broadcast_in_dim3A_1592 = vector.broadcast %jit3A_1590 : f32 to vector<1x512xf32>
    %select_n3A_1593 = arith.select %lt3A_1588, %broadcast_in_dim3A_1591, %broadcast_in_dim3A_1592 : vector<1x512xi1>, vector<1x512xf32>
    %max3A_1594 = arith.maximumf %max3A_1487, %select_n3A_1593 : vector<1x512xf32>
    %sub3A_1595 = arith.subf %add3A_1563, %add3A_1453 : vector<1x512xf32>
    %mul3A_1596 = arith.constant 2.000000e+00 : f32
    %mul3A_1597 = vector.broadcast %mul3A_1596 : f32 to vector<1x512xf32>
    %mul3A_1598 = arith.mulf %mul3A_1597, %add3A_1560 : vector<1x512xf32>
    %div3A_1599 = arith.divf %sub3A_1595, %mul3A_1598 : vector<1x512xf32>
    %mul3A_1600 = arith.mulf %div3A_1599, %div3A_1599 : vector<1x512xf32>
    %add3A_1601 = arith.constant 1.000000e+00 : f32
    %add3A_1602 = vector.broadcast %add3A_1601 : f32 to vector<1x512xf32>
    %add3A_1603 = arith.addf %add3A_1602, %mul3A_1600 : vector<1x512xf32>
    %sqrt3A_1604 = math.sqrt %add3A_1603 : vector<1x512xf32>
    %ge3A_1605 = arith.constant 0.000000e+00 : f32
    %ge3A_1606 = vector.broadcast %ge3A_1605 : f32 to vector<1x512xf32>
    %ge3A_1607 = arith.cmpf oge, %div3A_1599, %ge3A_1606 : vector<1x512xf32>
    %add3A_1608 = arith.addf %div3A_1599, %sqrt3A_1604 : vector<1x512xf32>
    %div3A_1609 = arith.constant 1.000000e+00 : f32
    %div3A_1610 = vector.broadcast %div3A_1609 : f32 to vector<1x512xf32>
    %div3A_1611 = arith.divf %div3A_1610, %add3A_1608 : vector<1x512xf32>
    %neg3A_1612 = arith.constant 0.000000e+00 : f32
    %neg3A_1613 = vector.broadcast %neg3A_1612 : f32 to vector<1x512xf32>
    %neg3A_1614 = arith.subf %neg3A_1613, %div3A_1599 : vector<1x512xf32>
    %add3A_1615 = arith.addf %neg3A_1614, %sqrt3A_1604 : vector<1x512xf32>
    %div3A_1616 = arith.constant -1.000000e+00 : f32
    %div3A_1617 = vector.broadcast %div3A_1616 : f32 to vector<1x512xf32>
    %div3A_1618 = arith.divf %div3A_1617, %add3A_1615 : vector<1x512xf32>
    %select_n3A_1619 = arith.select %ge3A_1607, %div3A_1611, %div3A_1618 : vector<1x512xi1>, vector<1x512xf32>
    %eq3A_1620 = arith.constant 0.000000e+00 : f32
    %eq3A_1621 = vector.broadcast %eq3A_1620 : f32 to vector<1x512xf32>
    %eq3A_1622 = arith.cmpf oeq, %add3A_1560, %eq3A_1621 : vector<1x512xf32>
    %jit3A_1623 = arith.constant 0.000000e+00 : f32
    %broadcast_in_dim3A_1624 = vector.broadcast %jit3A_1623 : f32 to vector<1x512xf32>
    %select_n3A_1625 = arith.select %eq3A_1622, %broadcast_in_dim3A_1624, %select_n3A_1619 : vector<1x512xi1>, vector<1x512xf32>
    %mul3A_1626 = arith.mulf %select_n3A_1625, %select_n3A_1625 : vector<1x512xf32>
    %add3A_1627 = arith.constant 1.000000e+00 : f32
    %add3A_1628 = vector.broadcast %add3A_1627 : f32 to vector<1x512xf32>
    %add3A_1629 = arith.addf %add3A_1628, %mul3A_1626 : vector<1x512xf32>
    %sqrt3A_1630 = math.sqrt %add3A_1629 : vector<1x512xf32>
    %div3A_1631 = arith.constant 1.000000e+00 : f32
    %div3A_1632 = vector.broadcast %div3A_1631 : f32 to vector<1x512xf32>
    %div3A_1633 = arith.divf %div3A_1632, %sqrt3A_1630 : vector<1x512xf32>
    %mul3A_1634 = arith.mulf %select_n3A_1625, %div3A_1633 : vector<1x512xf32>
    %mul3A_1635 = arith.mulf %div3A_1633, %sub3A_1551 : vector<1x512xf32>
    %mul3A_1636 = arith.mulf %mul3A_1634, %sub3A_1554 : vector<1x512xf32>
    %sub3A_1637 = arith.subf %mul3A_1635, %mul3A_1636 : vector<1x512xf32>
    %mul3A_1638 = arith.mulf %div3A_1633, %add3A_1453 : vector<1x512xf32>
    %mul3A_1639 = arith.mulf %mul3A_1634, %add3A_1542 : vector<1x512xf32>
    %sub3A_1640 = arith.subf %mul3A_1638, %mul3A_1639 : vector<1x512xf32>
    %mul3A_1641 = arith.mulf %div3A_1633, %add3A_1560 : vector<1x512xf32>
    %mul3A_1642 = arith.mulf %mul3A_1634, %add3A_1563 : vector<1x512xf32>
    %sub3A_1643 = arith.subf %mul3A_1641, %mul3A_1642 : vector<1x512xf32>
    %mul3A_1644 = arith.mulf %mul3A_1634, %sub3A_1551 : vector<1x512xf32>
    %mul3A_1645 = arith.mulf %div3A_1633, %sub3A_1554 : vector<1x512xf32>
    %add3A_1646 = arith.addf %mul3A_1644, %mul3A_1645 : vector<1x512xf32>
    %mul3A_1647 = arith.mulf %mul3A_1634, %add3A_1453 : vector<1x512xf32>
    %mul3A_1648 = arith.mulf %div3A_1633, %add3A_1542 : vector<1x512xf32>
    %add3A_1649 = arith.addf %mul3A_1647, %mul3A_1648 : vector<1x512xf32>
    %mul3A_1650 = arith.mulf %mul3A_1634, %add3A_1560 : vector<1x512xf32>
    %mul3A_1651 = arith.mulf %div3A_1633, %add3A_1563 : vector<1x512xf32>
    %add3A_1652 = arith.addf %mul3A_1650, %mul3A_1651 : vector<1x512xf32>
    %mul3A_1653 = arith.mulf %sub3A_1533, %div3A_1633 : vector<1x512xf32>
    %mul3A_1654 = arith.mulf %mul3A_1634, %add3A_1557 : vector<1x512xf32>
    %sub3A_1655 = arith.subf %mul3A_1653, %mul3A_1654 : vector<1x512xf32>
    %mul3A_1656 = arith.mulf %sub3A_1640, %div3A_1633 : vector<1x512xf32>
    %mul3A_1657 = arith.mulf %mul3A_1634, %sub3A_1643 : vector<1x512xf32>
    %sub3A_1658 = arith.subf %mul3A_1656, %mul3A_1657 : vector<1x512xf32>
    %mul3A_1659 = arith.mulf %add3A_1649, %div3A_1633 : vector<1x512xf32>
    %mul3A_1660 = arith.mulf %mul3A_1634, %add3A_1652 : vector<1x512xf32>
    %sub3A_1661 = arith.subf %mul3A_1659, %mul3A_1660 : vector<1x512xf32>
    %mul3A_1662 = arith.mulf %sub3A_1533, %mul3A_1634 : vector<1x512xf32>
    %mul3A_1663 = arith.mulf %add3A_1557, %div3A_1633 : vector<1x512xf32>
    %add3A_1664 = arith.addf %mul3A_1662, %mul3A_1663 : vector<1x512xf32>
    %mul3A_1665 = arith.mulf %sub3A_1640, %mul3A_1634 : vector<1x512xf32>
    %mul3A_1666 = arith.mulf %sub3A_1643, %div3A_1633 : vector<1x512xf32>
    %add3A_1667 = arith.addf %mul3A_1665, %mul3A_1666 : vector<1x512xf32>
    %mul3A_1668 = arith.mulf %add3A_1649, %mul3A_1634 : vector<1x512xf32>
    %mul3A_1669 = arith.mulf %add3A_1652, %div3A_1633 : vector<1x512xf32>
    %add3A_1670 = arith.addf %mul3A_1668, %mul3A_1669 : vector<1x512xf32>
    %mul3A_1671 = arith.mulf %add3A_1468, %div3A_1633 : vector<1x512xf32>
    %mul3A_1672 = arith.mulf %mul3A_1634, %add3A_1575 : vector<1x512xf32>
    %sub3A_1673 = arith.subf %mul3A_1671, %mul3A_1672 : vector<1x512xf32>
    %mul3A_1674 = arith.mulf %add3A_1471, %div3A_1633 : vector<1x512xf32>
    %mul3A_1675 = arith.mulf %mul3A_1634, %add3A_1578 : vector<1x512xf32>
    %sub3A_1676 = arith.subf %mul3A_1674, %mul3A_1675 : vector<1x512xf32>
    %mul3A_1677 = arith.mulf %add3A_1474, %div3A_1633 : vector<1x512xf32>
    %mul3A_1678 = arith.mulf %mul3A_1634, %add3A_1581 : vector<1x512xf32>
    %sub3A_1679 = arith.subf %mul3A_1677, %mul3A_1678 : vector<1x512xf32>
    %mul3A_1680 = arith.mulf %add3A_1468, %mul3A_1634 : vector<1x512xf32>
    %mul3A_1681 = arith.mulf %add3A_1575, %div3A_1633 : vector<1x512xf32>
    %add3A_1682 = arith.addf %mul3A_1680, %mul3A_1681 : vector<1x512xf32>
    %mul3A_1683 = arith.mulf %add3A_1471, %mul3A_1634 : vector<1x512xf32>
    %mul3A_1684 = arith.mulf %add3A_1578, %div3A_1633 : vector<1x512xf32>
    %add3A_1685 = arith.addf %mul3A_1683, %mul3A_1684 : vector<1x512xf32>
    %mul3A_1686 = arith.mulf %add3A_1474, %mul3A_1634 : vector<1x512xf32>
    %mul3A_1687 = arith.mulf %add3A_1581, %div3A_1633 : vector<1x512xf32>
    %add3A_1688 = arith.addf %mul3A_1686, %mul3A_1687 : vector<1x512xf32>
    %sub3A_1689 = arith.subf %sub3A_1658, %sub3A_1548 : vector<1x512xf32>
    %abs3A_1690 = math.absf %sub3A_1689 : vector<1x512xf32>
    %abs3A_1691 = math.absf %sub3A_1655 : vector<1x512xf32>
    %mul3A_1692 = arith.constant 3.000000e-02 : f32
    %mul3A_1693 = vector.broadcast %mul3A_1692 : f32 to vector<1x512xf32>
    %mul3A_1694 = arith.mulf %mul3A_1693, %abs3A_1691 : vector<1x512xf32>
    %lt3A_1695 = arith.cmpf olt, %abs3A_1690, %mul3A_1694 : vector<1x512xf32>
    %jit3A_1696 = arith.constant 1.000000e+00 : f32
    %jit3A_1697 = arith.constant 0.000000e+00 : f32
    %broadcast_in_dim3A_1698 = vector.broadcast %jit3A_1696 : f32 to vector<1x512xf32>
    %broadcast_in_dim3A_1699 = vector.broadcast %jit3A_1697 : f32 to vector<1x512xf32>
    %select_n3A_1700 = arith.select %lt3A_1695, %broadcast_in_dim3A_1698, %broadcast_in_dim3A_1699 : vector<1x512xi1>, vector<1x512xf32>
    %max3A_1701 = arith.maximumf %max3A_1594, %select_n3A_1700 : vector<1x512xf32>
    %sub3A_1702 = arith.subf %sub3A_1658, %sub3A_1548 : vector<1x512xf32>
    %mul3A_1703 = arith.constant 2.000000e+00 : f32
    %mul3A_1704 = vector.broadcast %mul3A_1703 : f32 to vector<1x512xf32>
    %mul3A_1705 = arith.mulf %mul3A_1704, %sub3A_1655 : vector<1x512xf32>
    %div3A_1706 = arith.divf %sub3A_1702, %mul3A_1705 : vector<1x512xf32>
    %mul3A_1707 = arith.mulf %div3A_1706, %div3A_1706 : vector<1x512xf32>
    %add3A_1708 = arith.constant 1.000000e+00 : f32
    %add3A_1709 = vector.broadcast %add3A_1708 : f32 to vector<1x512xf32>
    %add3A_1710 = arith.addf %add3A_1709, %mul3A_1707 : vector<1x512xf32>
    %sqrt3A_1711 = math.sqrt %add3A_1710 : vector<1x512xf32>
    %ge3A_1712 = arith.constant 0.000000e+00 : f32
    %ge3A_1713 = vector.broadcast %ge3A_1712 : f32 to vector<1x512xf32>
    %ge3A_1714 = arith.cmpf oge, %div3A_1706, %ge3A_1713 : vector<1x512xf32>
    %add3A_1715 = arith.addf %div3A_1706, %sqrt3A_1711 : vector<1x512xf32>
    %div3A_1716 = arith.constant 1.000000e+00 : f32
    %div3A_1717 = vector.broadcast %div3A_1716 : f32 to vector<1x512xf32>
    %div3A_1718 = arith.divf %div3A_1717, %add3A_1715 : vector<1x512xf32>
    %neg3A_1719 = arith.constant 0.000000e+00 : f32
    %neg3A_1720 = vector.broadcast %neg3A_1719 : f32 to vector<1x512xf32>
    %neg3A_1721 = arith.subf %neg3A_1720, %div3A_1706 : vector<1x512xf32>
    %add3A_1722 = arith.addf %neg3A_1721, %sqrt3A_1711 : vector<1x512xf32>
    %div3A_1723 = arith.constant -1.000000e+00 : f32
    %div3A_1724 = vector.broadcast %div3A_1723 : f32 to vector<1x512xf32>
    %div3A_1725 = arith.divf %div3A_1724, %add3A_1722 : vector<1x512xf32>
    %select_n3A_1726 = arith.select %ge3A_1714, %div3A_1718, %div3A_1725 : vector<1x512xi1>, vector<1x512xf32>
    %eq3A_1727 = arith.constant 0.000000e+00 : f32
    %eq3A_1728 = vector.broadcast %eq3A_1727 : f32 to vector<1x512xf32>
    %eq3A_1729 = arith.cmpf oeq, %sub3A_1655, %eq3A_1728 : vector<1x512xf32>
    %jit3A_1730 = arith.constant 0.000000e+00 : f32
    %broadcast_in_dim3A_1731 = vector.broadcast %jit3A_1730 : f32 to vector<1x512xf32>
    %select_n3A_1732 = arith.select %eq3A_1729, %broadcast_in_dim3A_1731, %select_n3A_1726 : vector<1x512xi1>, vector<1x512xf32>
    %mul3A_1733 = arith.mulf %select_n3A_1732, %select_n3A_1732 : vector<1x512xf32>
    %add3A_1734 = arith.constant 1.000000e+00 : f32
    %add3A_1735 = vector.broadcast %add3A_1734 : f32 to vector<1x512xf32>
    %add3A_1736 = arith.addf %add3A_1735, %mul3A_1733 : vector<1x512xf32>
    %sqrt3A_1737 = math.sqrt %add3A_1736 : vector<1x512xf32>
    %div3A_1738 = arith.constant 1.000000e+00 : f32
    %div3A_1739 = vector.broadcast %div3A_1738 : f32 to vector<1x512xf32>
    %div3A_1740 = arith.divf %div3A_1739, %sqrt3A_1737 : vector<1x512xf32>
    %mul3A_1741 = arith.mulf %select_n3A_1732, %div3A_1740 : vector<1x512xf32>
    %mul3A_1742 = arith.mulf %div3A_1740, %sub3A_1548 : vector<1x512xf32>
    %mul3A_1743 = arith.mulf %mul3A_1741, %sub3A_1637 : vector<1x512xf32>
    %sub3A_1744 = arith.subf %mul3A_1742, %mul3A_1743 : vector<1x512xf32>
    %mul3A_1745 = arith.mulf %div3A_1740, %sub3A_1655 : vector<1x512xf32>
    %mul3A_1746 = arith.mulf %mul3A_1741, %sub3A_1658 : vector<1x512xf32>
    %sub3A_1747 = arith.subf %mul3A_1745, %mul3A_1746 : vector<1x512xf32>
    %mul3A_1748 = arith.mulf %div3A_1740, %add3A_1664 : vector<1x512xf32>
    %mul3A_1749 = arith.mulf %mul3A_1741, %add3A_1667 : vector<1x512xf32>
    %sub3A_1750 = arith.subf %mul3A_1748, %mul3A_1749 : vector<1x512xf32>
    %mul3A_1751 = arith.mulf %mul3A_1741, %sub3A_1548 : vector<1x512xf32>
    %mul3A_1752 = arith.mulf %div3A_1740, %sub3A_1637 : vector<1x512xf32>
    %add3A_1753 = arith.addf %mul3A_1751, %mul3A_1752 : vector<1x512xf32>
    %mul3A_1754 = arith.mulf %mul3A_1741, %sub3A_1655 : vector<1x512xf32>
    %mul3A_1755 = arith.mulf %div3A_1740, %sub3A_1658 : vector<1x512xf32>
    %add3A_1756 = arith.addf %mul3A_1754, %mul3A_1755 : vector<1x512xf32>
    %mul3A_1757 = arith.mulf %mul3A_1741, %add3A_1664 : vector<1x512xf32>
    %mul3A_1758 = arith.mulf %div3A_1740, %add3A_1667 : vector<1x512xf32>
    %add3A_1759 = arith.addf %mul3A_1757, %mul3A_1758 : vector<1x512xf32>
    %mul3A_1760 = arith.mulf %sub3A_1744, %div3A_1740 : vector<1x512xf32>
    %mul3A_1761 = arith.mulf %mul3A_1741, %sub3A_1747 : vector<1x512xf32>
    %sub3A_1762 = arith.subf %mul3A_1760, %mul3A_1761 : vector<1x512xf32>
    %mul3A_1763 = arith.mulf %add3A_1753, %div3A_1740 : vector<1x512xf32>
    %mul3A_1764 = arith.mulf %mul3A_1741, %add3A_1756 : vector<1x512xf32>
    %sub3A_1765 = arith.subf %mul3A_1763, %mul3A_1764 : vector<1x512xf32>
    %mul3A_1766 = arith.mulf %add3A_1646, %div3A_1740 : vector<1x512xf32>
    %mul3A_1767 = arith.mulf %mul3A_1741, %sub3A_1661 : vector<1x512xf32>
    %sub3A_1768 = arith.subf %mul3A_1766, %mul3A_1767 : vector<1x512xf32>
    %mul3A_1769 = arith.mulf %sub3A_1744, %mul3A_1741 : vector<1x512xf32>
    %mul3A_1770 = arith.mulf %sub3A_1747, %div3A_1740 : vector<1x512xf32>
    %add3A_1771 = arith.addf %mul3A_1769, %mul3A_1770 : vector<1x512xf32>
    %mul3A_1772 = arith.mulf %add3A_1753, %mul3A_1741 : vector<1x512xf32>
    %mul3A_1773 = arith.mulf %add3A_1756, %div3A_1740 : vector<1x512xf32>
    %add3A_1774 = arith.addf %mul3A_1772, %mul3A_1773 : vector<1x512xf32>
    %mul3A_1775 = arith.mulf %add3A_1646, %mul3A_1741 : vector<1x512xf32>
    %mul3A_1776 = arith.mulf %sub3A_1661, %div3A_1740 : vector<1x512xf32>
    %add3A_1777 = arith.addf %mul3A_1775, %mul3A_1776 : vector<1x512xf32>
    %mul3A_1778 = arith.mulf %sub3A_1566, %div3A_1740 : vector<1x512xf32>
    %mul3A_1779 = arith.mulf %mul3A_1741, %sub3A_1673 : vector<1x512xf32>
    %sub3A_1780 = arith.subf %mul3A_1778, %mul3A_1779 : vector<1x512xf32>
    %mul3A_1781 = arith.mulf %sub3A_1569, %div3A_1740 : vector<1x512xf32>
    %mul3A_1782 = arith.mulf %mul3A_1741, %sub3A_1676 : vector<1x512xf32>
    %sub3A_1783 = arith.subf %mul3A_1781, %mul3A_1782 : vector<1x512xf32>
    %mul3A_1784 = arith.mulf %sub3A_1572, %div3A_1740 : vector<1x512xf32>
    %mul3A_1785 = arith.mulf %mul3A_1741, %sub3A_1679 : vector<1x512xf32>
    %sub3A_1786 = arith.subf %mul3A_1784, %mul3A_1785 : vector<1x512xf32>
    %mul3A_1787 = arith.mulf %sub3A_1566, %mul3A_1741 : vector<1x512xf32>
    %mul3A_1788 = arith.mulf %sub3A_1673, %div3A_1740 : vector<1x512xf32>
    %add3A_1789 = arith.addf %mul3A_1787, %mul3A_1788 : vector<1x512xf32>
    %mul3A_1790 = arith.mulf %sub3A_1569, %mul3A_1741 : vector<1x512xf32>
    %mul3A_1791 = arith.mulf %sub3A_1676, %div3A_1740 : vector<1x512xf32>
    %add3A_1792 = arith.addf %mul3A_1790, %mul3A_1791 : vector<1x512xf32>
    %mul3A_1793 = arith.mulf %sub3A_1572, %mul3A_1741 : vector<1x512xf32>
    %mul3A_1794 = arith.mulf %sub3A_1679, %div3A_1740 : vector<1x512xf32>
    %add3A_1795 = arith.addf %mul3A_1793, %mul3A_1794 : vector<1x512xf32>
    %sub3A_1796 = arith.subf %add3A_1670, %sub3A_1762 : vector<1x512xf32>
    %abs3A_1797 = math.absf %sub3A_1796 : vector<1x512xf32>
    %abs3A_1798 = math.absf %sub3A_1750 : vector<1x512xf32>
    %mul3A_1799 = arith.constant 3.000000e-02 : f32
    %mul3A_1800 = vector.broadcast %mul3A_1799 : f32 to vector<1x512xf32>
    %mul3A_1801 = arith.mulf %mul3A_1800, %abs3A_1798 : vector<1x512xf32>
    %lt3A_1802 = arith.cmpf olt, %abs3A_1797, %mul3A_1801 : vector<1x512xf32>
    %jit3A_1803 = arith.constant 1.000000e+00 : f32
    %jit3A_1804 = arith.constant 0.000000e+00 : f32
    %broadcast_in_dim3A_1805 = vector.broadcast %jit3A_1803 : f32 to vector<1x512xf32>
    %broadcast_in_dim3A_1806 = vector.broadcast %jit3A_1804 : f32 to vector<1x512xf32>
    %select_n3A_1807 = arith.select %lt3A_1802, %broadcast_in_dim3A_1805, %broadcast_in_dim3A_1806 : vector<1x512xi1>, vector<1x512xf32>
    %max3A_1808 = arith.maximumf %max3A_1701, %select_n3A_1807 : vector<1x512xf32>
    %sub3A_1809 = arith.subf %add3A_1670, %sub3A_1762 : vector<1x512xf32>
    %mul3A_1810 = arith.constant 2.000000e+00 : f32
    %mul3A_1811 = vector.broadcast %mul3A_1810 : f32 to vector<1x512xf32>
    %mul3A_1812 = arith.mulf %mul3A_1811, %sub3A_1750 : vector<1x512xf32>
    %div3A_1813 = arith.divf %sub3A_1809, %mul3A_1812 : vector<1x512xf32>
    %mul3A_1814 = arith.mulf %div3A_1813, %div3A_1813 : vector<1x512xf32>
    %add3A_1815 = arith.constant 1.000000e+00 : f32
    %add3A_1816 = vector.broadcast %add3A_1815 : f32 to vector<1x512xf32>
    %add3A_1817 = arith.addf %add3A_1816, %mul3A_1814 : vector<1x512xf32>
    %sqrt3A_1818 = math.sqrt %add3A_1817 : vector<1x512xf32>
    %ge3A_1819 = arith.constant 0.000000e+00 : f32
    %ge3A_1820 = vector.broadcast %ge3A_1819 : f32 to vector<1x512xf32>
    %ge3A_1821 = arith.cmpf oge, %div3A_1813, %ge3A_1820 : vector<1x512xf32>
    %add3A_1822 = arith.addf %div3A_1813, %sqrt3A_1818 : vector<1x512xf32>
    %div3A_1823 = arith.constant 1.000000e+00 : f32
    %div3A_1824 = vector.broadcast %div3A_1823 : f32 to vector<1x512xf32>
    %div3A_1825 = arith.divf %div3A_1824, %add3A_1822 : vector<1x512xf32>
    %neg3A_1826 = arith.constant 0.000000e+00 : f32
    %neg3A_1827 = vector.broadcast %neg3A_1826 : f32 to vector<1x512xf32>
    %neg3A_1828 = arith.subf %neg3A_1827, %div3A_1813 : vector<1x512xf32>
    %add3A_1829 = arith.addf %neg3A_1828, %sqrt3A_1818 : vector<1x512xf32>
    %div3A_1830 = arith.constant -1.000000e+00 : f32
    %div3A_1831 = vector.broadcast %div3A_1830 : f32 to vector<1x512xf32>
    %div3A_1832 = arith.divf %div3A_1831, %add3A_1829 : vector<1x512xf32>
    %select_n3A_1833 = arith.select %ge3A_1821, %div3A_1825, %div3A_1832 : vector<1x512xi1>, vector<1x512xf32>
    %eq3A_1834 = arith.constant 0.000000e+00 : f32
    %eq3A_1835 = vector.broadcast %eq3A_1834 : f32 to vector<1x512xf32>
    %eq3A_1836 = arith.cmpf oeq, %sub3A_1750, %eq3A_1835 : vector<1x512xf32>
    %jit3A_1837 = arith.constant 0.000000e+00 : f32
    %broadcast_in_dim3A_1838 = vector.broadcast %jit3A_1837 : f32 to vector<1x512xf32>
    %select_n3A_1839 = arith.select %eq3A_1836, %broadcast_in_dim3A_1838, %select_n3A_1833 : vector<1x512xi1>, vector<1x512xf32>
    %mul3A_1840 = arith.mulf %select_n3A_1839, %select_n3A_1839 : vector<1x512xf32>
    %add3A_1841 = arith.constant 1.000000e+00 : f32
    %add3A_1842 = vector.broadcast %add3A_1841 : f32 to vector<1x512xf32>
    %add3A_1843 = arith.addf %add3A_1842, %mul3A_1840 : vector<1x512xf32>
    %sqrt3A_1844 = math.sqrt %add3A_1843 : vector<1x512xf32>
    %div3A_1845 = arith.constant 1.000000e+00 : f32
    %div3A_1846 = vector.broadcast %div3A_1845 : f32 to vector<1x512xf32>
    %div3A_1847 = arith.divf %div3A_1846, %sqrt3A_1844 : vector<1x512xf32>
    %mul3A_1848 = arith.mulf %select_n3A_1839, %div3A_1847 : vector<1x512xf32>
    %mul3A_1849 = arith.mulf %div3A_1847, %sub3A_1762 : vector<1x512xf32>
    %mul3A_1850 = arith.mulf %mul3A_1848, %sub3A_1768 : vector<1x512xf32>
    %sub3A_1851 = arith.subf %mul3A_1849, %mul3A_1850 : vector<1x512xf32>
    %mul3A_1852 = arith.mulf %div3A_1847, %add3A_1771 : vector<1x512xf32>
    %mul3A_1853 = arith.mulf %mul3A_1848, %add3A_1777 : vector<1x512xf32>
    %sub3A_1854 = arith.subf %mul3A_1852, %mul3A_1853 : vector<1x512xf32>
    %mul3A_1855 = arith.mulf %div3A_1847, %sub3A_1750 : vector<1x512xf32>
    %mul3A_1856 = arith.mulf %mul3A_1848, %add3A_1670 : vector<1x512xf32>
    %sub3A_1857 = arith.subf %mul3A_1855, %mul3A_1856 : vector<1x512xf32>
    %mul3A_1858 = arith.mulf %mul3A_1848, %sub3A_1762 : vector<1x512xf32>
    %mul3A_1859 = arith.mulf %div3A_1847, %sub3A_1768 : vector<1x512xf32>
    %add3A_1860 = arith.addf %mul3A_1858, %mul3A_1859 : vector<1x512xf32>
    %mul3A_1861 = arith.mulf %mul3A_1848, %add3A_1771 : vector<1x512xf32>
    %mul3A_1862 = arith.mulf %div3A_1847, %add3A_1777 : vector<1x512xf32>
    %add3A_1863 = arith.addf %mul3A_1861, %mul3A_1862 : vector<1x512xf32>
    %mul3A_1864 = arith.mulf %mul3A_1848, %sub3A_1750 : vector<1x512xf32>
    %mul3A_1865 = arith.mulf %div3A_1847, %add3A_1670 : vector<1x512xf32>
    %add3A_1866 = arith.addf %mul3A_1864, %mul3A_1865 : vector<1x512xf32>
    %mul3A_1867 = arith.mulf %sub3A_1851, %div3A_1847 : vector<1x512xf32>
    %mul3A_1868 = arith.mulf %mul3A_1848, %sub3A_1857 : vector<1x512xf32>
    %sub3A_1869 = arith.subf %mul3A_1867, %mul3A_1868 : vector<1x512xf32>
    %mul3A_1870 = arith.mulf %sub3A_1765, %div3A_1847 : vector<1x512xf32>
    %mul3A_1871 = arith.mulf %mul3A_1848, %add3A_1759 : vector<1x512xf32>
    %sub3A_1872 = arith.subf %mul3A_1870, %mul3A_1871 : vector<1x512xf32>
    %mul3A_1873 = arith.mulf %add3A_1860, %div3A_1847 : vector<1x512xf32>
    %mul3A_1874 = arith.mulf %mul3A_1848, %add3A_1866 : vector<1x512xf32>
    %sub3A_1875 = arith.subf %mul3A_1873, %mul3A_1874 : vector<1x512xf32>
    %mul3A_1876 = arith.mulf %sub3A_1851, %mul3A_1848 : vector<1x512xf32>
    %mul3A_1877 = arith.mulf %sub3A_1857, %div3A_1847 : vector<1x512xf32>
    %add3A_1878 = arith.addf %mul3A_1876, %mul3A_1877 : vector<1x512xf32>
    %mul3A_1879 = arith.mulf %sub3A_1765, %mul3A_1848 : vector<1x512xf32>
    %mul3A_1880 = arith.mulf %add3A_1759, %div3A_1847 : vector<1x512xf32>
    %add3A_1881 = arith.addf %mul3A_1879, %mul3A_1880 : vector<1x512xf32>
    %mul3A_1882 = arith.mulf %add3A_1860, %mul3A_1848 : vector<1x512xf32>
    %mul3A_1883 = arith.mulf %add3A_1866, %div3A_1847 : vector<1x512xf32>
    %add3A_1884 = arith.addf %mul3A_1882, %mul3A_1883 : vector<1x512xf32>
    %mul3A_1885 = arith.mulf %sub3A_1780, %div3A_1847 : vector<1x512xf32>
    %mul3A_1886 = arith.mulf %mul3A_1848, %add3A_1682 : vector<1x512xf32>
    %sub3A_1887 = arith.subf %mul3A_1885, %mul3A_1886 : vector<1x512xf32>
    %mul3A_1888 = arith.mulf %sub3A_1783, %div3A_1847 : vector<1x512xf32>
    %mul3A_1889 = arith.mulf %mul3A_1848, %add3A_1685 : vector<1x512xf32>
    %sub3A_1890 = arith.subf %mul3A_1888, %mul3A_1889 : vector<1x512xf32>
    %mul3A_1891 = arith.mulf %sub3A_1786, %div3A_1847 : vector<1x512xf32>
    %mul3A_1892 = arith.mulf %mul3A_1848, %add3A_1688 : vector<1x512xf32>
    %sub3A_1893 = arith.subf %mul3A_1891, %mul3A_1892 : vector<1x512xf32>
    %mul3A_1894 = arith.mulf %sub3A_1780, %mul3A_1848 : vector<1x512xf32>
    %mul3A_1895 = arith.mulf %add3A_1682, %div3A_1847 : vector<1x512xf32>
    %add3A_1896 = arith.addf %mul3A_1894, %mul3A_1895 : vector<1x512xf32>
    %mul3A_1897 = arith.mulf %sub3A_1783, %mul3A_1848 : vector<1x512xf32>
    %mul3A_1898 = arith.mulf %add3A_1685, %div3A_1847 : vector<1x512xf32>
    %add3A_1899 = arith.addf %mul3A_1897, %mul3A_1898 : vector<1x512xf32>
    %mul3A_1900 = arith.mulf %sub3A_1786, %mul3A_1848 : vector<1x512xf32>
    %mul3A_1901 = arith.mulf %add3A_1688, %div3A_1847 : vector<1x512xf32>
    %add3A_1902 = arith.addf %mul3A_1900, %mul3A_1901 : vector<1x512xf32>
    %sub3A_1903 = arith.subf %add3A_1884, %add3A_1774 : vector<1x512xf32>
    %abs3A_1904 = math.absf %sub3A_1903 : vector<1x512xf32>
    %abs3A_1905 = math.absf %add3A_1881 : vector<1x512xf32>
    %mul3A_1906 = arith.constant 3.000000e-02 : f32
    %mul3A_1907 = vector.broadcast %mul3A_1906 : f32 to vector<1x512xf32>
    %mul3A_1908 = arith.mulf %mul3A_1907, %abs3A_1905 : vector<1x512xf32>
    %lt3A_1909 = arith.cmpf olt, %abs3A_1904, %mul3A_1908 : vector<1x512xf32>
    %jit3A_1910 = arith.constant 1.000000e+00 : f32
    %jit3A_1911 = arith.constant 0.000000e+00 : f32
    %broadcast_in_dim3A_1912 = vector.broadcast %jit3A_1910 : f32 to vector<1x512xf32>
    %broadcast_in_dim3A_1913 = vector.broadcast %jit3A_1911 : f32 to vector<1x512xf32>
    %select_n3A_1914 = arith.select %lt3A_1909, %broadcast_in_dim3A_1912, %broadcast_in_dim3A_1913 : vector<1x512xi1>, vector<1x512xf32>
    %max3A_1915 = arith.maximumf %max3A_1808, %select_n3A_1914 : vector<1x512xf32>
    %sub3A_1916 = arith.subf %add3A_1884, %add3A_1774 : vector<1x512xf32>
    %mul3A_1917 = arith.constant 2.000000e+00 : f32
    %mul3A_1918 = vector.broadcast %mul3A_1917 : f32 to vector<1x512xf32>
    %mul3A_1919 = arith.mulf %mul3A_1918, %add3A_1881 : vector<1x512xf32>
    %div3A_1920 = arith.divf %sub3A_1916, %mul3A_1919 : vector<1x512xf32>
    %mul3A_1921 = arith.mulf %div3A_1920, %div3A_1920 : vector<1x512xf32>
    %add3A_1922 = arith.constant 1.000000e+00 : f32
    %add3A_1923 = vector.broadcast %add3A_1922 : f32 to vector<1x512xf32>
    %add3A_1924 = arith.addf %add3A_1923, %mul3A_1921 : vector<1x512xf32>
    %sqrt3A_1925 = math.sqrt %add3A_1924 : vector<1x512xf32>
    %ge3A_1926 = arith.constant 0.000000e+00 : f32
    %ge3A_1927 = vector.broadcast %ge3A_1926 : f32 to vector<1x512xf32>
    %ge3A_1928 = arith.cmpf oge, %div3A_1920, %ge3A_1927 : vector<1x512xf32>
    %add3A_1929 = arith.addf %div3A_1920, %sqrt3A_1925 : vector<1x512xf32>
    %div3A_1930 = arith.constant 1.000000e+00 : f32
    %div3A_1931 = vector.broadcast %div3A_1930 : f32 to vector<1x512xf32>
    %div3A_1932 = arith.divf %div3A_1931, %add3A_1929 : vector<1x512xf32>
    %neg3A_1933 = arith.constant 0.000000e+00 : f32
    %neg3A_1934 = vector.broadcast %neg3A_1933 : f32 to vector<1x512xf32>
    %neg3A_1935 = arith.subf %neg3A_1934, %div3A_1920 : vector<1x512xf32>
    %add3A_1936 = arith.addf %neg3A_1935, %sqrt3A_1925 : vector<1x512xf32>
    %div3A_1937 = arith.constant -1.000000e+00 : f32
    %div3A_1938 = vector.broadcast %div3A_1937 : f32 to vector<1x512xf32>
    %div3A_1939 = arith.divf %div3A_1938, %add3A_1936 : vector<1x512xf32>
    %select_n3A_1940 = arith.select %ge3A_1928, %div3A_1932, %div3A_1939 : vector<1x512xi1>, vector<1x512xf32>
    %eq3A_1941 = arith.constant 0.000000e+00 : f32
    %eq3A_1942 = vector.broadcast %eq3A_1941 : f32 to vector<1x512xf32>
    %eq3A_1943 = arith.cmpf oeq, %add3A_1881, %eq3A_1942 : vector<1x512xf32>
    %jit3A_1944 = arith.constant 0.000000e+00 : f32
    %broadcast_in_dim3A_1945 = vector.broadcast %jit3A_1944 : f32 to vector<1x512xf32>
    %select_n3A_1946 = arith.select %eq3A_1943, %broadcast_in_dim3A_1945, %select_n3A_1940 : vector<1x512xi1>, vector<1x512xf32>
    %mul3A_1947 = arith.mulf %select_n3A_1946, %select_n3A_1946 : vector<1x512xf32>
    %add3A_1948 = arith.constant 1.000000e+00 : f32
    %add3A_1949 = vector.broadcast %add3A_1948 : f32 to vector<1x512xf32>
    %add3A_1950 = arith.addf %add3A_1949, %mul3A_1947 : vector<1x512xf32>
    %sqrt3A_1951 = math.sqrt %add3A_1950 : vector<1x512xf32>
    %div3A_1952 = arith.constant 1.000000e+00 : f32
    %div3A_1953 = vector.broadcast %div3A_1952 : f32 to vector<1x512xf32>
    %div3A_1954 = arith.divf %div3A_1953, %sqrt3A_1951 : vector<1x512xf32>
    %mul3A_1955 = arith.mulf %select_n3A_1946, %div3A_1954 : vector<1x512xf32>
    %mul3A_1956 = arith.mulf %div3A_1954, %sub3A_1872 : vector<1x512xf32>
    %mul3A_1957 = arith.mulf %mul3A_1955, %sub3A_1875 : vector<1x512xf32>
    %sub3A_1958 = arith.subf %mul3A_1956, %mul3A_1957 : vector<1x512xf32>
    %mul3A_1959 = arith.mulf %div3A_1954, %add3A_1774 : vector<1x512xf32>
    %mul3A_1960 = arith.mulf %mul3A_1955, %add3A_1863 : vector<1x512xf32>
    %sub3A_1961 = arith.subf %mul3A_1959, %mul3A_1960 : vector<1x512xf32>
    %mul3A_1962 = arith.mulf %div3A_1954, %add3A_1881 : vector<1x512xf32>
    %mul3A_1963 = arith.mulf %mul3A_1955, %add3A_1884 : vector<1x512xf32>
    %sub3A_1964 = arith.subf %mul3A_1962, %mul3A_1963 : vector<1x512xf32>
    %mul3A_1965 = arith.mulf %mul3A_1955, %add3A_1774 : vector<1x512xf32>
    %mul3A_1966 = arith.mulf %div3A_1954, %add3A_1863 : vector<1x512xf32>
    %add3A_1967 = arith.addf %mul3A_1965, %mul3A_1966 : vector<1x512xf32>
    %mul3A_1968 = arith.mulf %mul3A_1955, %add3A_1881 : vector<1x512xf32>
    %mul3A_1969 = arith.mulf %div3A_1954, %add3A_1884 : vector<1x512xf32>
    %add3A_1970 = arith.addf %mul3A_1968, %mul3A_1969 : vector<1x512xf32>
    %mul3A_1971 = arith.mulf %sub3A_1854, %div3A_1954 : vector<1x512xf32>
    %mul3A_1972 = arith.mulf %mul3A_1955, %add3A_1878 : vector<1x512xf32>
    %sub3A_1973 = arith.subf %mul3A_1971, %mul3A_1972 : vector<1x512xf32>
    %mul3A_1974 = arith.mulf %sub3A_1961, %div3A_1954 : vector<1x512xf32>
    %mul3A_1975 = arith.mulf %mul3A_1955, %sub3A_1964 : vector<1x512xf32>
    %sub3A_1976 = arith.subf %mul3A_1974, %mul3A_1975 : vector<1x512xf32>
    %mul3A_1977 = arith.mulf %add3A_1967, %mul3A_1955 : vector<1x512xf32>
    %mul3A_1978 = arith.mulf %add3A_1970, %div3A_1954 : vector<1x512xf32>
    %add3A_1979 = arith.addf %mul3A_1977, %mul3A_1978 : vector<1x512xf32>
    %mul3A_1980 = arith.mulf %add3A_1789, %div3A_1954 : vector<1x512xf32>
    %mul3A_1981 = arith.mulf %mul3A_1955, %add3A_1896 : vector<1x512xf32>
    %sub3A_1982 = arith.subf %mul3A_1980, %mul3A_1981 : vector<1x512xf32>
    %mul3A_1983 = arith.mulf %add3A_1792, %div3A_1954 : vector<1x512xf32>
    %mul3A_1984 = arith.mulf %mul3A_1955, %add3A_1899 : vector<1x512xf32>
    %sub3A_1985 = arith.subf %mul3A_1983, %mul3A_1984 : vector<1x512xf32>
    %mul3A_1986 = arith.mulf %add3A_1795, %div3A_1954 : vector<1x512xf32>
    %mul3A_1987 = arith.mulf %mul3A_1955, %add3A_1902 : vector<1x512xf32>
    %sub3A_1988 = arith.subf %mul3A_1986, %mul3A_1987 : vector<1x512xf32>
    %mul3A_1989 = arith.mulf %add3A_1789, %mul3A_1955 : vector<1x512xf32>
    %mul3A_1990 = arith.mulf %add3A_1896, %div3A_1954 : vector<1x512xf32>
    %add3A_1991 = arith.addf %mul3A_1989, %mul3A_1990 : vector<1x512xf32>
    %mul3A_1992 = arith.mulf %add3A_1792, %mul3A_1955 : vector<1x512xf32>
    %mul3A_1993 = arith.mulf %add3A_1899, %div3A_1954 : vector<1x512xf32>
    %add3A_1994 = arith.addf %mul3A_1992, %mul3A_1993 : vector<1x512xf32>
    %mul3A_1995 = arith.mulf %add3A_1795, %mul3A_1955 : vector<1x512xf32>
    %mul3A_1996 = arith.mulf %add3A_1902, %div3A_1954 : vector<1x512xf32>
    %add3A_1997 = arith.addf %mul3A_1995, %mul3A_1996 : vector<1x512xf32>
    %sub3A_1998 = arith.subf %sub3A_1976, %sub3A_1869 : vector<1x512xf32>
    %abs3A_1999 = math.absf %sub3A_1998 : vector<1x512xf32>
    %abs3A_2000 = math.absf %sub3A_1973 : vector<1x512xf32>
    %mul3A_2001 = arith.constant 3.000000e-02 : f32
    %mul3A_2002 = vector.broadcast %mul3A_2001 : f32 to vector<1x512xf32>
    %mul3A_2003 = arith.mulf %mul3A_2002, %abs3A_2000 : vector<1x512xf32>
    %lt3A_2004 = arith.cmpf olt, %abs3A_1999, %mul3A_2003 : vector<1x512xf32>
    %jit3A_2005 = arith.constant 1.000000e+00 : f32
    %jit3A_2006 = arith.constant 0.000000e+00 : f32
    %broadcast_in_dim3A_2007 = vector.broadcast %jit3A_2005 : f32 to vector<1x512xf32>
    %broadcast_in_dim3A_2008 = vector.broadcast %jit3A_2006 : f32 to vector<1x512xf32>
    %select_n3A_2009 = arith.select %lt3A_2004, %broadcast_in_dim3A_2007, %broadcast_in_dim3A_2008 : vector<1x512xi1>, vector<1x512xf32>
    %max3A_2010 = arith.maximumf %max3A_1915, %select_n3A_2009 : vector<1x512xf32>
    %sub3A_2011 = arith.subf %sub3A_1976, %sub3A_1869 : vector<1x512xf32>
    %mul3A_2012 = arith.constant 2.000000e+00 : f32
    %mul3A_2013 = vector.broadcast %mul3A_2012 : f32 to vector<1x512xf32>
    %mul3A_2014 = arith.mulf %mul3A_2013, %sub3A_1973 : vector<1x512xf32>
    %div3A_2015 = arith.divf %sub3A_2011, %mul3A_2014 : vector<1x512xf32>
    %mul3A_2016 = arith.mulf %div3A_2015, %div3A_2015 : vector<1x512xf32>
    %add3A_2017 = arith.constant 1.000000e+00 : f32
    %add3A_2018 = vector.broadcast %add3A_2017 : f32 to vector<1x512xf32>
    %add3A_2019 = arith.addf %add3A_2018, %mul3A_2016 : vector<1x512xf32>
    %sqrt3A_2020 = math.sqrt %add3A_2019 : vector<1x512xf32>
    %ge3A_2021 = arith.constant 0.000000e+00 : f32
    %ge3A_2022 = vector.broadcast %ge3A_2021 : f32 to vector<1x512xf32>
    %ge3A_2023 = arith.cmpf oge, %div3A_2015, %ge3A_2022 : vector<1x512xf32>
    %add3A_2024 = arith.addf %div3A_2015, %sqrt3A_2020 : vector<1x512xf32>
    %div3A_2025 = arith.constant 1.000000e+00 : f32
    %div3A_2026 = vector.broadcast %div3A_2025 : f32 to vector<1x512xf32>
    %div3A_2027 = arith.divf %div3A_2026, %add3A_2024 : vector<1x512xf32>
    %neg3A_2028 = arith.constant 0.000000e+00 : f32
    %neg3A_2029 = vector.broadcast %neg3A_2028 : f32 to vector<1x512xf32>
    %neg3A_2030 = arith.subf %neg3A_2029, %div3A_2015 : vector<1x512xf32>
    %add3A_2031 = arith.addf %neg3A_2030, %sqrt3A_2020 : vector<1x512xf32>
    %div3A_2032 = arith.constant -1.000000e+00 : f32
    %div3A_2033 = vector.broadcast %div3A_2032 : f32 to vector<1x512xf32>
    %div3A_2034 = arith.divf %div3A_2033, %add3A_2031 : vector<1x512xf32>
    %select_n3A_2035 = arith.select %ge3A_2023, %div3A_2027, %div3A_2034 : vector<1x512xi1>, vector<1x512xf32>
    %eq3A_2036 = arith.constant 0.000000e+00 : f32
    %eq3A_2037 = vector.broadcast %eq3A_2036 : f32 to vector<1x512xf32>
    %eq3A_2038 = arith.cmpf oeq, %sub3A_1973, %eq3A_2037 : vector<1x512xf32>
    %jit3A_2039 = arith.constant 0.000000e+00 : f32
    %broadcast_in_dim3A_2040 = vector.broadcast %jit3A_2039 : f32 to vector<1x512xf32>
    %select_n3A_2041 = arith.select %eq3A_2038, %broadcast_in_dim3A_2040, %select_n3A_2035 : vector<1x512xi1>, vector<1x512xf32>
    %mul3A_2042 = arith.mulf %select_n3A_2041, %select_n3A_2041 : vector<1x512xf32>
    %add3A_2043 = arith.constant 1.000000e+00 : f32
    %add3A_2044 = vector.broadcast %add3A_2043 : f32 to vector<1x512xf32>
    %add3A_2045 = arith.addf %add3A_2044, %mul3A_2042 : vector<1x512xf32>
    %sqrt3A_2046 = math.sqrt %add3A_2045 : vector<1x512xf32>
    %div3A_2047 = arith.constant 1.000000e+00 : f32
    %div3A_2048 = vector.broadcast %div3A_2047 : f32 to vector<1x512xf32>
    %div3A_2049 = arith.divf %div3A_2048, %sqrt3A_2046 : vector<1x512xf32>
    %mul3A_2050 = arith.mulf %select_n3A_2041, %div3A_2049 : vector<1x512xf32>
    %mul3A_2051 = arith.mulf %div3A_2049, %sub3A_1869 : vector<1x512xf32>
    %mul3A_2052 = arith.mulf %mul3A_2050, %sub3A_1958 : vector<1x512xf32>
    %sub3A_2053 = arith.subf %mul3A_2051, %mul3A_2052 : vector<1x512xf32>
    %mul3A_2054 = arith.mulf %div3A_2049, %sub3A_1973 : vector<1x512xf32>
    %mul3A_2055 = arith.mulf %mul3A_2050, %sub3A_1976 : vector<1x512xf32>
    %sub3A_2056 = arith.subf %mul3A_2054, %mul3A_2055 : vector<1x512xf32>
    %mul3A_2057 = arith.mulf %mul3A_2050, %sub3A_1869 : vector<1x512xf32>
    %mul3A_2058 = arith.mulf %div3A_2049, %sub3A_1958 : vector<1x512xf32>
    %add3A_2059 = arith.addf %mul3A_2057, %mul3A_2058 : vector<1x512xf32>
    %mul3A_2060 = arith.mulf %mul3A_2050, %sub3A_1973 : vector<1x512xf32>
    %mul3A_2061 = arith.mulf %div3A_2049, %sub3A_1976 : vector<1x512xf32>
    %add3A_2062 = arith.addf %mul3A_2060, %mul3A_2061 : vector<1x512xf32>
    %mul3A_2063 = arith.mulf %sub3A_2053, %div3A_2049 : vector<1x512xf32>
    %mul3A_2064 = arith.mulf %mul3A_2050, %sub3A_2056 : vector<1x512xf32>
    %sub3A_2065 = arith.subf %mul3A_2063, %mul3A_2064 : vector<1x512xf32>
    %mul3A_2066 = arith.mulf %add3A_2059, %mul3A_2050 : vector<1x512xf32>
    %mul3A_2067 = arith.mulf %add3A_2062, %div3A_2049 : vector<1x512xf32>
    %add3A_2068 = arith.addf %mul3A_2066, %mul3A_2067 : vector<1x512xf32>
    %mul3A_2069 = arith.mulf %sub3A_1887, %div3A_2049 : vector<1x512xf32>
    %mul3A_2070 = arith.mulf %mul3A_2050, %sub3A_1982 : vector<1x512xf32>
    %sub3A_2071 = arith.subf %mul3A_2069, %mul3A_2070 : vector<1x512xf32>
    %mul3A_2072 = arith.mulf %sub3A_1890, %div3A_2049 : vector<1x512xf32>
    %mul3A_2073 = arith.mulf %mul3A_2050, %sub3A_1985 : vector<1x512xf32>
    %sub3A_2074 = arith.subf %mul3A_2072, %mul3A_2073 : vector<1x512xf32>
    %mul3A_2075 = arith.mulf %sub3A_1893, %div3A_2049 : vector<1x512xf32>
    %mul3A_2076 = arith.mulf %mul3A_2050, %sub3A_1988 : vector<1x512xf32>
    %sub3A_2077 = arith.subf %mul3A_2075, %mul3A_2076 : vector<1x512xf32>
    %mul3A_2078 = arith.mulf %sub3A_1887, %mul3A_2050 : vector<1x512xf32>
    %mul3A_2079 = arith.mulf %sub3A_1982, %div3A_2049 : vector<1x512xf32>
    %add3A_2080 = arith.addf %mul3A_2078, %mul3A_2079 : vector<1x512xf32>
    %mul3A_2081 = arith.mulf %sub3A_1890, %mul3A_2050 : vector<1x512xf32>
    %mul3A_2082 = arith.mulf %sub3A_1985, %div3A_2049 : vector<1x512xf32>
    %add3A_2083 = arith.addf %mul3A_2081, %mul3A_2082 : vector<1x512xf32>
    %mul3A_2084 = arith.mulf %sub3A_1893, %mul3A_2050 : vector<1x512xf32>
    %mul3A_2085 = arith.mulf %sub3A_1988, %div3A_2049 : vector<1x512xf32>
    %add3A_2086 = arith.addf %mul3A_2084, %mul3A_2085 : vector<1x512xf32>
    %gt3A = arith.cmpf ogt, %sub3A_2065, %add3A_2068 : vector<1x512xf32>
    %select_n3A_2087 = arith.select %gt3A, %add3A_2068, %sub3A_2065 : vector<1x512xi1>, vector<1x512xf32>
    %select_n3A_2088 = arith.select %gt3A, %sub3A_2065, %add3A_2068 : vector<1x512xi1>, vector<1x512xf32>
    %select_n3A_2089 = arith.select %gt3A, %add3A_2080, %sub3A_2071 : vector<1x512xi1>, vector<1x512xf32>
    %select_n3A_2090 = arith.select %gt3A, %sub3A_2071, %add3A_2080 : vector<1x512xi1>, vector<1x512xf32>
    %select_n3A_2091 = arith.select %gt3A, %add3A_2083, %sub3A_2074 : vector<1x512xi1>, vector<1x512xf32>
    %select_n3A_2092 = arith.select %gt3A, %sub3A_2074, %add3A_2083 : vector<1x512xi1>, vector<1x512xf32>
    %select_n3A_2093 = arith.select %gt3A, %add3A_2086, %sub3A_2077 : vector<1x512xi1>, vector<1x512xf32>
    %select_n3A_2094 = arith.select %gt3A, %sub3A_2077, %add3A_2086 : vector<1x512xi1>, vector<1x512xf32>
    %gt3A_2095 = arith.cmpf ogt, %select_n3A_2088, %add3A_1979 : vector<1x512xf32>
    %select_n3A_2096 = arith.select %gt3A_2095, %add3A_1979, %select_n3A_2088 : vector<1x512xi1>, vector<1x512xf32>
    %select_n3A_2097 = arith.select %gt3A_2095, %select_n3A_2088, %add3A_1979 : vector<1x512xi1>, vector<1x512xf32>
    %select_n3A_2098 = arith.select %gt3A_2095, %add3A_1991, %select_n3A_2090 : vector<1x512xi1>, vector<1x512xf32>
    %select_n3A_2099 = arith.select %gt3A_2095, %select_n3A_2090, %add3A_1991 : vector<1x512xi1>, vector<1x512xf32>
    %select_n3A_2100 = arith.select %gt3A_2095, %add3A_1994, %select_n3A_2092 : vector<1x512xi1>, vector<1x512xf32>
    %select_n3A_2101 = arith.select %gt3A_2095, %select_n3A_2092, %add3A_1994 : vector<1x512xi1>, vector<1x512xf32>
    %select_n3A_2102 = arith.select %gt3A_2095, %add3A_1997, %select_n3A_2094 : vector<1x512xi1>, vector<1x512xf32>
    %select_n3A_2103 = arith.select %gt3A_2095, %select_n3A_2094, %add3A_1997 : vector<1x512xi1>, vector<1x512xf32>
    %gt3A_2104 = arith.cmpf ogt, %select_n3A_2087, %select_n3A_2096 : vector<1x512xf32>
    %select_n3A_2105 = arith.select %gt3A_2104, %select_n3A_2096, %select_n3A_2087 : vector<1x512xi1>, vector<1x512xf32>
    %select_n3A_2106 = arith.select %gt3A_2104, %select_n3A_2087, %select_n3A_2096 : vector<1x512xi1>, vector<1x512xf32>
    %select_n3A_2107 = arith.select %gt3A_2104, %select_n3A_2098, %select_n3A_2089 : vector<1x512xi1>, vector<1x512xf32>
    %select_n3A_2108 = arith.select %gt3A_2104, %select_n3A_2089, %select_n3A_2098 : vector<1x512xi1>, vector<1x512xf32>
    %select_n3A_2109 = arith.select %gt3A_2104, %select_n3A_2100, %select_n3A_2091 : vector<1x512xi1>, vector<1x512xf32>
    %select_n3A_2110 = arith.select %gt3A_2104, %select_n3A_2091, %select_n3A_2100 : vector<1x512xi1>, vector<1x512xf32>
    %select_n3A_2111 = arith.select %gt3A_2104, %select_n3A_2102, %select_n3A_2093 : vector<1x512xi1>, vector<1x512xf32>
    %select_n3A_2112 = arith.select %gt3A_2104, %select_n3A_2093, %select_n3A_2102 : vector<1x512xi1>, vector<1x512xf32>
    %abs3A_2113 = math.absf %select_n3A_2105 : vector<1x512xf32>
    %abs3A_2114 = math.absf %select_n3A_2106 : vector<1x512xf32>
    %abs3A_2115 = math.absf %select_n3A_2097 : vector<1x512xf32>
    %lt3A_2116 = arith.cmpf olt, %abs3A_2114, %abs3A_2113 : vector<1x512xf32>
    %select_n3A_2117 = arith.select %lt3A_2116, %abs3A_2114, %abs3A_2113 : vector<1x512xi1>, vector<1x512xf32>
    %select_n3A_2118 = arith.select %lt3A_2116, %select_n3A_2108, %select_n3A_2107 : vector<1x512xi1>, vector<1x512xf32>
    %select_n3A_2119 = arith.select %lt3A_2116, %select_n3A_2110, %select_n3A_2109 : vector<1x512xi1>, vector<1x512xf32>
    %select_n3A_2120 = arith.select %lt3A_2116, %select_n3A_2112, %select_n3A_2111 : vector<1x512xi1>, vector<1x512xf32>
    %lt3A_2121 = arith.cmpf olt, %abs3A_2115, %select_n3A_2117 : vector<1x512xf32>
    %select_n3A_2122 = arith.select %lt3A_2121, %select_n3A_2099, %select_n3A_2118 : vector<1x512xi1>, vector<1x512xf32>
    %select_n3A_2123 = arith.select %lt3A_2121, %select_n3A_2101, %select_n3A_2119 : vector<1x512xi1>, vector<1x512xf32>
    %select_n3A_2124 = arith.select %lt3A_2121, %select_n3A_2103, %select_n3A_2120 : vector<1x512xi1>, vector<1x512xf32>
    %max3A_2125 = arith.maximumf %abs3A_2114, %abs3A_2115 : vector<1x512xf32>
    %max3A_2126 = arith.maximumf %abs3A_2113, %max3A_2125 : vector<1x512xf32>
    %add3A_2127 = arith.constant 1.000000e-30 : f32
    %add3A_2128 = vector.broadcast %add3A_2127 : f32 to vector<1x512xf32>
    %add3A_2129 = arith.addf %max3A_2126, %add3A_2128 : vector<1x512xf32>
    %sub3A_2130 = arith.subf %abs3A_2113, %abs3A_2114 : vector<1x512xf32>
    %abs3A_2131 = math.absf %sub3A_2130 : vector<1x512xf32>
    %sub3A_2132 = arith.subf %abs3A_2113, %abs3A_2115 : vector<1x512xf32>
    %abs3A_2133 = math.absf %sub3A_2132 : vector<1x512xf32>
    %sub3A_2134 = arith.subf %abs3A_2114, %abs3A_2115 : vector<1x512xf32>
    %abs3A_2135 = math.absf %sub3A_2134 : vector<1x512xf32>
    %min3A = arith.minimumf %abs3A_2133, %abs3A_2135 : vector<1x512xf32>
    %min3A_2136 = arith.minimumf %abs3A_2131, %min3A : vector<1x512xf32>
    %mul3A_2137 = arith.constant 5.000000e-03 : f32
    %mul3A_2138 = vector.broadcast %mul3A_2137 : f32 to vector<1x512xf32>
    %mul3A_2139 = arith.mulf %mul3A_2138, %add3A_2129 : vector<1x512xf32>
    %lt3A_2140 = arith.cmpf olt, %min3A_2136, %mul3A_2139 : vector<1x512xf32>
    %jit3A_2141 = arith.constant 1.000000e+00 : f32
    %jit3A_2142 = arith.constant 0.000000e+00 : f32
    %broadcast_in_dim3A_2143 = vector.broadcast %jit3A_2141 : f32 to vector<1x512xf32>
    %broadcast_in_dim3A_2144 = vector.broadcast %jit3A_2142 : f32 to vector<1x512xf32>
    %select_n3A_2145 = arith.select %lt3A_2140, %broadcast_in_dim3A_2143, %broadcast_in_dim3A_2144 : vector<1x512xi1>, vector<1x512xf32>
    %max3A_2146 = arith.maximumf %max3A_2010, %select_n3A_2145 : vector<1x512xf32>
    %broadcast_in_dim3A_2147 = arith.constant 0.000000e+00 : f32
    %broadcast_in_dim3A_2148 = vector.broadcast %broadcast_in_dim3A_2147 : f32 to vector<4x512xf32>
    %concatenate3A_2149 = tpu.concatenate %select_n3A_2122, %select_n3A_2123, %select_n3A_2124, %max3A_2146, %broadcast_in_dim3A_2148 in 0 : vector<1x512xf32>, vector<1x512xf32>, vector<1x512xf32>, vector<1x512xf32>, vector<4x512xf32> -> vector<8x512xf32>
    %swap3A_2150 = arith.constant 0 : index
    %swap3A_2151 = arith.constant 0 : index
    %swap3A_2152 = vector.load %arg13[%swap3A_2150, %swap3A_2151] : memref<8x512xf32, #tpu.memory_space<vmem>>, vector<8x512xf32>
    tpu.vector_store %arg13[%swap3A_2150, %swap3A_2151], %concatenate3A_2149 {strides = array<i32>} : memref<8x512xf32, #tpu.memory_space<vmem>>, vector<8x512xf32>,
    return
  }
  func.func @transform_0(%arg0: i32) -> (i32, i32) {
    %c0_i32 = arith.constant 0 : i32
    %c0_i32_0 = arith.constant 0 : i32
    return %c0_i32, %arg0 : i32, i32
  }
  func.func @transform_1(%arg0: i32) -> (i32, i32) {
    %c0_i32 = arith.constant 0 : i32
    %c0_i32_0 = arith.constant 0 : i32
    return %c0_i32, %arg0 : i32, i32
  }
  func.func @transform_2(%arg0: i32) -> (i32, i32) {
    %c0_i32 = arith.constant 0 : i32
    %c0_i32_0 = arith.constant 0 : i32
    return %c0_i32, %arg0 : i32, i32
  }
  func.func @transform_3(%arg0: i32) -> (i32, i32) {
    %c0_i32 = arith.constant 0 : i32
    %c0_i32_0 = arith.constant 0 : i32
    return %c0_i32, %arg0 : i32, i32
  }
  func.func @transform_4(%arg0: i32) -> (i32, i32) {
    %c0_i32 = arith.constant 0 : i32
    %c0_i32_0 = arith.constant 0 : i32
    return %c0_i32, %arg0 : i32, i32
  }
  func.func @transform_5(%arg0: i32) -> (i32, i32) {
    %c0_i32 = arith.constant 0 : i32
    %c0_i32_0 = arith.constant 0 : i32
    %c0_i32_1 = arith.constant 0 : i32
    return %c0_i32, %c0_i32_0 : i32, i32
  }
  func.func @transform_6(%arg0: i32) -> (i32, i32) {
    %c0_i32 = arith.constant 0 : i32
    %c0_i32_0 = arith.constant 0 : i32
    %c0_i32_1 = arith.constant 0 : i32
    return %c0_i32, %c0_i32_0 : i32, i32
  }
  func.func @transform_7(%arg0: i32) -> (i32, i32) {
    %c0_i32 = arith.constant 0 : i32
    %c0_i32_0 = arith.constant 0 : i32
    %c0_i32_1 = arith.constant 0 : i32
    return %c0_i32, %c0_i32_0 : i32, i32
  }
  func.func @transform_8(%arg0: i32) -> (i32, i32) {
    %c0_i32 = arith.constant 0 : i32
    %c0_i32_0 = arith.constant 0 : i32
    %c0_i32_1 = arith.constant 0 : i32
    return %c0_i32, %c0_i32_0 : i32, i32
  }
  func.func @transform_9(%arg0: i32) -> (i32, i32) {
    %c0_i32 = arith.constant 0 : i32
    %c0_i32_0 = arith.constant 0 : i32
    %c0_i32_1 = arith.constant 0 : i32
    return %c0_i32, %c0_i32_0 : i32, i32
  }
  func.func @transform_10(%arg0: i32) -> (i32, i32) {
    %c0_i32 = arith.constant 0 : i32
    %c0_i32_0 = arith.constant 0 : i32
    %c0_i32_1 = arith.constant 0 : i32
    return %c0_i32, %c0_i32_0 : i32, i32
  }
  func.func @transform_11(%arg0: i32) -> (i32, i32) {
    %c0_i32 = arith.constant 0 : i32
    %c0_i32_0 = arith.constant 0 : i32
    return %c0_i32, %arg0 : i32, i32
  }
  func.func @transform_12(%arg0: i32) -> (i32, i32) {
    %c0_i32 = arith.constant 0 : i32
    %c0_i32_0 = arith.constant 0 : i32
    return %c0_i32, %arg0 : i32, i32
  }
}

</mosaic_0001>

<sc_bundles>
// kernel: gather_offload_async_start.1
scs
__scs_entry_jumppad:
0x0: {  	(pc) =	sbr.rel $0x88, $3  }
0x1: {  	(tag) =	ssettag $0x0;
	lr =	simm.s32 $0x1  }
0x2: {  	[smem:$0x3F96] =	sst lr;
	_ =	strace $0xD0000000  }
0x3: {  	_ = 	snop  }
0x4: {  	_ = 	snop  }
0x5: {  	_ = 	snop  }
0x6: {  	_ = 	snop  }
0x7: {  	_ = 	snop  }
__scs_overlays_trampoline_lowered:
0x8: {  	[smem:$0x3FA5] =	sst s0  }
0x9: {  	[smem:$0x3FA6] =	sst s1  }
0xa: {  	[smem:$0x3FA7] =	sst s2  }
0xb: {  	[smem:$0x3FA8] =	sst s3  }
0xc: {  	[smem:$0x3FA9] =	sst s4  }
0xd: {  	[smem:$0x3FAA] =	sst s5  }
0xe: {  	[smem:$0x3FAB] =	sst s6  }
0xf: {  	[smem:$0x3FAC] =	sst s7  }
0x10: {  	[smem:$0x3FAD] =	sst s8  }
0x11: {  	[smem:$0x3FAE] =	sst s9;
	s0 =	simm.s32 @!p0 $0x0  }
0x12: {  	s1 =	sld [smem:$0x3F94];
	s0 =	simm.s32 @p0 $0x1  }
0x13: {  	[smem:$0x3FAF] =	sst s0;
	s0 =	simm.s32 @!p1 $0x0  }
0x14: {  	s2 =	sld [smem:$0x3F93];
	s0 =	simm.s32 @p1 $0x1  }
0x15: {  	[smem:$0x3FB0] =	sst s0;
	s0 =	simm.s32 @!p2 $0x0  }
0x16: {  	s3 =	sld [smem:$0x3FDB];
	s0 =	simm.s32 @p2 $0x1  }
0x17: {  	s4 =	simm.s32 $0x1BF5;
	[smem:$0x3FB2] =	sst s0  }
0x18: {  	s0 =	sld [smem:$0x3F95];
	_ =	swait.ge [sflag:s4], $0x0  }
0x19: {  	s7 =	sld [smem:$0x3F96]  }
0x1a: {  	s8 =	sadd.s32 $0xFFFFE003, lr  }
0x1b: {  	s9 =	sadd.s32 $0xFFFFFEF7, lr;
	s5 =	simm.s32 $0xFFFFFFFF;
	p2 =	slt.u32 s8, $0xFFFFF086  }
0x1c: {  	p1 =	slt.u32 s9, $0xF7A;
	s5 =	simm.s32 @!p2 $0x0  }
0x1d: {  	s5 =	simm.s32 @p1 $0x1;
	p0 =	seq.s32 s7, s2  }
0x1e: {  	s7 =	smul.u32 @!p0 $0xF7A, s2;
	p2 =	seq.s32 @!p0 s5, $0x0  }
0x1f: {  	s9 =	smul.u32 $0xF7A, s1;
	s8 =	simm.s32 @!p0 $0x1BF5;
	p2 =	por !p2, p0  }
0x20: {  	[sflag:s8] =	ssyncset.s32 @!p0 $0xFFFFF086;
	s6 =	sadd.s32 @!p0 s3, s7;
	s7 =	simm.s32 @!p0 $0x108  }
0x21: {  	s3 =	sadd.s32 s3, s9;
	s6 =	sadd.s32 @!p0 $0x88, s6;
	s7 =	simm.s32 @p2 $0x1082  }
0x22: {  	[simem:s7], [sflag:s8] =	dma.local @!p0 [hbm:s6], $0xF7A  }
0x23: {  	s9 =	sor.u32 $0xD0000000, s2;
	s6 =	simm.s32 $0x108;
	_ =	swait.ge @!p0 [sflag:s8], $0x0  }
0x24: {  	s3 =	sadd.s32 $0x88, s3;
	s6 =	simm.s32 @!p1 $0x1082;
	[sflag:s4] =	ssyncset.s32 $0xFFFFF086  }
0x25: {  	[simem:s6], [sflag:s4] =	dma.local [hbm:s3], $0xF7A  }
0x26: {  	[smem:$0x3F96] =	sst s1;
	(tag) =	ssettag s2;
	_ =	strace s9  }
0x27: {  	s1 =	sld [smem:$0x3FA6]  }
0x28: {  	s2 =	sld [smem:$0x3FA7]  }
0x29: {  	s4 =	sld [smem:$0x3FA9]  }
0x2a: {  	p0 =	seq.s32 s5, $0x0;
	s5 =	sld [smem:$0x3FAA]  }
0x2b: {  	s6 =	sld [smem:$0x3FAB]  }
0x2c: {  	s7 =	sld [smem:$0x3FAC]  }
0x2d: {  	s3 =	simm.s32 $0x108;
	s8 =	sld [smem:$0x3FAD]  }
0x2e: {  	s3 =	simm.s32 @!p0 $0x1082;
	s9 =	sld [smem:$0x3FAE]  }
0x2f: {  	lr =	sadd.s32 s0, s3;
	s0 =	sld [smem:$0x3FA5]  }
0x30: {  	s3 =	sld [smem:$0x3FA8]  }
0x31: {  	[smem:$0x3FB1] =	sst s10  }
0x32: {  	s10 =	sld [smem:$0x3FAF];
	_ =	sdelay $0x3  }
0x33: {  	p0 =	seq.s32 s10, $0x1;
	s10 =	sld [smem:$0x3FB1];
	_ =	sdelay $0x3  }
0x34: {  	[smem:$0x3FB1] =	sst s10  }
0x35: {  	s10 =	sld [smem:$0x3FB0];
	_ =	sdelay $0x3  }
0x36: {  	p1 =	seq.s32 s10, $0x1;
	s10 =	sld [smem:$0x3FB1];
	_ =	sdelay $0x3  }
0x37: {  	[smem:$0x3FB1] =	sst s10  }
0x38: {  	s10 =	sld [smem:$0x3FB2]  }
0x39: {  	_ = 	snop;
	(pc) =	sbr.ind lr, $3  }
0x3a: {  	_ = 	snop  }
0x3b: {  	_ = 	snop  }
0x3c: {  	p2 =	seq.s32 s10, $0x1;
	s10 =	sld [smem:$0x3FB1]  }
0x3d: {  	_ =	shalt  }
0x3e: {  	_ =	shalt  }
0x3f: {  	_ =	shalt  }
0x40: {  	_ =	shalt  }
0x41: {  	_ =	shalt  }
0x42: {  	_ =	shalt  }
0x43: {  	_ =	shalt  }
0x44: {  	_ =	shalt  }
0x45: {  	_ =	shalt  }
0x46: {  	_ =	shalt  }
0x47: {  	_ =	shalt  }
0x48: {  	_ =	shalt  }
0x49: {  	_ =	shalt  }
0x4a: {  	_ =	shalt  }
0x4b: {  	_ =	shalt  }
0x4c: {  	_ =	shalt  }
0x4d: {  	_ =	shalt  }
0x4e: {  	_ =	shalt  }
0x4f: {  	_ =	shalt  }
0x50: {  	_ =	shalt  }
0x51: {  	_ =	shalt  }
0x52: {  	_ =	shalt  }
0x53: {  	_ =	shalt  }
0x54: {  	_ =	shalt  }
0x55: {  	_ =	shalt  }
0x56: {  	_ =	shalt  }
0x57: {  	_ =	shalt  }
0x58: {  	_ =	shalt  }
0x59: {  	_ =	shalt  }
0x5a: {  	_ =	shalt  }
0x5b: {  	_ =	shalt  }
0x5c: {  	_ =	shalt  }
0x5d: {  	_ =	shalt  }
0x5e: {  	_ =	shalt  }
0x5f: {  	_ =	shalt  }
0x60: {  	_ =	shalt  }
0x61: {  	_ =	shalt  }
0x62: {  	_ =	shalt  }
0x63: {  	_ =	shalt  }
0x64: {  	_ =	shalt  }
0x65: {  	_ =	shalt  }
0x66: {  	_ =	shalt  }
0x67: {  	_ =	shalt  }
0x68: {  	_ =	shalt  }
0x69: {  	_ =	shalt  }
0x6a: {  	_ =	shalt  }
0x6b: {  	_ =	shalt  }
0x6c: {  	_ =	shalt  }
0x6d: {  	_ =	shalt  }
0x6e: {  	_ =	shalt  }
0x6f: {  	_ =	shalt  }
0x70: {  	_ =	shalt  }
0x71: {  	_ =	shalt  }
0x72: {  	_ =	shalt  }
0x73: {  	_ =	shalt  }
0x74: {  	_ =	shalt  }
0x75: {  	_ =	shalt  }
0x76: {  	_ =	shalt  }
0x77: {  	_ =	shalt  }
0x78: {  	_ =	shalt  }
0x79: {  	_ =	shalt  }
0x7a: {  	_ =	shalt  }
0x7b: {  	_ =	shalt  }
0x7c: {  	_ =	shalt  }
0x7d: {  	_ =	shalt  }
0x7e: {  	_ =	shalt  }
0x7f: {  	_ =	shalt  }
0x80: {  	_ =	shalt  }
0x81: {  	_ =	shalt  }
0x82: {  	_ =	shalt  }
0x83: {  	_ =	shalt  }
0x84: {  	_ =	shalt  }
0x85: {  	_ =	shalt  }
0x86: {  	_ =	shalt  }
0x87: {  	_ =	shalt  }
.Lfunc_end0:
.L_simem_size_0:
called_computation.2_lowered:
.L_overlay_start_0:
0x88: {  	s2 =	sld [smem:$0x3FD9]  }
0x89: {  	s3 =	sld [smem:$0x3FFE];
	_ =	sdelay $0x1  }
0x8a: {  	s1 =	srdreg.scid  }
0x8b: {  	s0 =	sand.u32 $0x1, s1  }
0x8c: {  	s14 =	sshll.u32 s0, $0xA;
	s2 =	sadd.s32 s3, s2  }
0x8d: {  	s2 =	sadd.s32 s2, s14  }
0x8e: {  	[smem:$0x3FBD] =	sst s2  }
0x8f: {  	_ = 	snop  }
0x90: {  	s2 =	sld [smem:$0x3FD0];
	_ =	sdelay $0x2  }
0x91: {  	s15 =	simm.s32 $0xA;
	s4 =	simm.s32 $0x10  }
0x92: {  	[smem:s4], [sflag:s15] =	dma.local [hbm:s2], $0x1  }
0x93: {  	_ =	swait.eq [sflag:s15], $0x1  }
0x94: {  	[sflag:s15] =	ssyncset.done $0x0  }
0x95: {  	[sflag:s15] =	ssyncadd.s32 $0xFFFFFFFF  }
0x96: {  	s16 =	sld [smem:$0x10];
	(tm) =	ssettm $0x1  }
0x97: {  	s17 =	sld [smem:$0x3FFB];
	_ =	sdelay $0x3  }
0x98: {  	_ =	strace s17  }
0x99: {  	s3 =	sld [smem:$0x3FFC];
	_ =	sdelay $0x3  }
0x9a: {  	_ =	strace s3  }
0x9b: {  	s3 =	sld [smem:$0x3FFD];
	_ =	sdelay $0x3  }
0x9c: {  	_ =	strace s3  }
0x9d: {  	_ =	strace $0x8FFFFFFF  }
0x9e: {  	s18 =	sld [smem:$0x3FDB];
	_ =	sdelay $0x1  }
0x9f: {  	s19 =	simm.s32 $_scs_section_size  }
0xa0: {  	s5 =	simm.s32 $_size__tile_overlayer_lowered;
	s6 =	simm.s32 $_tile_overlayer_lowered  }
0xa1: {  	s22 =	simm.s32 $0x1BFF;
	s21 =	sshll.u32 s6, $0x1;
	s3 =	sadd.s32 s19, s18  }
0xa2: {  	s7 =	simm.s32 $0x0;
	s20 =	sshll.u32 s5, $0x1;
	s5 =	sadd.s32 s21, s3  }
0xa3: {  	[timem:s7], [sflag:s22] =	dma.local [hbm:s5], s20  }
0xa4: {  	_ =	swait.ge [sflag:s22], s20  }
0xa5: {  	s4 =	ssub.s32 $0x0, s20;
	[sflag:s22] =	ssyncset.done $0x0  }
0xa6: {  	[sflag:s22] =	ssyncadd.s32 s4;
	_ =	sdelay $0x1  }
0xa7: {  	s23 =	simm.s32 $0x1B8B  }
0xa8: {  	_ =	swait.ge [sflag:s23], $0x1  }
0xa9: {  	[sflag:s23] =	ssyncset.done $0x0  }
0xaa: {  	s25 =	simm.s32 $0x1B8E;
	s24 =	sld [smem:$0x3FFE];
	[sflag:s23] =	ssyncadd.s32 $0xFFFFFFFF  }
0xab: {  	s26 =	simm.s32 $execute0_lowered;
	[smem:$0x3FD2] =	sst s25  }
0xac: {  	s5 =	sshll.u32 s26, $0x1;
	_ =	strace $0x80000049;
	[dreg:$0x1] =	wrdreg $0xFFFFFFFF  }
0xad: {  	s28 =	simm.s32 $_size_execute0_lowered;
	s3 =	sadd.s32 s3, s5;
	[dreg:$0x0] =	wrdreg $0x0  }
0xae: {  	s5 =	sshll.u32 s28, $0x1;
	[dreg:$0x2] =	wrdreg s3  }
0xaf: {  	[dreg:$0x3] =	wrdreg s5  }
0xb0: {  	[dreg:$0x4] =	wrdreg $0xC0  }
0xb1: {  	_ =	task [dreg:s7], $0x5FFFF  }
0xb2: {  	[dreg:$0x1] =	wrdreg $0xFFFFFFFF  }
0xb3: {  	[dreg:$0x0] =	wrdreg $0x60  }
0xb4: {  	[dreg:$0x2] =	wrdreg s24  }
0xb5: {  	[dreg:$0x3] =	wrdreg s16  }
0xb6: {  	[dreg:$0x4] =	wrdreg $0x9  }
0xb7: {  	_ =	task.clear_ibuf [dreg:s7], $0x5FFFF;
	_ =	strace $0x90000049  }
0xb8: {  	s29 =	simm.s32 $0x9;
	_ =	strace $0x8000004B  }
0xb9: {  	_ =	swait.ge [sflag:s29], $0x1  }
0xba: {  	[sflag:s29] =	ssyncadd.s32 $0xFFFFFFFF  }
0xbb: {  	_ =	strace $0x9000004B  }
0xbc: {  	_ =	sfence  }
0xbd: {  	s30 =	sld [smem:$0x0];
	_ =	sdelay $0x2  }
0xbe: {  	s31 =	sshll.u32 s1, $0xD;
	s1 =	sshrl.u32 s1, $0x2  }
0xbf: {  	s3 =	sand.u32 $0x4000, s31;
	s1 =	sadd.s32 s1, s30  }
0xc0: {  	s0 =	sor.u32 s3, s0;
	s1 =	sshll.u32 s1, $0x11  }
0xc1: {  	s0 =	sor.u32 s1, s0  }
0xc2: {  	s0 =	sadd.s32 $0x8F2B, s0  }
0xc3: {  	[sflag:s0] =	ssyncadd.remote.s32 $0x1  }
0xc4: {  	_ =	sfence.sel $0xFFFF  }
0xc5: {  	[dreg:$0x0] =	wrdreg $0xFFFFFFFF;
	(pc) =	sbr.abs _section_cstart, $3  }
0xc6: {  	[dreg:$0x1] =	wrdreg $0xFFFFFFFF  }
0xc7: {  	_ =	task.clear_ibuf [dreg:s7], $0x2FFFF;
	_ =	strace $0x9FFFFFFF  }
0xc8: {  	(tm) =	ssettm $0x7FFFFFFF  }
0xc9: {  	_ =	shalt  }
tec
execute0_lowered:
.L_overlay_start_1:
0x0: {  	(tag) =	ssettag $0x1  }
0x1: {  	s7 =	rddreg [dreg:$0x0]  }
0x2: {  	s2 =	rddreg [dreg:$0x1]  }
0x3: {  	s0 =	rddreg [dreg:$0x2]  }
0x4: {  	s1 =	srdreg.scid;
	_ =	strace $0x8000004A;
	s4 =	simm.s32 $0x1  }
0x5: {  	s9 =	simm.s32 $0x3;
	s11 =	simm.s32 $0x0;
	s5 =	sshll.u32 s1, $0x4  }
.Ltmp0:
0x6: {  	s1 =	stileid.u32;
	s5 =	sand.u32 $0x10, s5;
	(pc) =	sbr.rel .LBB2_1-.Ltmp0, $4  }
0x7: {  	p0 =	por $0x0, $0x0;
	s3 =	sadd.s32 $0x18D000, s7;
	s6 =	sor.u32 s1, s5  }
0x8: {  	[sflag:s4] =	ssyncpa.u1 $0x0;
	s5 =	simm.s32 $0x2;
	s6 =	sshll.u32 s6, $0x9  }
0x9: {  	s7 =	sadd.s32 $0x624000, s7;
	[sflag:s5] =	ssyncpa.u1 $0x0;
	s8 =	sadd.s32 $0x200, s6  }
0xa: {  	vm0 =	vmmov $0xff;
	vm1 =	vcmask $0x3F20;
	[sflag:s9] =	ssyncpa.u1 $0x0;
	s10 =	smov.u32 s6;
	s9 =	simm.s32 $0x0  }
.LBB2_7:
0xb: {  	p1 =	slt.u32 s9, $0x2;
	s11 =	sadd.s32 $0x100, s10  }
0xc: {  	s13 =	smov.u32 s6;
	s9 =	sadd.s32 $0x1, s9;
	p2 =	slt.s32 s11, s8  }
0xd: {  	s13 =	smov.u32 @p2 s11;
	p2 =	sne.s32 s9, $0x4  }
.Ltmp1:
0xe: {  	_ = 	snop;
	(pc) =	sbr.rel @!p2 .LBB2_8-.Ltmp1, $4  }
0xf: {  	s12 =	simm.s32 @!p1 $0x3  }
0x10: {  	_ =	swait.ge @!p1 [sflag:s12], $0x8000  }
0x11: {  	p0 =	por !p0, !p0;
	[sflag:s12] =	ssyncset.done @!p1 $0x0  }
0x12: {  	s11 =	smov.u32 s10;
	s10 =	smov.u32 s13;
	[sflag:s12] =	ssyncadd.s32 @!p1 $0xFFFF8000  }
.LBB2_1:
0x13: {  	p1 =	sgt.u32 s9, $0x1  }
0x14: {  	s12 =	sshll.u32 @!p1 s9, $0x8;
	s13 =	sshrl.u32 @!p1 s10, $0x3  }
0x15: {  	s14 =	sand.u32 @!p1 $0x7, s10;
	s12 =	sxor.u32 @!p1 $0x100, s12;
	s13 =	sadd.s32 @!p1 s2, s13  }
0x16: {  	[tilespmem:s12], [sflag:$0x2] =	stream.linear.gather @!p1 [hbm4b:s13+s14], $0x100, $0x38;
	[tilespmem:$0x10200] =	vst v63  }
0x17: {  	p1 =	seq.s32 s9, $0x0  }
0x18: {  	p2 =	seq.s32 @!p1 s9, $0x3  }
0x19: {  	p1 =	por p1, p2  }
.Ltmp2:
0x1a: {  	_ = 	snop;
	(pc) =	sbr.rel @p1 .LBB2_7-.Ltmp2, $1  }
0x1b: {  	_ =	sdelay $0x3  }
0x1c: {  	s12 =	simm.s32 $0x1  }
0x1d: {  	_ =	swait.ge [sflag:s5], $0x100;
	s12 =	simm.s32 @!p0 $0x0  }
0x1e: {  	[sflag:s5] =	ssyncset.done $0x0;
	s14 =	sshll.u32 s12, $0x8  }
0x1f: {  	[sflag:s5] =	ssyncadd.s32 $0xFFFFFF00;
	s13 =	sadd.s32 $0x0, s14  }
0x20: {  	v0 =	vld.msk [tilespmem:s13+$0x0 ss:$0x1], $0xffff;
	_ =	sdelay $0x4  }
0x21: {  	vm2 =	vgt.s32 v0, $0x0  }
0x22: {  	v0 =	vnsel vm2, $0x0, v0  }
0x23: {  	v0 =	vmin.u32 v0, $0x1869F  }
0x24: {  	v0 =	vshll.u32 v0, $0x4;
	_ =	sdelay $0x2  }
0x25: {  	s12 =	sshll.u32 s12, $0xF  }
0x26: {  	s12 =	sor.u32 $0x200, s12  }
0x27: {  	[tilespmem:s12], [sflag:$0x1] =	stream.indirect_vreg.gather [hbm:s3], $0x80, v0, vm0, $0x38;
	[tilespmem:$0x10200] =	vst v63  }
0x28: {  	s15 =	sadd.s32 $0x10, s14;
	s13 =	sadd.s32 $0x400, s12  }
0x29: {  	[tilespmem:s13], [sflag:$0x1] =	stream.indirect_vreg.gather [hbm:s3], $0x80, v0, vm1, $0x38;
	[tilespmem:$0x10200] =	vst v63  }
0x2a: {  	s16 =	simm.s32 $0x80;
	v0 =	vld.msk [tilespmem:s15+$0x0 ss:$0x1], $0xffff;
	s15 =	smov.u32 s12  }
.LBB2_3:
0x2b: {  	p1 =	sne.s32 s16, $0x3C0;
	_ =	sdelay $0x4  }
0x2c: {  	vm2 =	vgt.s32 v0, $0x0  }
0x2d: {  	v0 =	vnsel vm2, $0x0, v0  }
0x2e: {  	v0 =	vmin.u32 v0, $0x1869F  }
0x2f: {  	v0 =	vshll.u32 v0, $0x4;
	_ =	sdelay $0x3  }
.Ltmp3:
0x30: {  	s17 =	sshra.s32 s16, $0x2;
	s15 =	sadd.s32 $0x800, s15;
	(pc) =	sbr.rel @p1 .LBB2_3-.Ltmp3, $4  }
0x31: {  	[tilespmem:s15], [sflag:$0x1] =	stream.indirect_vreg.gather [hbm:s3], $0x80, v0, vm0, $0x38;
	[tilespmem:$0x10200] =	vst v63  }
0x32: {  	s17 =	sadd.s32 s17, s14;
	s18 =	sadd.s32 $0x400, s15  }
0x33: {  	[tilespmem:s18], [sflag:$0x1] =	stream.indirect_vreg.gather [hbm:s3], $0x80, v0, vm1, $0x38;
	[tilespmem:$0x10200] =	vst v63  }
0x34: {  	s16 =	sadd.s32 $0x40, s16;
	v0 =	vld.msk [tilespmem:s17+$0x0 ss:$0x1], $0xffff  }
0x35: {  	_ =	sdelay $0x3  }
0x36: {  	vm2 =	vgt.s32 v0, $0x0  }
0x37: {  	v0 =	vnsel vm2, $0x0, v0  }
0x38: {  	v0 =	vmin.u32 v0, $0x1869F  }
0x39: {  	v0 =	vshll.u32 v0, $0x4;
	_ =	sdelay $0x3  }
0x3a: {  	s14 =	sadd.s32 $0x800, s15  }
0x3b: {  	[tilespmem:s14], [sflag:$0x1] =	stream.indirect_vreg.gather [hbm:s3], $0x80, v0, vm0, $0x38;
	[tilespmem:$0x10200] =	vst v63  }
0x3c: {  	s14 =	sadd.s32 $0x400, s14  }
0x3d: {  	[tilespmem:s14], [sflag:$0x1] =	stream.indirect_vreg.gather [hbm:s3], $0x80, v0, vm1, $0x38;
	[tilespmem:$0x10200] =	vst v63  }
0x3e: {  	s11 =	sshll.u32 s11, $0x4;
	_ =	swait.ge [sflag:s4], $0x8000  }
0x3f: {  	s11 =	sadd.s32 s11, s7;
	[sflag:s4] =	ssyncset.done $0x0  }
0x40: {  	s15 =	sadd.s32 $0x0, s11;
	s14 =	simm.s32 $0x80;
	[sflag:s4] =	ssyncadd.s32 $0xFFFF8000  }
.LBB2_5:
0x41: {  	[hbm:s15] =	stream.linear.scatter [tilespmem:s12], [sflag:$0x3], $0x400, $0x38;
	[tilespmem:$0x10200] =	vst v63  }
0x42: {  	s15 =	smov.u32 s14;
	s12 =	smov.u32 s13;
	p1 =	sne.s32 s14, $0xF80  }
.Ltmp4:
0x43: {  	s14 =	sadd.s32 $0x80, s14;
	(pc) =	sbr.rel @p1 .LBB2_5-.Ltmp4, $2  }
0x44: {  	_ =	sdelay $0x2  }
0x45: {  	s13 =	sadd.s32 $0x400, s13;
	s15 =	sadd.s32 s15, s11  }
.Ltmp5:
0x46: {  	(pc) =	sbr.rel .LBB2_7-.Ltmp5, $2  }
0x47: {  	_ =	sdelay $0x2  }
0x48: {  	[hbm:s15] =	stream.linear.scatter [tilespmem:s12], [sflag:$0x3], $0x400, $0x38;
	[tilespmem:$0x10200] =	vst v63  }
.LBB2_8:
0x49: {  	_ =	sfence.sel $0x180000  }
0x4a: {  	s2 =	simm.s32 $0x2;
	[bflag:$0x0] =	sbarrier.arrive $0xFFFF  }
0x4b: {  	s30 =	simm.s32 $0x3;
	[sflag:s2] =	ssyncpa.u1 $0x1  }
0x4c: {  	s31 =	simm.s32 $0x1;
	[sflag:s30] =	ssyncpa.u1 $0x1  }
0x4d: {  	[sflag:s31] =	ssyncpa.u1 $0x1  }
0x4e: {  	p0 =	sne.s32 s1, $0x0;
	_ =	strace $0x9000004A  }
0x4f: {  	s0 =	sadd.s32 @!p0 $0x100000, s0;
	[bflag:$0x2] =	sbarrier.arrive $0xFFFF  }
0x50: {  	[sflag:s0] =	ssyncadd.tile.s32 @!p0 $0x1;
	_ =	shalt  }
.Lfunc_end2:
_tile_overlayer_lowered:
.L_overlay_start_2:
0x51: {  	(tag) =	ssettag $0x2  }
0x52: {  	s0 =	rddreg [dreg:$0x0];
	s2 =	stileid.u32  }
0x53: {  	s1 =	rddreg [dreg:$0x1];
	p0 =	sne.s32 s2, $0x0  }
0x54: {  	s3 =	rddreg [dreg:$0x2];
	[bflag:$0x3] =	sbarrier.arrive $0xFFFF;
	s2 =	simm.s32 @!p0 $0x1C01  }
0x55: {  	[timem:s3], [sflag:s2] =	dma.local @!p0 [hbm:s0], s1  }
0x56: {  	s0 =	simm.s32 @!p0 $0x1  }
0x57: {  	_ =	swait.ge @!p0 [sflag:s0], s1  }
0x58: {  	s1 =	ssub.s32 @!p0 $0x0, s1;
	[sflag:s0] =	ssyncset.done @!p0 $0x0  }
0x59: {  	[sflag:s0] =	ssyncadd.s32 @!p0 s1  }
0x5a: {  	[bflag:$0x3] =	sbarrier.arrive $0xFFFF  }
0x5b: {  	_ =	shalt  }

// kernel: gather_offload_async_start.2
scs
__scs_entry_jumppad:
0x0: {  	(pc) =	sbr.rel $0x88, $3  }
0x1: {  	(tag) =	ssettag $0x0;
	lr =	simm.s32 $0x1  }
0x2: {  	[smem:$0x3F96] =	sst lr;
	_ =	strace $0xD0000000  }
0x3: {  	_ = 	snop  }
0x4: {  	_ = 	snop  }
0x5: {  	_ = 	snop  }
0x6: {  	_ = 	snop  }
0x7: {  	_ = 	snop  }
__scs_overlays_trampoline_lowered:
0x8: {  	[smem:$0x3FA5] =	sst s0  }
0x9: {  	[smem:$0x3FA6] =	sst s1  }
0xa: {  	[smem:$0x3FA7] =	sst s2  }
0xb: {  	[smem:$0x3FA8] =	sst s3  }
0xc: {  	[smem:$0x3FA9] =	sst s4  }
0xd: {  	[smem:$0x3FAA] =	sst s5  }
0xe: {  	[smem:$0x3FAB] =	sst s6  }
0xf: {  	[smem:$0x3FAC] =	sst s7  }
0x10: {  	[smem:$0x3FAD] =	sst s8  }
0x11: {  	[smem:$0x3FAE] =	sst s9;
	s0 =	simm.s32 @!p0 $0x0  }
0x12: {  	s1 =	sld [smem:$0x3F94];
	s0 =	simm.s32 @p0 $0x1  }
0x13: {  	[smem:$0x3FAF] =	sst s0;
	s0 =	simm.s32 @!p1 $0x0  }
0x14: {  	s2 =	sld [smem:$0x3F93];
	s0 =	simm.s32 @p1 $0x1  }
0x15: {  	[smem:$0x3FB0] =	sst s0;
	s0 =	simm.s32 @!p2 $0x0  }
0x16: {  	s3 =	sld [smem:$0x3FDB];
	s0 =	simm.s32 @p2 $0x1  }
0x17: {  	s4 =	simm.s32 $0x1BF5;
	[smem:$0x3FB2] =	sst s0  }
0x18: {  	s0 =	sld [smem:$0x3F95];
	_ =	swait.ge [sflag:s4], $0x0  }
0x19: {  	s7 =	sld [smem:$0x3F96]  }
0x1a: {  	s8 =	sadd.s32 $0xFFFFE003, lr  }
0x1b: {  	s9 =	sadd.s32 $0xFFFFFEF7, lr;
	s5 =	simm.s32 $0xFFFFFFFF;
	p2 =	slt.u32 s8, $0xFFFFF086  }
0x1c: {  	p1 =	slt.u32 s9, $0xF7A;
	s5 =	simm.s32 @!p2 $0x0  }
0x1d: {  	s5 =	simm.s32 @p1 $0x1;
	p0 =	seq.s32 s7, s2  }
0x1e: {  	s7 =	smul.u32 @!p0 $0xF7A, s2;
	p2 =	seq.s32 @!p0 s5, $0x0  }
0x1f: {  	s9 =	smul.u32 $0xF7A, s1;
	s8 =	simm.s32 @!p0 $0x1BF5;
	p2 =	por !p2, p0  }
0x20: {  	[sflag:s8] =	ssyncset.s32 @!p0 $0xFFFFF086;
	s6 =	sadd.s32 @!p0 s3, s7;
	s7 =	simm.s32 @!p0 $0x108  }
0x21: {  	s3 =	sadd.s32 s3, s9;
	s6 =	sadd.s32 @!p0 $0x88, s6;
	s7 =	simm.s32 @p2 $0x1082  }
0x22: {  	[simem:s7], [sflag:s8] =	dma.local @!p0 [hbm:s6], $0xF7A  }
0x23: {  	s9 =	sor.u32 $0xD0000000, s2;
	s6 =	simm.s32 $0x108;
	_ =	swait.ge @!p0 [sflag:s8], $0x0  }
0x24: {  	s3 =	sadd.s32 $0x88, s3;
	s6 =	simm.s32 @!p1 $0x1082;
	[sflag:s4] =	ssyncset.s32 $0xFFFFF086  }
0x25: {  	[simem:s6], [sflag:s4] =	dma.local [hbm:s3], $0xF7A  }
0x26: {  	[smem:$0x3F96] =	sst s1;
	(tag) =	ssettag s2;
	_ =	strace s9  }
0x27: {  	s1 =	sld [smem:$0x3FA6]  }
0x28: {  	s2 =	sld [smem:$0x3FA7]  }
0x29: {  	s4 =	sld [smem:$0x3FA9]  }
0x2a: {  	p0 =	seq.s32 s5, $0x0;
	s5 =	sld [smem:$0x3FAA]  }
0x2b: {  	s6 =	sld [smem:$0x3FAB]  }
0x2c: {  	s7 =	sld [smem:$0x3FAC]  }
0x2d: {  	s3 =	simm.s32 $0x108;
	s8 =	sld [smem:$0x3FAD]  }
0x2e: {  	s3 =	simm.s32 @!p0 $0x1082;
	s9 =	sld [smem:$0x3FAE]  }
0x2f: {  	lr =	sadd.s32 s0, s3;
	s0 =	sld [smem:$0x3FA5]  }
0x30: {  	s3 =	sld [smem:$0x3FA8]  }
0x31: {  	[smem:$0x3FB1] =	sst s10  }
0x32: {  	s10 =	sld [smem:$0x3FAF];
	_ =	sdelay $0x3  }
0x33: {  	p0 =	seq.s32 s10, $0x1;
	s10 =	sld [smem:$0x3FB1];
	_ =	sdelay $0x3  }
0x34: {  	[smem:$0x3FB1] =	sst s10  }
0x35: {  	s10 =	sld [smem:$0x3FB0];
	_ =	sdelay $0x3  }
0x36: {  	p1 =	seq.s32 s10, $0x1;
	s10 =	sld [smem:$0x3FB1];
	_ =	sdelay $0x3  }
0x37: {  	[smem:$0x3FB1] =	sst s10  }
0x38: {  	s10 =	sld [smem:$0x3FB2]  }
0x39: {  	_ = 	snop;
	(pc) =	sbr.ind lr, $3  }
0x3a: {  	_ = 	snop  }
0x3b: {  	_ = 	snop  }
0x3c: {  	p2 =	seq.s32 s10, $0x1;
	s10 =	sld [smem:$0x3FB1]  }
0x3d: {  	_ =	shalt  }
0x3e: {  	_ =	shalt  }
0x3f: {  	_ =	shalt  }
0x40: {  	_ =	shalt  }
0x41: {  	_ =	shalt  }
0x42: {  	_ =	shalt  }
0x43: {  	_ =	shalt  }
0x44: {  	_ =	shalt  }
0x45: {  	_ =	shalt  }
0x46: {  	_ =	shalt  }
0x47: {  	_ =	shalt  }
0x48: {  	_ =	shalt  }
0x49: {  	_ =	shalt  }
0x4a: {  	_ =	shalt  }
0x4b: {  	_ =	shalt  }
0x4c: {  	_ =	shalt  }
0x4d: {  	_ =	shalt  }
0x4e: {  	_ =	shalt  }
0x4f: {  	_ =	shalt  }
0x50: {  	_ =	shalt  }
0x51: {  	_ =	shalt  }
0x52: {  	_ =	shalt  }
0x53: {  	_ =	shalt  }
0x54: {  	_ =	shalt  }
0x55: {  	_ =	shalt  }
0x56: {  	_ =	shalt  }
0x57: {  	_ =	shalt  }
0x58: {  	_ =	shalt  }
0x59: {  	_ =	shalt  }
0x5a: {  	_ =	shalt  }
0x5b: {  	_ =	shalt  }
0x5c: {  	_ =	shalt  }
0x5d: {  	_ =	shalt  }
0x5e: {  	_ =	shalt  }
0x5f: {  	_ =	shalt  }
0x60: {  	_ =	shalt  }
0x61: {  	_ =	shalt  }
0x62: {  	_ =	shalt  }
0x63: {  	_ =	shalt  }
0x64: {  	_ =	shalt  }
0x65: {  	_ =	shalt  }
0x66: {  	_ =	shalt  }
0x67: {  	_ =	shalt  }
0x68: {  	_ =	shalt  }
0x69: {  	_ =	shalt  }
0x6a: {  	_ =	shalt  }
0x6b: {  	_ =	shalt  }
0x6c: {  	_ =	shalt  }
0x6d: {  	_ =	shalt  }
0x6e: {  	_ =	shalt  }
0x6f: {  	_ =	shalt  }
0x70: {  	_ =	shalt  }
0x71: {  	_ =	shalt  }
0x72: {  	_ =	shalt  }
0x73: {  	_ =	shalt  }
0x74: {  	_ =	shalt  }
0x75: {  	_ =	shalt  }
0x76: {  	_ =	shalt  }
0x77: {  	_ =	shalt  }
0x78: {  	_ =	shalt  }
0x79: {  	_ =	shalt  }
0x7a: {  	_ =	shalt  }
0x7b: {  	_ =	shalt  }
0x7c: {  	_ =	shalt  }
0x7d: {  	_ =	shalt  }
0x7e: {  	_ =	shalt  }
0x7f: {  	_ =	shalt  }
0x80: {  	_ =	shalt  }
0x81: {  	_ =	shalt  }
0x82: {  	_ =	shalt  }
0x83: {  	_ =	shalt  }
0x84: {  	_ =	shalt  }
0x85: {  	_ =	shalt  }
0x86: {  	_ =	shalt  }
0x87: {  	_ =	shalt  }
.Lfunc_end0:
.L_simem_size_0:
called_computation.3_lowered:
.L_overlay_start_0:
0x88: {  	s2 =	sld [smem:$0x3FD9]  }
0x89: {  	s3 =	sld [smem:$0x3FFE];
	_ =	sdelay $0x1  }
0x8a: {  	s1 =	srdreg.scid  }
0x8b: {  	s0 =	sand.u32 $0x1, s1  }
0x8c: {  	s14 =	sshll.u32 s0, $0xA;
	s2 =	sadd.s32 s3, s2  }
0x8d: {  	s2 =	sadd.s32 s2, s14  }
0x8e: {  	[smem:$0x3FBD] =	sst s2  }
0x8f: {  	_ = 	snop  }
0x90: {  	s2 =	sld [smem:$0x3FD0];
	_ =	sdelay $0x2  }
0x91: {  	s15 =	simm.s32 $0xA;
	s4 =	simm.s32 $0x10  }
0x92: {  	[smem:s4], [sflag:s15] =	dma.local [hbm:s2], $0x1  }
0x93: {  	_ =	swait.eq [sflag:s15], $0x1  }
0x94: {  	[sflag:s15] =	ssyncset.done $0x0  }
0x95: {  	[sflag:s15] =	ssyncadd.s32 $0xFFFFFFFF  }
0x96: {  	s16 =	sld [smem:$0x10];
	(tm) =	ssettm $0x1  }
0x97: {  	s17 =	sld [smem:$0x3FFB];
	_ =	sdelay $0x3  }
0x98: {  	_ =	strace s17  }
0x99: {  	s3 =	sld [smem:$0x3FFC];
	_ =	sdelay $0x3  }
0x9a: {  	_ =	strace s3  }
0x9b: {  	s3 =	sld [smem:$0x3FFD];
	_ =	sdelay $0x3  }
0x9c: {  	_ =	strace s3  }
0x9d: {  	_ =	strace $0x8FFFFFFF  }
0x9e: {  	s18 =	sld [smem:$0x3FDB];
	_ =	sdelay $0x1  }
0x9f: {  	s19 =	simm.s32 $_scs_section_size  }
0xa0: {  	s5 =	simm.s32 $_size__tile_overlayer_lowered;
	s6 =	simm.s32 $_tile_overlayer_lowered  }
0xa1: {  	s22 =	simm.s32 $0x1BFF;
	s21 =	sshll.u32 s6, $0x1;
	s3 =	sadd.s32 s19, s18  }
0xa2: {  	s7 =	simm.s32 $0x0;
	s20 =	sshll.u32 s5, $0x1;
	s5 =	sadd.s32 s21, s3  }
0xa3: {  	[timem:s7], [sflag:s22] =	dma.local [hbm:s5], s20  }
0xa4: {  	_ =	swait.ge [sflag:s22], s20  }
0xa5: {  	s4 =	ssub.s32 $0x0, s20;
	[sflag:s22] =	ssyncset.done $0x0  }
0xa6: {  	[sflag:s22] =	ssyncadd.s32 s4;
	_ =	sdelay $0x1  }
0xa7: {  	s23 =	simm.s32 $0x1B8B  }
0xa8: {  	_ =	swait.ge [sflag:s23], $0x1  }
0xa9: {  	[sflag:s23] =	ssyncset.done $0x0  }
0xaa: {  	s25 =	simm.s32 $0x1B8E;
	s24 =	sld [smem:$0x3FFE];
	[sflag:s23] =	ssyncadd.s32 $0xFFFFFFFF  }
0xab: {  	s26 =	simm.s32 $execute0_lowered;
	[smem:$0x3FD2] =	sst s25  }
0xac: {  	s5 =	sshll.u32 s26, $0x1;
	_ =	strace $0x8000004F;
	[dreg:$0x1] =	wrdreg $0xFFFFFFFF  }
0xad: {  	s28 =	simm.s32 $_size_execute0_lowered;
	s3 =	sadd.s32 s3, s5;
	[dreg:$0x0] =	wrdreg $0x0  }
0xae: {  	s5 =	sshll.u32 s28, $0x1;
	[dreg:$0x2] =	wrdreg s3  }
0xaf: {  	[dreg:$0x3] =	wrdreg s5  }
0xb0: {  	[dreg:$0x4] =	wrdreg $0xC0  }
0xb1: {  	_ =	task [dreg:s7], $0x5FFFF  }
0xb2: {  	[dreg:$0x1] =	wrdreg $0xFFFFFFFF  }
0xb3: {  	[dreg:$0x0] =	wrdreg $0x60  }
0xb4: {  	[dreg:$0x2] =	wrdreg s24  }
0xb5: {  	[dreg:$0x3] =	wrdreg s16  }
0xb6: {  	[dreg:$0x4] =	wrdreg $0x9  }
0xb7: {  	_ =	task.clear_ibuf [dreg:s7], $0x5FFFF;
	_ =	strace $0x9000004F  }
0xb8: {  	s29 =	simm.s32 $0x9;
	_ =	strace $0x80000051  }
0xb9: {  	_ =	swait.ge [sflag:s29], $0x1  }
0xba: {  	[sflag:s29] =	ssyncadd.s32 $0xFFFFFFFF  }
0xbb: {  	_ =	strace $0x90000051  }
0xbc: {  	_ =	sfence  }
0xbd: {  	s30 =	sld [smem:$0x0];
	_ =	sdelay $0x2  }
0xbe: {  	s31 =	sshll.u32 s1, $0xD;
	s1 =	sshrl.u32 s1, $0x2  }
0xbf: {  	s3 =	sand.u32 $0x4000, s31;
	s1 =	sadd.s32 s1, s30  }
0xc0: {  	s0 =	sor.u32 s3, s0;
	s1 =	sshll.u32 s1, $0x11  }
0xc1: {  	s0 =	sor.u32 s1, s0  }
0xc2: {  	s0 =	sadd.s32 $0x8F2B, s0  }
0xc3: {  	[sflag:s0] =	ssyncadd.remote.s32 $0x1  }
0xc4: {  	_ =	sfence.sel $0xFFFF  }
0xc5: {  	[dreg:$0x0] =	wrdreg $0xFFFFFFFF;
	(pc) =	sbr.abs _section_cstart, $3  }
0xc6: {  	[dreg:$0x1] =	wrdreg $0xFFFFFFFF  }
0xc7: {  	_ =	task.clear_ibuf [dreg:s7], $0x2FFFF;
	_ =	strace $0x9FFFFFFF  }
0xc8: {  	(tm) =	ssettm $0x7FFFFFFF  }
0xc9: {  	_ =	shalt  }
tec
execute0_lowered:
.L_overlay_start_1:
0x0: {  	(tag) =	ssettag $0x1  }
0x1: {  	s7 =	rddreg [dreg:$0x0]  }
0x2: {  	s2 =	rddreg [dreg:$0x1]  }
0x3: {  	s0 =	rddreg [dreg:$0x2]  }
0x4: {  	s1 =	srdreg.scid;
	_ =	strace $0x80000050;
	s4 =	simm.s32 $0x1  }
0x5: {  	s9 =	simm.s32 $0x3;
	s11 =	simm.s32 $0x0;
	s5 =	sshll.u32 s1, $0x4  }
.Ltmp0:
0x6: {  	s1 =	stileid.u32;
	s5 =	sand.u32 $0x10, s5;
	(pc) =	sbr.rel .LBB2_1-.Ltmp0, $4  }
0x7: {  	p0 =	por $0x0, $0x0;
	s3 =	sadd.s32 $0x6600, s7;
	s6 =	sor.u32 s1, s5  }
0x8: {  	[sflag:s4] =	ssyncpa.u1 $0x0;
	s5 =	simm.s32 $0x2;
	s6 =	sshll.u32 s6, $0x9  }
0x9: {  	s7 =	sadd.s32 $0x1CD000, s7;
	[sflag:s5] =	ssyncpa.u1 $0x0;
	s8 =	sadd.s32 $0x200, s6  }
0xa: {  	vm0 =	vmmov $0xff;
	vm1 =	vcmask $0x3F20;
	[sflag:s9] =	ssyncpa.u1 $0x0;
	s10 =	smov.u32 s6;
	s9 =	simm.s32 $0x0  }
.LBB2_7:
0xb: {  	p1 =	slt.u32 s9, $0x2;
	s11 =	sadd.s32 $0x100, s10  }
0xc: {  	s13 =	smov.u32 s6;
	s9 =	sadd.s32 $0x1, s9;
	p2 =	slt.s32 s11, s8  }
0xd: {  	s13 =	smov.u32 @p2 s11;
	p2 =	sne.s32 s9, $0x4  }
.Ltmp1:
0xe: {  	_ = 	snop;
	(pc) =	sbr.rel @!p2 .LBB2_8-.Ltmp1, $4  }
0xf: {  	s12 =	simm.s32 @!p1 $0x3  }
0x10: {  	_ =	swait.ge @!p1 [sflag:s12], $0x8000  }
0x11: {  	p0 =	por !p0, !p0;
	[sflag:s12] =	ssyncset.done @!p1 $0x0  }
0x12: {  	s11 =	smov.u32 s10;
	s10 =	smov.u32 s13;
	[sflag:s12] =	ssyncadd.s32 @!p1 $0xFFFF8000  }
.LBB2_1:
0x13: {  	p1 =	sgt.u32 s9, $0x1  }
0x14: {  	s12 =	sshll.u32 @!p1 s9, $0x8;
	s13 =	sshrl.u32 @!p1 s10, $0x3  }
0x15: {  	s14 =	sand.u32 @!p1 $0x7, s10;
	s12 =	sxor.u32 @!p1 $0x100, s12;
	s13 =	sadd.s32 @!p1 s2, s13  }
0x16: {  	[tilespmem:s12], [sflag:$0x2] =	stream.linear.gather @!p1 [hbm4b:s13+s14], $0x100, $0x38;
	[tilespmem:$0x10200] =	vst v63  }
0x17: {  	p1 =	seq.s32 s9, $0x0  }
0x18: {  	p2 =	seq.s32 @!p1 s9, $0x3  }
0x19: {  	p1 =	por p1, p2  }
.Ltmp2:
0x1a: {  	_ = 	snop;
	(pc) =	sbr.rel @p1 .LBB2_7-.Ltmp2, $1  }
0x1b: {  	_ =	sdelay $0x3  }
0x1c: {  	s12 =	simm.s32 $0x1  }
0x1d: {  	_ =	swait.ge [sflag:s5], $0x100;
	s12 =	simm.s32 @!p0 $0x0  }
0x1e: {  	[sflag:s5] =	ssyncset.done $0x0;
	s14 =	sshll.u32 s12, $0x8  }
0x1f: {  	[sflag:s5] =	ssyncadd.s32 $0xFFFFFF00;
	s13 =	sadd.s32 $0x0, s14  }
0x20: {  	v0 =	vld.msk [tilespmem:s13+$0x0 ss:$0x1], $0xffff;
	_ =	sdelay $0x4  }
0x21: {  	vm2 =	vgt.s32 v0, $0x0  }
0x22: {  	v0 =	vnsel vm2, $0x0, v0  }
0x23: {  	v0 =	vmin.u32 v0, $0x1869F  }
0x24: {  	v0 =	vshll.u32 v0, $0x4;
	_ =	sdelay $0x2  }
0x25: {  	s12 =	sshll.u32 s12, $0xF  }
0x26: {  	s12 =	sor.u32 $0x200, s12  }
0x27: {  	[tilespmem:s12], [sflag:$0x1] =	stream.indirect_vreg.gather [hbm:s3], $0x80, v0, vm0, $0x38;
	[tilespmem:$0x10200] =	vst v63  }
0x28: {  	s15 =	sadd.s32 $0x10, s14;
	s13 =	sadd.s32 $0x400, s12  }
0x29: {  	[tilespmem:s13], [sflag:$0x1] =	stream.indirect_vreg.gather [hbm:s3], $0x80, v0, vm1, $0x38;
	[tilespmem:$0x10200] =	vst v63  }
0x2a: {  	s16 =	simm.s32 $0x80;
	v0 =	vld.msk [tilespmem:s15+$0x0 ss:$0x1], $0xffff;
	s15 =	smov.u32 s12  }
.LBB2_3:
0x2b: {  	p1 =	sne.s32 s16, $0x3C0;
	_ =	sdelay $0x4  }
0x2c: {  	vm2 =	vgt.s32 v0, $0x0  }
0x2d: {  	v0 =	vnsel vm2, $0x0, v0  }
0x2e: {  	v0 =	vmin.u32 v0, $0x1869F  }
0x2f: {  	v0 =	vshll.u32 v0, $0x4;
	_ =	sdelay $0x3  }
.Ltmp3:
0x30: {  	s17 =	sshra.s32 s16, $0x2;
	s15 =	sadd.s32 $0x800, s15;
	(pc) =	sbr.rel @p1 .LBB2_3-.Ltmp3, $4  }
0x31: {  	[tilespmem:s15], [sflag:$0x1] =	stream.indirect_vreg.gather [hbm:s3], $0x80, v0, vm0, $0x38;
	[tilespmem:$0x10200] =	vst v63  }
0x32: {  	s17 =	sadd.s32 s17, s14;
	s18 =	sadd.s32 $0x400, s15  }
0x33: {  	[tilespmem:s18], [sflag:$0x1] =	stream.indirect_vreg.gather [hbm:s3], $0x80, v0, vm1, $0x38;
	[tilespmem:$0x10200] =	vst v63  }
0x34: {  	s16 =	sadd.s32 $0x40, s16;
	v0 =	vld.msk [tilespmem:s17+$0x0 ss:$0x1], $0xffff  }
0x35: {  	_ =	sdelay $0x3  }
0x36: {  	vm2 =	vgt.s32 v0, $0x0  }
0x37: {  	v0 =	vnsel vm2, $0x0, v0  }
0x38: {  	v0 =	vmin.u32 v0, $0x1869F  }
0x39: {  	v0 =	vshll.u32 v0, $0x4;
	_ =	sdelay $0x3  }
0x3a: {  	s14 =	sadd.s32 $0x800, s15  }
0x3b: {  	[tilespmem:s14], [sflag:$0x1] =	stream.indirect_vreg.gather [hbm:s3], $0x80, v0, vm0, $0x38;
	[tilespmem:$0x10200] =	vst v63  }
0x3c: {  	s14 =	sadd.s32 $0x400, s14  }
0x3d: {  	[tilespmem:s14], [sflag:$0x1] =	stream.indirect_vreg.gather [hbm:s3], $0x80, v0, vm1, $0x38;
	[tilespmem:$0x10200] =	vst v63  }
0x3e: {  	s11 =	sshll.u32 s11, $0x4;
	_ =	swait.ge [sflag:s4], $0x8000  }
0x3f: {  	s11 =	sadd.s32 s11, s7;
	[sflag:s4] =	ssyncset.done $0x0  }
0x40: {  	s15 =	sadd.s32 $0x0, s11;
	s14 =	simm.s32 $0x80;
	[sflag:s4] =	ssyncadd.s32 $0xFFFF8000  }
.LBB2_5:
0x41: {  	[hbm:s15] =	stream.linear.scatter [tilespmem:s12], [sflag:$0x3], $0x400, $0x38;
	[tilespmem:$0x10200] =	vst v63  }
0x42: {  	s15 =	smov.u32 s14;
	s12 =	smov.u32 s13;
	p1 =	sne.s32 s14, $0xF80  }
.Ltmp4:
0x43: {  	s14 =	sadd.s32 $0x80, s14;
	(pc) =	sbr.rel @p1 .LBB2_5-.Ltmp4, $2  }
0x44: {  	_ =	sdelay $0x2  }
0x45: {  	s13 =	sadd.s32 $0x400, s13;
	s15 =	sadd.s32 s15, s11  }
.Ltmp5:
0x46: {  	(pc) =	sbr.rel .LBB2_7-.Ltmp5, $2  }
0x47: {  	_ =	sdelay $0x2  }
0x48: {  	[hbm:s15] =	stream.linear.scatter [tilespmem:s12], [sflag:$0x3], $0x400, $0x38;
	[tilespmem:$0x10200] =	vst v63  }
.LBB2_8:
0x49: {  	_ =	sfence.sel $0x180000  }
0x4a: {  	s2 =	simm.s32 $0x2;
	[bflag:$0x0] =	sbarrier.arrive $0xFFFF  }
0x4b: {  	s30 =	simm.s32 $0x3;
	[sflag:s2] =	ssyncpa.u1 $0x1  }
0x4c: {  	s31 =	simm.s32 $0x1;
	[sflag:s30] =	ssyncpa.u1 $0x1  }
0x4d: {  	[sflag:s31] =	ssyncpa.u1 $0x1  }
0x4e: {  	p0 =	sne.s32 s1, $0x0;
	_ =	strace $0x90000050  }
0x4f: {  	s0 =	sadd.s32 @!p0 $0x100000, s0;
	[bflag:$0x2] =	sbarrier.arrive $0xFFFF  }
0x50: {  	[sflag:s0] =	ssyncadd.tile.s32 @!p0 $0x1;
	_ =	shalt  }
.Lfunc_end2:
_tile_overlayer_lowered:
.L_overlay_start_2:
0x51: {  	(tag) =	ssettag $0x2  }
0x52: {  	s0 =	rddreg [dreg:$0x0];
	s2 =	stileid.u32  }
0x53: {  	s1 =	rddreg [dreg:$0x1];
	p0 =	sne.s32 s2, $0x0  }
0x54: {  	s3 =	rddreg [dreg:$0x2];
	[bflag:$0x3] =	sbarrier.arrive $0xFFFF;
	s2 =	simm.s32 @!p0 $0x1C01  }
0x55: {  	[timem:s3], [sflag:s2] =	dma.local @!p0 [hbm:s0], s1  }
0x56: {  	s0 =	simm.s32 @!p0 $0x1  }
0x57: {  	_ =	swait.ge @!p0 [sflag:s0], s1  }
0x58: {  	s1 =	ssub.s32 @!p0 $0x0, s1;
	[sflag:s0] =	ssyncset.done @!p0 $0x0  }
0x59: {  	[sflag:s0] =	ssyncadd.s32 @!p0 s1  }
0x5a: {  	[bflag:$0x3] =	sbarrier.arrive $0xFFFF  }
0x5b: {  	_ =	shalt  }

// kernel: gather_offload_async_start.3
scs
__scs_entry_jumppad:
0x0: {  	(pc) =	sbr.rel $0x88, $3  }
0x1: {  	(tag) =	ssettag $0x0;
	lr =	simm.s32 $0x1  }
0x2: {  	[smem:$0x3F96] =	sst lr;
	_ =	strace $0xD0000000  }
0x3: {  	_ = 	snop  }
0x4: {  	_ = 	snop  }
0x5: {  	_ = 	snop  }
0x6: {  	_ = 	snop  }
0x7: {  	_ = 	snop  }
__scs_overlays_trampoline_lowered:
0x8: {  	[smem:$0x3FA5] =	sst s0  }
0x9: {  	[smem:$0x3FA6] =	sst s1  }
0xa: {  	[smem:$0x3FA7] =	sst s2  }
0xb: {  	[smem:$0x3FA8] =	sst s3  }
0xc: {  	[smem:$0x3FA9] =	sst s4  }
0xd: {  	[smem:$0x3FAA] =	sst s5  }
0xe: {  	[smem:$0x3FAB] =	sst s6  }
0xf: {  	[smem:$0x3FAC] =	sst s7  }
0x10: {  	[smem:$0x3FAD] =	sst s8  }
0x11: {  	[smem:$0x3FAE] =	sst s9;
	s0 =	simm.s32 @!p0 $0x0  }
0x12: {  	s1 =	sld [smem:$0x3F94];
	s0 =	simm.s32 @p0 $0x1  }
0x13: {  	[smem:$0x3FAF] =	sst s0;
	s0 =	simm.s32 @!p1 $0x0  }
0x14: {  	s2 =	sld [smem:$0x3F93];
	s0 =	simm.s32 @p1 $0x1  }
0x15: {  	[smem:$0x3FB0] =	sst s0;
	s0 =	simm.s32 @!p2 $0x0  }
0x16: {  	s3 =	sld [smem:$0x3FDB];
	s0 =	simm.s32 @p2 $0x1  }
0x17: {  	s4 =	simm.s32 $0x1BF5;
	[smem:$0x3FB2] =	sst s0  }
0x18: {  	s0 =	sld [smem:$0x3F95];
	_ =	swait.ge [sflag:s4], $0x0  }
0x19: {  	s7 =	sld [smem:$0x3F96]  }
0x1a: {  	s8 =	sadd.s32 $0xFFFFE003, lr  }
0x1b: {  	s9 =	sadd.s32 $0xFFFFFEF7, lr;
	s5 =	simm.s32 $0xFFFFFFFF;
	p2 =	slt.u32 s8, $0xFFFFF086  }
0x1c: {  	p1 =	slt.u32 s9, $0xF7A;
	s5 =	simm.s32 @!p2 $0x0  }
0x1d: {  	s5 =	simm.s32 @p1 $0x1;
	p0 =	seq.s32 s7, s2  }
0x1e: {  	s7 =	smul.u32 @!p0 $0xF7A, s2;
	p2 =	seq.s32 @!p0 s5, $0x0  }
0x1f: {  	s9 =	smul.u32 $0xF7A, s1;
	s8 =	simm.s32 @!p0 $0x1BF5;
	p2 =	por !p2, p0  }
0x20: {  	[sflag:s8] =	ssyncset.s32 @!p0 $0xFFFFF086;
	s6 =	sadd.s32 @!p0 s3, s7;
	s7 =	simm.s32 @!p0 $0x108  }
0x21: {  	s3 =	sadd.s32 s3, s9;
	s6 =	sadd.s32 @!p0 $0x88, s6;
	s7 =	simm.s32 @p2 $0x1082  }
0x22: {  	[simem:s7], [sflag:s8] =	dma.local @!p0 [hbm:s6], $0xF7A  }
0x23: {  	s9 =	sor.u32 $0xD0000000, s2;
	s6 =	simm.s32 $0x108;
	_ =	swait.ge @!p0 [sflag:s8], $0x0  }
0x24: {  	s3 =	sadd.s32 $0x88, s3;
	s6 =	simm.s32 @!p1 $0x1082;
	[sflag:s4] =	ssyncset.s32 $0xFFFFF086  }
0x25: {  	[simem:s6], [sflag:s4] =	dma.local [hbm:s3], $0xF7A  }
0x26: {  	[smem:$0x3F96] =	sst s1;
	(tag) =	ssettag s2;
	_ =	strace s9  }
0x27: {  	s1 =	sld [smem:$0x3FA6]  }
0x28: {  	s2 =	sld [smem:$0x3FA7]  }
0x29: {  	s4 =	sld [smem:$0x3FA9]  }
0x2a: {  	p0 =	seq.s32 s5, $0x0;
	s5 =	sld [smem:$0x3FAA]  }
0x2b: {  	s6 =	sld [smem:$0x3FAB]  }
0x2c: {  	s7 =	sld [smem:$0x3FAC]  }
0x2d: {  	s3 =	simm.s32 $0x108;
	s8 =	sld [smem:$0x3FAD]  }
0x2e: {  	s3 =	simm.s32 @!p0 $0x1082;
	s9 =	sld [smem:$0x3FAE]  }
0x2f: {  	lr =	sadd.s32 s0, s3;
	s0 =	sld [smem:$0x3FA5]  }
0x30: {  	s3 =	sld [smem:$0x3FA8]  }
0x31: {  	[smem:$0x3FB1] =	sst s10  }
0x32: {  	s10 =	sld [smem:$0x3FAF];
	_ =	sdelay $0x3  }
0x33: {  	p0 =	seq.s32 s10, $0x1;
	s10 =	sld [smem:$0x3FB1];
	_ =	sdelay $0x3  }
0x34: {  	[smem:$0x3FB1] =	sst s10  }
0x35: {  	s10 =	sld [smem:$0x3FB0];
	_ =	sdelay $0x3  }
0x36: {  	p1 =	seq.s32 s10, $0x1;
	s10 =	sld [smem:$0x3FB1];
	_ =	sdelay $0x3  }
0x37: {  	[smem:$0x3FB1] =	sst s10  }
0x38: {  	s10 =	sld [smem:$0x3FB2]  }
0x39: {  	_ = 	snop;
	(pc) =	sbr.ind lr, $3  }
0x3a: {  	_ = 	snop  }
0x3b: {  	_ = 	snop  }
0x3c: {  	p2 =	seq.s32 s10, $0x1;
	s10 =	sld [smem:$0x3FB1]  }
0x3d: {  	_ =	shalt  }
0x3e: {  	_ =	shalt  }
0x3f: {  	_ =	shalt  }
0x40: {  	_ =	shalt  }
0x41: {  	_ =	shalt  }
0x42: {  	_ =	shalt  }
0x43: {  	_ =	shalt  }
0x44: {  	_ =	shalt  }
0x45: {  	_ =	shalt  }
0x46: {  	_ =	shalt  }
0x47: {  	_ =	shalt  }
0x48: {  	_ =	shalt  }
0x49: {  	_ =	shalt  }
0x4a: {  	_ =	shalt  }
0x4b: {  	_ =	shalt  }
0x4c: {  	_ =	shalt  }
0x4d: {  	_ =	shalt  }
0x4e: {  	_ =	shalt  }
0x4f: {  	_ =	shalt  }
0x50: {  	_ =	shalt  }
0x51: {  	_ =	shalt  }
0x52: {  	_ =	shalt  }
0x53: {  	_ =	shalt  }
0x54: {  	_ =	shalt  }
0x55: {  	_ =	shalt  }
0x56: {  	_ =	shalt  }
0x57: {  	_ =	shalt  }
0x58: {  	_ =	shalt  }
0x59: {  	_ =	shalt  }
0x5a: {  	_ =	shalt  }
0x5b: {  	_ =	shalt  }
0x5c: {  	_ =	shalt  }
0x5d: {  	_ =	shalt  }
0x5e: {  	_ =	shalt  }
0x5f: {  	_ =	shalt  }
0x60: {  	_ =	shalt  }
0x61: {  	_ =	shalt  }
0x62: {  	_ =	shalt  }
0x63: {  	_ =	shalt  }
0x64: {  	_ =	shalt  }
0x65: {  	_ =	shalt  }
0x66: {  	_ =	shalt  }
0x67: {  	_ =	shalt  }
0x68: {  	_ =	shalt  }
0x69: {  	_ =	shalt  }
0x6a: {  	_ =	shalt  }
0x6b: {  	_ =	shalt  }
0x6c: {  	_ =	shalt  }
0x6d: {  	_ =	shalt  }
0x6e: {  	_ =	shalt  }
0x6f: {  	_ =	shalt  }
0x70: {  	_ =	shalt  }
0x71: {  	_ =	shalt  }
0x72: {  	_ =	shalt  }
0x73: {  	_ =	shalt  }
0x74: {  	_ =	shalt  }
0x75: {  	_ =	shalt  }
0x76: {  	_ =	shalt  }
0x77: {  	_ =	shalt  }
0x78: {  	_ =	shalt  }
0x79: {  	_ =	shalt  }
0x7a: {  	_ =	shalt  }
0x7b: {  	_ =	shalt  }
0x7c: {  	_ =	shalt  }
0x7d: {  	_ =	shalt  }
0x7e: {  	_ =	shalt  }
0x7f: {  	_ =	shalt  }
0x80: {  	_ =	shalt  }
0x81: {  	_ =	shalt  }
0x82: {  	_ =	shalt  }
0x83: {  	_ =	shalt  }
0x84: {  	_ =	shalt  }
0x85: {  	_ =	shalt  }
0x86: {  	_ =	shalt  }
0x87: {  	_ =	shalt  }
.Lfunc_end0:
.L_simem_size_0:
called_computation.4_lowered:
.L_overlay_start_0:
0x88: {  	s2 =	sld [smem:$0x3FD9]  }
0x89: {  	s3 =	sld [smem:$0x3FFE];
	_ =	sdelay $0x1  }
0x8a: {  	s1 =	srdreg.scid  }
0x8b: {  	s0 =	sand.u32 $0x1, s1  }
0x8c: {  	s16 =	sshll.u32 s0, $0xA;
	s2 =	sadd.s32 s3, s2  }
0x8d: {  	s2 =	sadd.s32 s2, s16  }
0x8e: {  	[smem:$0x3FBD] =	sst s2  }
0x8f: {  	_ = 	snop  }
0x90: {  	(tm) =	ssettm $0x1  }
0x91: {  	s17 =	sld [smem:$0x3FFB];
	_ =	sdelay $0x3  }
0x92: {  	_ =	strace s17  }
0x93: {  	s2 =	sld [smem:$0x3FFC];
	_ =	sdelay $0x3  }
0x94: {  	_ =	strace s2  }
0x95: {  	s2 =	sld [smem:$0x3FFD];
	_ =	sdelay $0x3  }
0x96: {  	_ =	strace s2  }
0x97: {  	_ =	strace $0x8FFFFFFF  }
0x98: {  	s18 =	sld [smem:$0x3FDB];
	_ =	sdelay $0x1  }
0x99: {  	s19 =	simm.s32 $_scs_section_size  }
0x9a: {  	s4 =	simm.s32 $_size__tile_overlayer_lowered;
	s5 =	simm.s32 $_tile_overlayer_lowered  }
0x9b: {  	s22 =	simm.s32 $0x1BFF;
	s21 =	sshll.u32 s5, $0x1;
	s2 =	sadd.s32 s19, s18  }
0x9c: {  	s6 =	simm.s32 $0x0;
	s20 =	sshll.u32 s4, $0x1;
	s4 =	sadd.s32 s21, s2  }
0x9d: {  	[timem:s6], [sflag:s22] =	dma.local [hbm:s4], s20  }
0x9e: {  	_ =	swait.ge [sflag:s22], s20  }
0x9f: {  	s3 =	ssub.s32 $0x0, s20;
	[sflag:s22] =	ssyncset.done $0x0  }
0xa0: {  	[sflag:s22] =	ssyncadd.s32 s3;
	_ =	sdelay $0x1  }
0xa1: {  	s23 =	simm.s32 $0x1B8B  }
0xa2: {  	_ =	swait.ge [sflag:s23], $0x1  }
0xa3: {  	[sflag:s23] =	ssyncset.done $0x0  }
0xa4: {  	s25 =	simm.s32 $0x1B8E;
	s24 =	sld [smem:$0x3FFE];
	[sflag:s23] =	ssyncadd.s32 $0xFFFFFFFF  }
0xa5: {  	s26 =	simm.s32 $execute0_lowered;
	[smem:$0x3FD2] =	sst s25  }
0xa6: {  	s4 =	sshll.u32 s26, $0x1;
	_ =	strace $0x80000052;
	[dreg:$0x1] =	wrdreg $0xFFFFFFFF  }
0xa7: {  	s28 =	simm.s32 $_size_execute0_lowered;
	s2 =	sadd.s32 s2, s4;
	[dreg:$0x0] =	wrdreg $0x0  }
0xa8: {  	s4 =	sshll.u32 s28, $0x1;
	[dreg:$0x2] =	wrdreg s2  }
0xa9: {  	[dreg:$0x3] =	wrdreg s4  }
0xaa: {  	[dreg:$0x4] =	wrdreg $0xC0  }
0xab: {  	_ =	task [dreg:s6], $0x5FFFF  }
0xac: {  	[dreg:$0x1] =	wrdreg $0xFFFFFFFF  }
0xad: {  	[dreg:$0x0] =	wrdreg $0x60  }
0xae: {  	[dreg:$0x2] =	wrdreg s24  }
0xaf: {  	[dreg:$0x3] =	wrdreg $0x9  }
0xb0: {  	_ =	task.clear_ibuf [dreg:s6], $0x4FFFF;
	_ =	strace $0x90000052  }
0xb1: {  	s29 =	simm.s32 $0x9;
	_ =	strace $0x80000054  }
0xb2: {  	_ =	swait.ge [sflag:s29], $0x1  }
0xb3: {  	[sflag:s29] =	ssyncadd.s32 $0xFFFFFFFF  }
0xb4: {  	_ =	strace $0x90000054  }
0xb5: {  	_ =	sfence  }
0xb6: {  	s30 =	sld [smem:$0x0];
	_ =	sdelay $0x2  }
0xb7: {  	s31 =	sshll.u32 s1, $0xD;
	s1 =	sshrl.u32 s1, $0x2  }
0xb8: {  	s3 =	sand.u32 $0x4000, s31;
	s1 =	sadd.s32 s1, s30  }
0xb9: {  	s0 =	sor.u32 s3, s0;
	s1 =	sshll.u32 s1, $0x11  }
0xba: {  	s0 =	sor.u32 s1, s0  }
0xbb: {  	s0 =	sadd.s32 $0x8F2B, s0  }
0xbc: {  	[sflag:s0] =	ssyncadd.remote.s32 $0x1  }
0xbd: {  	_ =	sfence.sel $0xFFFF  }
0xbe: {  	[dreg:$0x0] =	wrdreg $0xFFFFFFFF;
	(pc) =	sbr.abs _section_cstart, $3  }
0xbf: {  	[dreg:$0x1] =	wrdreg $0xFFFFFFFF  }
0xc0: {  	_ =	task.clear_ibuf [dreg:s6], $0x2FFFF;
	_ =	strace $0x9FFFFFFF  }
0xc1: {  	(tm) =	ssettm $0x7FFFFFFF  }
tec
execute0_lowered:
.L_overlay_start_1:
0x0: {  	(tag) =	ssettag $0x1  }
0x1: {  	s7 =	rddreg [dreg:$0x0]  }
0x2: {  	s1 =	srdreg.scid;
	s0 =	rddreg [dreg:$0x1]  }
0x3: {  	_ =	strace $0x80000053;
	s3 =	simm.s32 $0x1;
	s5 =	simm.s32 $0x2  }
0x4: {  	s9 =	simm.s32 $0x3;
	s11 =	simm.s32 $0x0;
	s2 =	sshll.u32 s1, $0x4  }
.Ltmp0:
0x5: {  	s1 =	stileid.u32;
	s4 =	sand.u32 $0x10, s2;
	(pc) =	sbr.rel .LBB2_1-.Ltmp0, $4  }
0x6: {  	p0 =	por $0x0, $0x0;
	[sflag:s3] =	ssyncpa.u1 $0x0;
	s4 =	sor.u32 s1, s4  }
0x7: {  	s6 =	sadd.s32 $0x49B400, s7;
	[sflag:s5] =	ssyncpa.u1 $0x0;
	s4 =	smul.u32 $0x600, s4  }
0x8: {  	s2 =	sadd.s32 $0x200, s7;
	s7 =	sadd.s32 $0xC0200, s7;
	[sflag:s9] =	ssyncpa.u1 $0x0  }
0x9: {  	vm0 =	vmmov $0xff;
	vm1 =	vcmask $0x3F20;
	s9 =	simm.s32 $0x0;
	s8 =	sadd.s32 $0x600, s4;
	s10 =	smov.u32 s4  }
.LBB2_6:
0xa: {  	[hbm:s15] =	stream.linear.scatter [tilespmem:s12], [sflag:$0x3], $0x400, $0x38;
	[tilespmem:$0x18300] =	vst v63  }
.LBB2_7:
0xb: {  	p1 =	slt.u32 s9, $0x2;
	s11 =	sadd.s32 $0x180, s10  }
0xc: {  	s13 =	smov.u32 s4;
	s9 =	sadd.s32 $0x1, s9;
	p2 =	slt.s32 s11, s8  }
0xd: {  	s13 =	smov.u32 @p2 s11;
	p2 =	sne.s32 s9, $0x6  }
.Ltmp1:
0xe: {  	_ = 	snop;
	(pc) =	sbr.rel @!p2 .LBB2_8-.Ltmp1, $4  }
0xf: {  	s12 =	simm.s32 @!p1 $0x3  }
0x10: {  	_ =	swait.ge @!p1 [sflag:s12], $0xC000  }
0x11: {  	p0 =	por !p0, !p0;
	[sflag:s12] =	ssyncset.done @!p1 $0x0  }
0x12: {  	s11 =	smov.u32 s10;
	s10 =	smov.u32 s13;
	[sflag:s12] =	ssyncadd.s32 @!p1 $0xFFFF4000  }
.LBB2_1:
0x13: {  	p1 =	sgt.u32 s9, $0x3  }
0x14: {  	s12 =	sxor.u32 @!p1 $0xFFFFFFFF, s9  }
0x15: {  	s12 =	sand.u32 @!p1 $0x1, s12  }
0x16: {  	s12 =	smul.u32 @!p1 $0x600, s12  }
0x17: {  	s31 =	sadd.s32 $0xFFFFFFFF, s9;
	s13 =	sshrl.u32 @!p1 s10, $0x3  }
0x18: {  	s14 =	sand.u32 @!p1 $0x7, s10;
	s13 =	sadd.s32 @!p1 s6, s13;
	s12 =	sshrl.u32 @!p1 s12, $0x2  }
0x19: {  	[tilespmem:s12], [sflag:$0x2] =	stream.linear.gather @!p1 [hbm4b:s13+s14], $0x180, $0x38;
	[tilespmem:$0x18300] =	vst v63  }
0x1a: {  	p1 =	sgt.u32 s31, $0x3  }
.Ltmp2:
0x1b: {  	_ = 	snop;
	(pc) =	sbr.rel @p1 .LBB2_7-.Ltmp2, $1  }
0x1c: {  	_ =	sdelay $0x3  }
0x1d: {  	s12 =	simm.s32 $0x1  }
0x1e: {  	s12 =	simm.s32 @!p0 $0x0  }
0x1f: {  	s13 =	smul.u32 $0x600, s12  }
0x20: {  	_ =	swait.ge [sflag:s5], $0x180  }
0x21: {  	[sflag:s5] =	ssyncset.done $0x0;
	s14 =	sshrl.u32 s13, $0x2  }
0x22: {  	[sflag:s5] =	ssyncadd.s32 $0xFFFFFE80;
	s13 =	sadd.s32 $0x0, s14  }
0x23: {  	v0 =	vld.msk [tilespmem:s13+$0x0 ss:$0x1], $0xffff;
	_ =	sdelay $0x4  }
0x24: {  	v1 =	vshll.u32 v0, $0x7  }
0x25: {  	vm2 =	veq.s32 v0, $0x80000000;
	v0 =	vand.u32 $0x1FFF80, v1  }
0x26: {  	v1 =	vand.u32 $0x600000, v1;
	v0 =	vsel vm2, $0xFFFFFF80, v0  }
0x27: {  	v1 =	vsel vm2, $0xFFE00000, v1;
	v2 =	vand.u32 $0xFFFFFC00, v0  }
0x28: {  	v0 =	vand.u32 $0x380, v0;
	v1 =	vadd.s32 v1, v2  }
0x29: {  	v0 =	vor.u32 v0, v1  }
0x2a: {  	v0 =	vshrl.u32 v0, $0x3  }
0x2b: {  	s12 =	smul.u32 $0x30000, s12;
	_ =	sdelay $0x1  }
0x2c: {  	s12 =	sshrl.u32 s12, $0x2  }
0x2d: {  	s12 =	sor.u32 $0x300, s12  }
0x2e: {  	[tilespmem:s12], [sflag:$0x1] =	stream.indirect_vreg.gather [hbm:s2], $0x80, v0, vm0, $0x38;
	[tilespmem:$0x18300] =	vst v63  }
0x2f: {  	s15 =	sadd.s32 $0x10, s14;
	s13 =	sadd.s32 $0x400, s12  }
0x30: {  	[tilespmem:s13], [sflag:$0x1] =	stream.indirect_vreg.gather [hbm:s2], $0x80, v0, vm1, $0x38;
	[tilespmem:$0x18300] =	vst v63  }
0x31: {  	s16 =	simm.s32 $0x80;
	v0 =	vld.msk [tilespmem:s15+$0x0 ss:$0x1], $0xffff;
	s15 =	smov.u32 s12  }
.LBB2_3:
0x32: {  	p1 =	sne.s32 s16, $0x5C0;
	_ =	sdelay $0x4  }
0x33: {  	v1 =	vshll.u32 v0, $0x7  }
0x34: {  	vm2 =	veq.s32 v0, $0x80000000;
	v0 =	vand.u32 $0x1FFF80, v1  }
0x35: {  	v1 =	vand.u32 $0x600000, v1;
	v0 =	vsel vm2, $0xFFFFFF80, v0  }
0x36: {  	v1 =	vsel vm2, $0xFFE00000, v1;
	v2 =	vand.u32 $0xFFFFFC00, v0  }
0x37: {  	v0 =	vand.u32 $0x380, v0;
	v1 =	vadd.s32 v1, v2  }
0x38: {  	v0 =	vor.u32 v0, v1  }
0x39: {  	v0 =	vshrl.u32 v0, $0x3;
	_ =	sdelay $0x3  }
.Ltmp3:
0x3a: {  	s17 =	sshra.s32 s16, $0x2;
	s15 =	sadd.s32 $0x800, s15;
	(pc) =	sbr.rel @p1 .LBB2_3-.Ltmp3, $4  }
0x3b: {  	[tilespmem:s15], [sflag:$0x1] =	stream.indirect_vreg.gather [hbm:s2], $0x80, v0, vm0, $0x38;
	[tilespmem:$0x18300] =	vst v63  }
0x3c: {  	s17 =	sadd.s32 s17, s14;
	s18 =	sadd.s32 $0x400, s15  }
0x3d: {  	[tilespmem:s18], [sflag:$0x1] =	stream.indirect_vreg.gather [hbm:s2], $0x80, v0, vm1, $0x38;
	[tilespmem:$0x18300] =	vst v63  }
0x3e: {  	s16 =	sadd.s32 $0x40, s16;
	v0 =	vld.msk [tilespmem:s17+$0x0 ss:$0x1], $0xffff  }
0x3f: {  	_ =	sdelay $0x3  }
0x40: {  	v1 =	vshll.u32 v0, $0x7  }
0x41: {  	vm2 =	veq.s32 v0, $0x80000000;
	v63 =	vand.u32 $0x1FFF80, v1  }
0x42: {  	v1 =	vand.u32 $0x600000, v1;
	v0 =	vsel vm2, $0xFFFFFF80, v63  }
0x43: {  	v1 =	vsel vm2, $0xFFE00000, v1;
	v2 =	vand.u32 $0xFFFFFC00, v0  }
0x44: {  	v0 =	vand.u32 $0x380, v0;
	v1 =	vadd.s32 v1, v2  }
0x45: {  	v0 =	vor.u32 v0, v1  }
0x46: {  	v0 =	vshrl.u32 v0, $0x3;
	_ =	sdelay $0x3  }
0x47: {  	s14 =	sadd.s32 $0x800, s15  }
0x48: {  	[tilespmem:s14], [sflag:$0x1] =	stream.indirect_vreg.gather [hbm:s2], $0x80, v0, vm0, $0x38;
	[tilespmem:$0x18300] =	vst v63  }
0x49: {  	s14 =	sadd.s32 $0x400, s14  }
0x4a: {  	[tilespmem:s14], [sflag:$0x1] =	stream.indirect_vreg.gather [hbm:s2], $0x80, v0, vm1, $0x38;
	[tilespmem:$0x18300] =	vst v63  }
0x4b: {  	s11 =	sshll.u32 s11, $0x4;
	_ =	swait.ge [sflag:s3], $0xC000  }
0x4c: {  	s11 =	sadd.s32 s11, s7;
	[sflag:s3] =	ssyncset.done $0x0  }
0x4d: {  	s15 =	sadd.s32 $0x0, s11;
	s14 =	simm.s32 $0x80;
	[sflag:s3] =	ssyncadd.s32 $0xFFFF4000  }
.LBB2_5:
0x4e: {  	[hbm:s15] =	stream.linear.scatter [tilespmem:s12], [sflag:$0x3], $0x400, $0x38;
	[tilespmem:$0x18300] =	vst v63  }
0x4f: {  	s15 =	smov.u32 s14;
	s12 =	smov.u32 s13;
	p1 =	sne.s32 s14, $0x1780  }
.Ltmp4:
0x50: {  	s14 =	sadd.s32 $0x80, s14;
	(pc) =	sbr.rel @p1 .LBB2_5-.Ltmp4, $2  }
0x51: {  	_ =	sdelay $0x2  }
0x52: {  	s13 =	sadd.s32 $0x400, s13;
	s15 =	sadd.s32 s15, s11  }
.Ltmp5:
0x53: {  	_ = 	snop;
	(pc) =	sbr.rel .LBB2_6-.Ltmp5, $1  }
0x54: {  	_ =	sdelay $0x3  }
.LBB2_8:
0x55: {  	_ =	sfence.sel $0x180000  }
0x56: {  	s2 =	simm.s32 $0x2;
	[bflag:$0x0] =	sbarrier.arrive $0xFFFF  }
0x57: {  	s30 =	simm.s32 $0x3;
	[sflag:s2] =	ssyncpa.u1 $0x1  }
0x58: {  	s31 =	simm.s32 $0x1;
	[sflag:s30] =	ssyncpa.u1 $0x1  }
0x59: {  	[sflag:s31] =	ssyncpa.u1 $0x1  }
0x5a: {  	p0 =	sne.s32 s1, $0x0;
	_ =	strace $0x90000053  }
0x5b: {  	s0 =	sadd.s32 @!p0 $0x100000, s0;
	[bflag:$0x2] =	sbarrier.arrive $0xFFFF  }
0x5c: {  	[sflag:s0] =	ssyncadd.tile.s32 @!p0 $0x1;
	_ =	shalt  }
.Lfunc_end2:
_tile_overlayer_lowered:
.L_overlay_start_2:
0x5d: {  	(tag) =	ssettag $0x2  }
0x5e: {  	s0 =	rddreg [dreg:$0x0];
	s2 =	stileid.u32  }
0x5f: {  	s1 =	rddreg [dreg:$0x1];
	p0 =	sne.s32 s2, $0x0  }
0x60: {  	s3 =	rddreg [dreg:$0x2];
	[bflag:$0x3] =	sbarrier.arrive $0xFFFF;
	s2 =	simm.s32 @!p0 $0x1C01  }
0x61: {  	[timem:s3], [sflag:s2] =	dma.local @!p0 [hbm:s0], s1  }
0x62: {  	s0 =	simm.s32 @!p0 $0x1  }
0x63: {  	_ =	swait.ge @!p0 [sflag:s0], s1  }
0x64: {  	s1 =	ssub.s32 @!p0 $0x0, s1;
	[sflag:s0] =	ssyncset.done @!p0 $0x0  }
0x65: {  	[sflag:s0] =	ssyncadd.s32 @!p0 s1  }
0x66: {  	[bflag:$0x3] =	sbarrier.arrive $0xFFFF  }
0x67: {  	_ =	shalt  }

// kernel: gather_offload_async_start
scs
__scs_entry_jumppad:
0x0: {  	(pc) =	sbr.rel $0x88, $3  }
0x1: {  	(tag) =	ssettag $0x0;
	lr =	simm.s32 $0x1  }
0x2: {  	[smem:$0x3F96] =	sst lr;
	_ =	strace $0xD0000000  }
0x3: {  	_ = 	snop  }
0x4: {  	_ = 	snop  }
0x5: {  	_ = 	snop  }
0x6: {  	_ = 	snop  }
0x7: {  	_ = 	snop  }
__scs_overlays_trampoline_lowered:
0x8: {  	[smem:$0x3FA5] =	sst s0  }
0x9: {  	[smem:$0x3FA6] =	sst s1  }
0xa: {  	[smem:$0x3FA7] =	sst s2  }
0xb: {  	[smem:$0x3FA8] =	sst s3  }
0xc: {  	[smem:$0x3FA9] =	sst s4  }
0xd: {  	[smem:$0x3FAA] =	sst s5  }
0xe: {  	[smem:$0x3FAB] =	sst s6  }
0xf: {  	[smem:$0x3FAC] =	sst s7  }
0x10: {  	[smem:$0x3FAD] =	sst s8  }
0x11: {  	[smem:$0x3FAE] =	sst s9;
	s0 =	simm.s32 @!p0 $0x0  }
0x12: {  	s1 =	sld [smem:$0x3F94];
	s0 =	simm.s32 @p0 $0x1  }
0x13: {  	[smem:$0x3FAF] =	sst s0;
	s0 =	simm.s32 @!p1 $0x0  }
0x14: {  	s2 =	sld [smem:$0x3F93];
	s0 =	simm.s32 @p1 $0x1  }
0x15: {  	[smem:$0x3FB0] =	sst s0;
	s0 =	simm.s32 @!p2 $0x0  }
0x16: {  	s3 =	sld [smem:$0x3FDB];
	s0 =	simm.s32 @p2 $0x1  }
0x17: {  	s4 =	simm.s32 $0x1BF5;
	[smem:$0x3FB2] =	sst s0  }
0x18: {  	s0 =	sld [smem:$0x3F95];
	_ =	swait.ge [sflag:s4], $0x0  }
0x19: {  	s7 =	sld [smem:$0x3F96]  }
0x1a: {  	s8 =	sadd.s32 $0xFFFFE003, lr  }
0x1b: {  	s9 =	sadd.s32 $0xFFFFFEF7, lr;
	s5 =	simm.s32 $0xFFFFFFFF;
	p2 =	slt.u32 s8, $0xFFFFF086  }
0x1c: {  	p1 =	slt.u32 s9, $0xF7A;
	s5 =	simm.s32 @!p2 $0x0  }
0x1d: {  	s5 =	simm.s32 @p1 $0x1;
	p0 =	seq.s32 s7, s2  }
0x1e: {  	s7 =	smul.u32 @!p0 $0xF7A, s2;
	p2 =	seq.s32 @!p0 s5, $0x0  }
0x1f: {  	s9 =	smul.u32 $0xF7A, s1;
	s8 =	simm.s32 @!p0 $0x1BF5;
	p2 =	por !p2, p0  }
0x20: {  	[sflag:s8] =	ssyncset.s32 @!p0 $0xFFFFF086;
	s6 =	sadd.s32 @!p0 s3, s7;
	s7 =	simm.s32 @!p0 $0x108  }
0x21: {  	s3 =	sadd.s32 s3, s9;
	s6 =	sadd.s32 @!p0 $0x88, s6;
	s7 =	simm.s32 @p2 $0x1082  }
0x22: {  	[simem:s7], [sflag:s8] =	dma.local @!p0 [hbm:s6], $0xF7A  }
0x23: {  	s9 =	sor.u32 $0xD0000000, s2;
	s6 =	simm.s32 $0x108;
	_ =	swait.ge @!p0 [sflag:s8], $0x0  }
0x24: {  	s3 =	sadd.s32 $0x88, s3;
	s6 =	simm.s32 @!p1 $0x1082;
	[sflag:s4] =	ssyncset.s32 $0xFFFFF086  }
0x25: {  	[simem:s6], [sflag:s4] =	dma.local [hbm:s3], $0xF7A  }
0x26: {  	[smem:$0x3F96] =	sst s1;
	(tag) =	ssettag s2;
	_ =	strace s9  }
0x27: {  	s1 =	sld [smem:$0x3FA6]  }
0x28: {  	s2 =	sld [smem:$0x3FA7]  }
0x29: {  	s4 =	sld [smem:$0x3FA9]  }
0x2a: {  	p0 =	seq.s32 s5, $0x0;
	s5 =	sld [smem:$0x3FAA]  }
0x2b: {  	s6 =	sld [smem:$0x3FAB]  }
0x2c: {  	s7 =	sld [smem:$0x3FAC]  }
0x2d: {  	s3 =	simm.s32 $0x108;
	s8 =	sld [smem:$0x3FAD]  }
0x2e: {  	s3 =	simm.s32 @!p0 $0x1082;
	s9 =	sld [smem:$0x3FAE]  }
0x2f: {  	lr =	sadd.s32 s0, s3;
	s0 =	sld [smem:$0x3FA5]  }
0x30: {  	s3 =	sld [smem:$0x3FA8]  }
0x31: {  	[smem:$0x3FB1] =	sst s10  }
0x32: {  	s10 =	sld [smem:$0x3FAF];
	_ =	sdelay $0x3  }
0x33: {  	p0 =	seq.s32 s10, $0x1;
	s10 =	sld [smem:$0x3FB1];
	_ =	sdelay $0x3  }
0x34: {  	[smem:$0x3FB1] =	sst s10  }
0x35: {  	s10 =	sld [smem:$0x3FB0];
	_ =	sdelay $0x3  }
0x36: {  	p1 =	seq.s32 s10, $0x1;
	s10 =	sld [smem:$0x3FB1];
	_ =	sdelay $0x3  }
0x37: {  	[smem:$0x3FB1] =	sst s10  }
0x38: {  	s10 =	sld [smem:$0x3FB2]  }
0x39: {  	_ = 	snop;
	(pc) =	sbr.ind lr, $3  }
0x3a: {  	_ = 	snop  }
0x3b: {  	_ = 	snop  }
0x3c: {  	p2 =	seq.s32 s10, $0x1;
	s10 =	sld [smem:$0x3FB1]  }
0x3d: {  	_ =	shalt  }
0x3e: {  	_ =	shalt  }
0x3f: {  	_ =	shalt  }
0x40: {  	_ =	shalt  }
0x41: {  	_ =	shalt  }
0x42: {  	_ =	shalt  }
0x43: {  	_ =	shalt  }
0x44: {  	_ =	shalt  }
0x45: {  	_ =	shalt  }
0x46: {  	_ =	shalt  }
0x47: {  	_ =	shalt  }
0x48: {  	_ =	shalt  }
0x49: {  	_ =	shalt  }
0x4a: {  	_ =	shalt  }
0x4b: {  	_ =	shalt  }
0x4c: {  	_ =	shalt  }
0x4d: {  	_ =	shalt  }
0x4e: {  	_ =	shalt  }
0x4f: {  	_ =	shalt  }
0x50: {  	_ =	shalt  }
0x51: {  	_ =	shalt  }
0x52: {  	_ =	shalt  }
0x53: {  	_ =	shalt  }
0x54: {  	_ =	shalt  }
0x55: {  	_ =	shalt  }
0x56: {  	_ =	shalt  }
0x57: {  	_ =	shalt  }
0x58: {  	_ =	shalt  }
0x59: {  	_ =	shalt  }
0x5a: {  	_ =	shalt  }
0x5b: {  	_ =	shalt  }
0x5c: {  	_ =	shalt  }
0x5d: {  	_ =	shalt  }
0x5e: {  	_ =	shalt  }
0x5f: {  	_ =	shalt  }
0x60: {  	_ =	shalt  }
0x61: {  	_ =	shalt  }
0x62: {  	_ =	shalt  }
0x63: {  	_ =	shalt  }
0x64: {  	_ =	shalt  }
0x65: {  	_ =	shalt  }
0x66: {  	_ =	shalt  }
0x67: {  	_ =	shalt  }
0x68: {  	_ =	shalt  }
0x69: {  	_ =	shalt  }
0x6a: {  	_ =	shalt  }
0x6b: {  	_ =	shalt  }
0x6c: {  	_ =	shalt  }
0x6d: {  	_ =	shalt  }
0x6e: {  	_ =	shalt  }
0x6f: {  	_ =	shalt  }
0x70: {  	_ =	shalt  }
0x71: {  	_ =	shalt  }
0x72: {  	_ =	shalt  }
0x73: {  	_ =	shalt  }
0x74: {  	_ =	shalt  }
0x75: {  	_ =	shalt  }
0x76: {  	_ =	shalt  }
0x77: {  	_ =	shalt  }
0x78: {  	_ =	shalt  }
0x79: {  	_ =	shalt  }
0x7a: {  	_ =	shalt  }
0x7b: {  	_ =	shalt  }
0x7c: {  	_ =	shalt  }
0x7d: {  	_ =	shalt  }
0x7e: {  	_ =	shalt  }
0x7f: {  	_ =	shalt  }
0x80: {  	_ =	shalt  }
0x81: {  	_ =	shalt  }
0x82: {  	_ =	shalt  }
0x83: {  	_ =	shalt  }
0x84: {  	_ =	shalt  }
0x85: {  	_ =	shalt  }
0x86: {  	_ =	shalt  }
0x87: {  	_ =	shalt  }
.Lfunc_end0:
.L_simem_size_0:
called_computation.1_lowered:
.L_overlay_start_0:
0x88: {  	s2 =	sld [smem:$0x3FD9]  }
0x89: {  	s3 =	sld [smem:$0x3FFE];
	_ =	sdelay $0x1  }
0x8a: {  	s1 =	srdreg.scid  }
0x8b: {  	s0 =	sand.u32 $0x1, s1  }
0x8c: {  	s14 =	sshll.u32 s0, $0xA;
	s2 =	sadd.s32 s3, s2  }
0x8d: {  	s2 =	sadd.s32 s2, s14  }
0x8e: {  	[smem:$0x3FBD] =	sst s2  }
0x8f: {  	_ = 	snop  }
0x90: {  	s2 =	sld [smem:$0x3FD0];
	_ =	sdelay $0x2  }
0x91: {  	s15 =	simm.s32 $0xA;
	s4 =	simm.s32 $0x10  }
0x92: {  	[smem:s4], [sflag:s15] =	dma.local [hbm:s2], $0x1  }
0x93: {  	_ =	swait.eq [sflag:s15], $0x1  }
0x94: {  	[sflag:s15] =	ssyncset.done $0x0  }
0x95: {  	[sflag:s15] =	ssyncadd.s32 $0xFFFFFFFF  }
0x96: {  	s16 =	sld [smem:$0x10];
	(tm) =	ssettm $0x1  }
0x97: {  	s17 =	sld [smem:$0x3FFB];
	_ =	sdelay $0x3  }
0x98: {  	_ =	strace s17  }
0x99: {  	s3 =	sld [smem:$0x3FFC];
	_ =	sdelay $0x3  }
0x9a: {  	_ =	strace s3  }
0x9b: {  	s3 =	sld [smem:$0x3FFD];
	_ =	sdelay $0x3  }
0x9c: {  	_ =	strace s3  }
0x9d: {  	_ =	strace $0x8FFFFFFF  }
0x9e: {  	s18 =	sld [smem:$0x3FDB];
	_ =	sdelay $0x1  }
0x9f: {  	s19 =	simm.s32 $_scs_section_size  }
0xa0: {  	s5 =	simm.s32 $_size__tile_overlayer_lowered;
	s6 =	simm.s32 $_tile_overlayer_lowered  }
0xa1: {  	s22 =	simm.s32 $0x1BFF;
	s21 =	sshll.u32 s6, $0x1;
	s3 =	sadd.s32 s19, s18  }
0xa2: {  	s7 =	simm.s32 $0x0;
	s20 =	sshll.u32 s5, $0x1;
	s5 =	sadd.s32 s21, s3  }
0xa3: {  	[timem:s7], [sflag:s22] =	dma.local [hbm:s5], s20  }
0xa4: {  	_ =	swait.ge [sflag:s22], s20  }
0xa5: {  	s4 =	ssub.s32 $0x0, s20;
	[sflag:s22] =	ssyncset.done $0x0  }
0xa6: {  	[sflag:s22] =	ssyncadd.s32 s4;
	_ =	sdelay $0x1  }
0xa7: {  	s23 =	simm.s32 $0x1B8B  }
0xa8: {  	_ =	swait.ge [sflag:s23], $0x1  }
0xa9: {  	[sflag:s23] =	ssyncset.done $0x0  }
0xaa: {  	s25 =	simm.s32 $0x1B8E;
	s24 =	sld [smem:$0x3FFE];
	[sflag:s23] =	ssyncadd.s32 $0xFFFFFFFF  }
0xab: {  	s26 =	simm.s32 $execute0_lowered;
	[smem:$0x3FD2] =	sst s25  }
0xac: {  	s5 =	sshll.u32 s26, $0x1;
	_ =	strace $0x8000004C;
	[dreg:$0x1] =	wrdreg $0xFFFFFFFF  }
0xad: {  	s28 =	simm.s32 $_size_execute0_lowered;
	s3 =	sadd.s32 s3, s5;
	[dreg:$0x0] =	wrdreg $0x0  }
0xae: {  	s5 =	sshll.u32 s28, $0x1;
	[dreg:$0x2] =	wrdreg s3  }
0xaf: {  	[dreg:$0x3] =	wrdreg s5  }
0xb0: {  	[dreg:$0x4] =	wrdreg $0xC0  }
0xb1: {  	_ =	task [dreg:s7], $0x5FFFF  }
0xb2: {  	[dreg:$0x1] =	wrdreg $0xFFFFFFFF  }
0xb3: {  	[dreg:$0x0] =	wrdreg $0x60  }
0xb4: {  	[dreg:$0x2] =	wrdreg s24  }
0xb5: {  	[dreg:$0x3] =	wrdreg s16  }
0xb6: {  	[dreg:$0x4] =	wrdreg $0x9  }
0xb7: {  	_ =	task.clear_ibuf [dreg:s7], $0x5FFFF;
	_ =	strace $0x9000004C  }
0xb8: {  	s29 =	simm.s32 $0x9;
	_ =	strace $0x8000004E  }
0xb9: {  	_ =	swait.ge [sflag:s29], $0x1  }
0xba: {  	[sflag:s29] =	ssyncadd.s32 $0xFFFFFFFF  }
0xbb: {  	_ =	strace $0x9000004E  }
0xbc: {  	_ =	sfence  }
0xbd: {  	s30 =	sld [smem:$0x0];
	_ =	sdelay $0x2  }
0xbe: {  	s31 =	sshll.u32 s1, $0xD;
	s1 =	sshrl.u32 s1, $0x2  }
0xbf: {  	s3 =	sand.u32 $0x4000, s31;
	s1 =	sadd.s32 s1, s30  }
0xc0: {  	s0 =	sor.u32 s3, s0;
	s1 =	sshll.u32 s1, $0x11  }
0xc1: {  	s0 =	sor.u32 s1, s0  }
0xc2: {  	s0 =	sadd.s32 $0x8F2B, s0  }
0xc3: {  	[sflag:s0] =	ssyncadd.remote.s32 $0x1  }
0xc4: {  	_ =	sfence.sel $0xFFFF  }
0xc5: {  	[dreg:$0x0] =	wrdreg $0xFFFFFFFF;
	(pc) =	sbr.abs _section_cstart, $3  }
0xc6: {  	[dreg:$0x1] =	wrdreg $0xFFFFFFFF  }
0xc7: {  	_ =	task.clear_ibuf [dreg:s7], $0x2FFFF;
	_ =	strace $0x9FFFFFFF  }
0xc8: {  	(tm) =	ssettm $0x7FFFFFFF  }
0xc9: {  	_ =	shalt  }
tec
execute0_lowered:
.L_overlay_start_1:
0x0: {  	(tag) =	ssettag $0x1  }
0x1: {  	s7 =	rddreg [dreg:$0x0]  }
0x2: {  	s2 =	rddreg [dreg:$0x1]  }
0x3: {  	s0 =	rddreg [dreg:$0x2]  }
0x4: {  	s1 =	srdreg.scid;
	_ =	strace $0x8000004D;
	s4 =	simm.s32 $0x1  }
0x5: {  	s9 =	simm.s32 $0x3;
	s11 =	simm.s32 $0x0;
	s5 =	sshll.u32 s1, $0x4  }
.Ltmp0:
0x6: {  	s1 =	stileid.u32;
	s5 =	sand.u32 $0x10, s5;
	(pc) =	sbr.rel .LBB2_1-.Ltmp0, $4  }
0x7: {  	p0 =	por $0x0, $0x0;
	s3 =	sadd.s32 $0x313A00, s7;
	s6 =	sor.u32 s1, s5  }
0x8: {  	[sflag:s4] =	ssyncpa.u1 $0x0;
	s5 =	simm.s32 $0x2;
	s6 =	sshll.u32 s6, $0x9  }
0x9: {  	s7 =	sadd.s32 $0x18D000, s7;
	[sflag:s5] =	ssyncpa.u1 $0x0;
	s8 =	sadd.s32 $0x200, s6  }
0xa: {  	vm0 =	vmmov $0xff;
	vm1 =	vcmask $0x3F20;
	[sflag:s9] =	ssyncpa.u1 $0x0;
	s10 =	smov.u32 s6;
	s9 =	simm.s32 $0x0  }
.LBB2_7:
0xb: {  	p1 =	slt.u32 s9, $0x2;
	s11 =	sadd.s32 $0x100, s10  }
0xc: {  	s13 =	smov.u32 s6;
	s9 =	sadd.s32 $0x1, s9;
	p2 =	slt.s32 s11, s8  }
0xd: {  	s13 =	smov.u32 @p2 s11;
	p2 =	sne.s32 s9, $0x4  }
.Ltmp1:
0xe: {  	_ = 	snop;
	(pc) =	sbr.rel @!p2 .LBB2_8-.Ltmp1, $4  }
0xf: {  	s12 =	simm.s32 @!p1 $0x3  }
0x10: {  	_ =	swait.ge @!p1 [sflag:s12], $0x8000  }
0x11: {  	p0 =	por !p0, !p0;
	[sflag:s12] =	ssyncset.done @!p1 $0x0  }
0x12: {  	s11 =	smov.u32 s10;
	s10 =	smov.u32 s13;
	[sflag:s12] =	ssyncadd.s32 @!p1 $0xFFFF8000  }
.LBB2_1:
0x13: {  	p1 =	sgt.u32 s9, $0x1  }
0x14: {  	s12 =	sshll.u32 @!p1 s9, $0x8;
	s13 =	sshrl.u32 @!p1 s10, $0x3  }
0x15: {  	s14 =	sand.u32 @!p1 $0x7, s10;
	s12 =	sxor.u32 @!p1 $0x100, s12;
	s13 =	sadd.s32 @!p1 s2, s13  }
0x16: {  	[tilespmem:s12], [sflag:$0x2] =	stream.linear.gather @!p1 [hbm4b:s13+s14], $0x100, $0x38;
	[tilespmem:$0x10200] =	vst v63  }
0x17: {  	p1 =	seq.s32 s9, $0x0  }
0x18: {  	p2 =	seq.s32 @!p1 s9, $0x3  }
0x19: {  	p1 =	por p1, p2  }
.Ltmp2:
0x1a: {  	_ = 	snop;
	(pc) =	sbr.rel @p1 .LBB2_7-.Ltmp2, $1  }
0x1b: {  	_ =	sdelay $0x3  }
0x1c: {  	s12 =	simm.s32 $0x1  }
0x1d: {  	_ =	swait.ge [sflag:s5], $0x100;
	s12 =	simm.s32 @!p0 $0x0  }
0x1e: {  	[sflag:s5] =	ssyncset.done $0x0;
	s14 =	sshll.u32 s12, $0x8  }
0x1f: {  	[sflag:s5] =	ssyncadd.s32 $0xFFFFFF00;
	s13 =	sadd.s32 $0x0, s14  }
0x20: {  	v0 =	vld.msk [tilespmem:s13+$0x0 ss:$0x1], $0xffff;
	_ =	sdelay $0x4  }
0x21: {  	vm2 =	vgt.s32 v0, $0x0  }
0x22: {  	v0 =	vnsel vm2, $0x0, v0  }
0x23: {  	v0 =	vmin.u32 v0, $0x1869F  }
0x24: {  	v0 =	vshll.u32 v0, $0x4;
	_ =	sdelay $0x2  }
0x25: {  	s12 =	sshll.u32 s12, $0xF  }
0x26: {  	s12 =	sor.u32 $0x200, s12  }
0x27: {  	[tilespmem:s12], [sflag:$0x1] =	stream.indirect_vreg.gather [hbm:s3], $0x80, v0, vm0, $0x38;
	[tilespmem:$0x10200] =	vst v63  }
0x28: {  	s15 =	sadd.s32 $0x10, s14;
	s13 =	sadd.s32 $0x400, s12  }
0x29: {  	[tilespmem:s13], [sflag:$0x1] =	stream.indirect_vreg.gather [hbm:s3], $0x80, v0, vm1, $0x38;
	[tilespmem:$0x10200] =	vst v63  }
0x2a: {  	s16 =	simm.s32 $0x80;
	v0 =	vld.msk [tilespmem:s15+$0x0 ss:$0x1], $0xffff;
	s15 =	smov.u32 s12  }
.LBB2_3:
0x2b: {  	p1 =	sne.s32 s16, $0x3C0;
	_ =	sdelay $0x4  }
0x2c: {  	vm2 =	vgt.s32 v0, $0x0  }
0x2d: {  	v0 =	vnsel vm2, $0x0, v0  }
0x2e: {  	v0 =	vmin.u32 v0, $0x1869F  }
0x2f: {  	v0 =	vshll.u32 v0, $0x4;
	_ =	sdelay $0x3  }
.Ltmp3:
0x30: {  	s17 =	sshra.s32 s16, $0x2;
	s15 =	sadd.s32 $0x800, s15;
	(pc) =	sbr.rel @p1 .LBB2_3-.Ltmp3, $4  }
0x31: {  	[tilespmem:s15], [sflag:$0x1] =	stream.indirect_vreg.gather [hbm:s3], $0x80, v0, vm0, $0x38;
	[tilespmem:$0x10200] =	vst v63  }
0x32: {  	s17 =	sadd.s32 s17, s14;
	s18 =	sadd.s32 $0x400, s15  }
0x33: {  	[tilespmem:s18], [sflag:$0x1] =	stream.indirect_vreg.gather [hbm:s3], $0x80, v0, vm1, $0x38;
	[tilespmem:$0x10200] =	vst v63  }
0x34: {  	s16 =	sadd.s32 $0x40, s16;
	v0 =	vld.msk [tilespmem:s17+$0x0 ss:$0x1], $0xffff  }
0x35: {  	_ =	sdelay $0x3  }
0x36: {  	vm2 =	vgt.s32 v0, $0x0  }
0x37: {  	v0 =	vnsel vm2, $0x0, v0  }
0x38: {  	v0 =	vmin.u32 v0, $0x1869F  }
0x39: {  	v0 =	vshll.u32 v0, $0x4;
	_ =	sdelay $0x3  }
0x3a: {  	s14 =	sadd.s32 $0x800, s15  }
0x3b: {  	[tilespmem:s14], [sflag:$0x1] =	stream.indirect_vreg.gather [hbm:s3], $0x80, v0, vm0, $0x38;
	[tilespmem:$0x10200] =	vst v63  }
0x3c: {  	s14 =	sadd.s32 $0x400, s14  }
0x3d: {  	[tilespmem:s14], [sflag:$0x1] =	stream.indirect_vreg.gather [hbm:s3], $0x80, v0, vm1, $0x38;
	[tilespmem:$0x10200] =	vst v63  }
0x3e: {  	s11 =	sshll.u32 s11, $0x4;
	_ =	swait.ge [sflag:s4], $0x8000  }
0x3f: {  	s11 =	sadd.s32 s11, s7;
	[sflag:s4] =	ssyncset.done $0x0  }
0x40: {  	s15 =	sadd.s32 $0x0, s11;
	s14 =	simm.s32 $0x80;
	[sflag:s4] =	ssyncadd.s32 $0xFFFF8000  }
.LBB2_5:
0x41: {  	[hbm:s15] =	stream.linear.scatter [tilespmem:s12], [sflag:$0x3], $0x400, $0x38;
	[tilespmem:$0x10200] =	vst v63  }
0x42: {  	s15 =	smov.u32 s14;
	s12 =	smov.u32 s13;
	p1 =	sne.s32 s14, $0xF80  }
.Ltmp4:
0x43: {  	s14 =	sadd.s32 $0x80, s14;
	(pc) =	sbr.rel @p1 .LBB2_5-.Ltmp4, $2  }
0x44: {  	_ =	sdelay $0x2  }
0x45: {  	s13 =	sadd.s32 $0x400, s13;
	s15 =	sadd.s32 s15, s11  }
.Ltmp5:
0x46: {  	(pc) =	sbr.rel .LBB2_7-.Ltmp5, $2  }
0x47: {  	_ =	sdelay $0x2  }
0x48: {  	[hbm:s15] =	stream.linear.scatter [tilespmem:s12], [sflag:$0x3], $0x400, $0x38;
	[tilespmem:$0x10200] =	vst v63  }
.LBB2_8:
0x49: {  	_ =	sfence.sel $0x180000  }
0x4a: {  	s2 =	simm.s32 $0x2;
	[bflag:$0x0] =	sbarrier.arrive $0xFFFF  }
0x4b: {  	s30 =	simm.s32 $0x3;
	[sflag:s2] =	ssyncpa.u1 $0x1  }
0x4c: {  	s31 =	simm.s32 $0x1;
	[sflag:s30] =	ssyncpa.u1 $0x1  }
0x4d: {  	[sflag:s31] =	ssyncpa.u1 $0x1  }
0x4e: {  	p0 =	sne.s32 s1, $0x0;
	_ =	strace $0x9000004D  }
0x4f: {  	s0 =	sadd.s32 @!p0 $0x100000, s0;
	[bflag:$0x2] =	sbarrier.arrive $0xFFFF  }
0x50: {  	[sflag:s0] =	ssyncadd.tile.s32 @!p0 $0x1;
	_ =	shalt  }
.Lfunc_end2:
_tile_overlayer_lowered:
.L_overlay_start_2:
0x51: {  	(tag) =	ssettag $0x2  }
0x52: {  	s0 =	rddreg [dreg:$0x0];
	s2 =	stileid.u32  }
0x53: {  	s1 =	rddreg [dreg:$0x1];
	p0 =	sne.s32 s2, $0x0  }
0x54: {  	s3 =	rddreg [dreg:$0x2];
	[bflag:$0x3] =	sbarrier.arrive $0xFFFF;
	s2 =	simm.s32 @!p0 $0x1C01  }
0x55: {  	[timem:s3], [sflag:s2] =	dma.local @!p0 [hbm:s0], s1  }
0x56: {  	s0 =	simm.s32 @!p0 $0x1  }
0x57: {  	_ =	swait.ge @!p0 [sflag:s0], s1  }
0x58: {  	s1 =	ssub.s32 @!p0 $0x0, s1;
	[sflag:s0] =	ssyncset.done @!p0 $0x0  }
0x59: {  	[sflag:s0] =	ssyncadd.s32 @!p0 s1  }
0x5a: {  	[bflag:$0x3] =	sbarrier.arrive $0xFFFF  }
0x5b: {  	_ =	shalt  }

// kernel: scatter_offload_async_start
scs
__scs_entry_jumppad:
0x0: {  	(pc) =	sbr.rel $0x88, $3  }
0x1: {  	(tag) =	ssettag $0x0;
	lr =	simm.s32 $0x1  }
0x2: {  	[smem:$0x3F96] =	sst lr;
	_ =	strace $0xD0000000  }
0x3: {  	_ = 	snop  }
0x4: {  	_ = 	snop  }
0x5: {  	_ = 	snop  }
0x6: {  	_ = 	snop  }
0x7: {  	_ = 	snop  }
__scs_overlays_trampoline_lowered:
0x8: {  	[smem:$0x3FA5] =	sst s0  }
0x9: {  	[smem:$0x3FA6] =	sst s1  }
0xa: {  	[smem:$0x3FA7] =	sst s2  }
0xb: {  	[smem:$0x3FA8] =	sst s3  }
0xc: {  	[smem:$0x3FA9] =	sst s4  }
0xd: {  	[smem:$0x3FAA] =	sst s5  }
0xe: {  	[smem:$0x3FAB] =	sst s6  }
0xf: {  	[smem:$0x3FAC] =	sst s7  }
0x10: {  	[smem:$0x3FAD] =	sst s8  }
0x11: {  	[smem:$0x3FAE] =	sst s9;
	s0 =	simm.s32 @!p0 $0x0  }
0x12: {  	s1 =	sld [smem:$0x3F94];
	s0 =	simm.s32 @p0 $0x1  }
0x13: {  	[smem:$0x3FAF] =	sst s0;
	s0 =	simm.s32 @!p1 $0x0  }
0x14: {  	s2 =	sld [smem:$0x3F93];
	s0 =	simm.s32 @p1 $0x1  }
0x15: {  	[smem:$0x3FB0] =	sst s0;
	s0 =	simm.s32 @!p2 $0x0  }
0x16: {  	s3 =	sld [smem:$0x3FDB];
	s0 =	simm.s32 @p2 $0x1  }
0x17: {  	s4 =	simm.s32 $0x1BF5;
	[smem:$0x3FB2] =	sst s0  }
0x18: {  	s0 =	sld [smem:$0x3F95];
	_ =	swait.ge [sflag:s4], $0x0  }
0x19: {  	s7 =	sld [smem:$0x3F96]  }
0x1a: {  	s8 =	sadd.s32 $0xFFFFE003, lr  }
0x1b: {  	s9 =	sadd.s32 $0xFFFFFEF7, lr;
	s5 =	simm.s32 $0xFFFFFFFF;
	p2 =	slt.u32 s8, $0xFFFFF086  }
0x1c: {  	p1 =	slt.u32 s9, $0xF7A;
	s5 =	simm.s32 @!p2 $0x0  }
0x1d: {  	s5 =	simm.s32 @p1 $0x1;
	p0 =	seq.s32 s7, s2  }
0x1e: {  	s7 =	smul.u32 @!p0 $0xF7A, s2;
	p2 =	seq.s32 @!p0 s5, $0x0  }
0x1f: {  	s9 =	smul.u32 $0xF7A, s1;
	s8 =	simm.s32 @!p0 $0x1BF5;
	p2 =	por !p2, p0  }
0x20: {  	[sflag:s8] =	ssyncset.s32 @!p0 $0xFFFFF086;
	s6 =	sadd.s32 @!p0 s3, s7;
	s7 =	simm.s32 @!p0 $0x108  }
0x21: {  	s3 =	sadd.s32 s3, s9;
	s6 =	sadd.s32 @!p0 $0x88, s6;
	s7 =	simm.s32 @p2 $0x1082  }
0x22: {  	[simem:s7], [sflag:s8] =	dma.local @!p0 [hbm:s6], $0xF7A  }
0x23: {  	s9 =	sor.u32 $0xD0000000, s2;
	s6 =	simm.s32 $0x108;
	_ =	swait.ge @!p0 [sflag:s8], $0x0  }
0x24: {  	s3 =	sadd.s32 $0x88, s3;
	s6 =	simm.s32 @!p1 $0x1082;
	[sflag:s4] =	ssyncset.s32 $0xFFFFF086  }
0x25: {  	[simem:s6], [sflag:s4] =	dma.local [hbm:s3], $0xF7A  }
0x26: {  	[smem:$0x3F96] =	sst s1;
	(tag) =	ssettag s2;
	_ =	strace s9  }
0x27: {  	s1 =	sld [smem:$0x3FA6]  }
0x28: {  	s2 =	sld [smem:$0x3FA7]  }
0x29: {  	s4 =	sld [smem:$0x3FA9]  }
0x2a: {  	p0 =	seq.s32 s5, $0x0;
	s5 =	sld [smem:$0x3FAA]  }
0x2b: {  	s6 =	sld [smem:$0x3FAB]  }
0x2c: {  	s7 =	sld [smem:$0x3FAC]  }
0x2d: {  	s3 =	simm.s32 $0x108;
	s8 =	sld [smem:$0x3FAD]  }
0x2e: {  	s3 =	simm.s32 @!p0 $0x1082;
	s9 =	sld [smem:$0x3FAE]  }
0x2f: {  	lr =	sadd.s32 s0, s3;
	s0 =	sld [smem:$0x3FA5]  }
0x30: {  	s3 =	sld [smem:$0x3FA8]  }
0x31: {  	[smem:$0x3FB1] =	sst s10  }
0x32: {  	s10 =	sld [smem:$0x3FAF];
	_ =	sdelay $0x3  }
0x33: {  	p0 =	seq.s32 s10, $0x1;
	s10 =	sld [smem:$0x3FB1];
	_ =	sdelay $0x3  }
0x34: {  	[smem:$0x3FB1] =	sst s10  }
0x35: {  	s10 =	sld [smem:$0x3FB0];
	_ =	sdelay $0x3  }
0x36: {  	p1 =	seq.s32 s10, $0x1;
	s10 =	sld [smem:$0x3FB1];
	_ =	sdelay $0x3  }
0x37: {  	[smem:$0x3FB1] =	sst s10  }
0x38: {  	s10 =	sld [smem:$0x3FB2]  }
0x39: {  	_ = 	snop;
	(pc) =	sbr.ind lr, $3  }
0x3a: {  	_ = 	snop  }
0x3b: {  	_ = 	snop  }
0x3c: {  	p2 =	seq.s32 s10, $0x1;
	s10 =	sld [smem:$0x3FB1]  }
0x3d: {  	_ =	shalt  }
0x3e: {  	_ =	shalt  }
0x3f: {  	_ =	shalt  }
0x40: {  	_ =	shalt  }
0x41: {  	_ =	shalt  }
0x42: {  	_ =	shalt  }
0x43: {  	_ =	shalt  }
0x44: {  	_ =	shalt  }
0x45: {  	_ =	shalt  }
0x46: {  	_ =	shalt  }
0x47: {  	_ =	shalt  }
0x48: {  	_ =	shalt  }
0x49: {  	_ =	shalt  }
0x4a: {  	_ =	shalt  }
0x4b: {  	_ =	shalt  }
0x4c: {  	_ =	shalt  }
0x4d: {  	_ =	shalt  }
0x4e: {  	_ =	shalt  }
0x4f: {  	_ =	shalt  }
0x50: {  	_ =	shalt  }
0x51: {  	_ =	shalt  }
0x52: {  	_ =	shalt  }
0x53: {  	_ =	shalt  }
0x54: {  	_ =	shalt  }
0x55: {  	_ =	shalt  }
0x56: {  	_ =	shalt  }
0x57: {  	_ =	shalt  }
0x58: {  	_ =	shalt  }
0x59: {  	_ =	shalt  }
0x5a: {  	_ =	shalt  }
0x5b: {  	_ =	shalt  }
0x5c: {  	_ =	shalt  }
0x5d: {  	_ =	shalt  }
0x5e: {  	_ =	shalt  }
0x5f: {  	_ =	shalt  }
0x60: {  	_ =	shalt  }
0x61: {  	_ =	shalt  }
0x62: {  	_ =	shalt  }
0x63: {  	_ =	shalt  }
0x64: {  	_ =	shalt  }
0x65: {  	_ =	shalt  }
0x66: {  	_ =	shalt  }
0x67: {  	_ =	shalt  }
0x68: {  	_ =	shalt  }
0x69: {  	_ =	shalt  }
0x6a: {  	_ =	shalt  }
0x6b: {  	_ =	shalt  }
0x6c: {  	_ =	shalt  }
0x6d: {  	_ =	shalt  }
0x6e: {  	_ =	shalt  }
0x6f: {  	_ =	shalt  }
0x70: {  	_ =	shalt  }
0x71: {  	_ =	shalt  }
0x72: {  	_ =	shalt  }
0x73: {  	_ =	shalt  }
0x74: {  	_ =	shalt  }
0x75: {  	_ =	shalt  }
0x76: {  	_ =	shalt  }
0x77: {  	_ =	shalt  }
0x78: {  	_ =	shalt  }
0x79: {  	_ =	shalt  }
0x7a: {  	_ =	shalt  }
0x7b: {  	_ =	shalt  }
0x7c: {  	_ =	shalt  }
0x7d: {  	_ =	shalt  }
0x7e: {  	_ =	shalt  }
0x7f: {  	_ =	shalt  }
0x80: {  	_ =	shalt  }
0x81: {  	_ =	shalt  }
0x82: {  	_ =	shalt  }
0x83: {  	_ =	shalt  }
0x84: {  	_ =	shalt  }
0x85: {  	_ =	shalt  }
0x86: {  	_ =	shalt  }
0x87: {  	_ =	shalt  }
.Lfunc_end0:
.L_simem_size_0:
called_computation_lowered:
.L_overlay_start_0:
0x88: {  	s0 =	sld [smem:$0x3FD9]  }
0x89: {  	s1 =	sld [smem:$0x3FFE];
	_ =	sdelay $0x3  }
0x8a: {  	s0 =	sadd.s32 s1, s0  }
0x8b: {  	[smem:$0x3FBD] =	sst s0  }
0x8c: {  	_ = 	snop  }
0x8d: {  	(tm) =	ssettm $0x1  }
0x8e: {  	s15 =	sld [smem:$0x3FFB];
	_ =	sdelay $0x3  }
0x8f: {  	_ =	strace s15  }
0x90: {  	s0 =	sld [smem:$0x3FFC];
	_ =	sdelay $0x3  }
0x91: {  	_ =	strace s0  }
0x92: {  	s0 =	sld [smem:$0x3FFD];
	_ =	sdelay $0x3  }
0x93: {  	_ =	strace s0  }
0x94: {  	_ =	strace $0x8FFFFFFF  }
0x95: {  	s16 =	sld [smem:$0x3FDB];
	_ =	sdelay $0x1  }
0x96: {  	s17 =	simm.s32 $_scs_section_size  }
0x97: {  	s2 =	simm.s32 $_size__tile_overlayer_lowered;
	s3 =	simm.s32 $_tile_overlayer_lowered  }
0x98: {  	s20 =	simm.s32 $0x1BFF;
	s19 =	sshll.u32 s3, $0x1;
	s0 =	sadd.s32 s17, s16  }
0x99: {  	s4 =	simm.s32 $0x0;
	s18 =	sshll.u32 s2, $0x1;
	s2 =	sadd.s32 s19, s0  }
0x9a: {  	[timem:s4], [sflag:s20] =	dma.local [hbm:s2], s18  }
0x9b: {  	_ =	swait.ge [sflag:s20], s18  }
0x9c: {  	s1 =	ssub.s32 $0x0, s18;
	[sflag:s20] =	ssyncset.done $0x0  }
0x9d: {  	[sflag:s20] =	ssyncadd.s32 s1;
	_ =	sdelay $0x1  }
0x9e: {  	s21 =	simm.s32 $0x1B8B  }
0x9f: {  	_ =	swait.ge [sflag:s21], $0x1  }
0xa0: {  	[sflag:s21] =	ssyncset.done $0x0  }
0xa1: {  	s23 =	simm.s32 $0x1B8E;
	s22 =	sld [smem:$0x3FFE];
	[sflag:s21] =	ssyncadd.s32 $0xFFFFFFFF  }
0xa2: {  	s24 =	simm.s32 $execute0_lowered;
	[smem:$0x3FD2] =	sst s23  }
0xa3: {  	s2 =	sshll.u32 s24, $0x1;
	_ =	strace $0x80000046;
	[dreg:$0x1] =	wrdreg $0xFFFFFFFF  }
0xa4: {  	s25 =	simm.s32 $_size_execute0_lowered;
	s0 =	sadd.s32 s0, s2;
	[dreg:$0x0] =	wrdreg $0x0  }
0xa5: {  	s2 =	sshll.u32 s25, $0x1;
	[dreg:$0x2] =	wrdreg s0  }
0xa6: {  	[dreg:$0x3] =	wrdreg s2  }
0xa7: {  	[dreg:$0x4] =	wrdreg $0xC0  }
0xa8: {  	_ =	task [dreg:s4], $0x5FFFF  }
0xa9: {  	[dreg:$0x1] =	wrdreg $0xFFFFFFFF  }
0xaa: {  	[dreg:$0x0] =	wrdreg $0x60  }
0xab: {  	[dreg:$0x2] =	wrdreg s22  }
0xac: {  	[dreg:$0x3] =	wrdreg $0x9  }
0xad: {  	_ =	task.clear_ibuf [dreg:s4], $0x4FFFF;
	_ =	strace $0x90000046  }
0xae: {  	s26 =	simm.s32 $0x9;
	_ =	strace $0x80000048  }
0xaf: {  	_ =	swait.ge [sflag:s26], $0x1  }
0xb0: {  	[sflag:s26] =	ssyncadd.s32 $0xFFFFFFFF  }
0xb1: {  	_ =	strace $0x90000048  }
0xb2: {  	_ =	sfence  }
0xb3: {  	s28 =	sld [smem:$0x0];
	_ =	sdelay $0x1  }
0xb4: {  	s29 =	srdreg.scid  }
0xb5: {  	s30 =	sshll.u32 s29, $0xD;
	s31 =	sshrl.u32 s29, $0x2  }
0xb6: {  	s1 =	sand.u32 $0x1, s29;
	s2 =	sand.u32 $0x4000, s30;
	s0 =	sadd.s32 s31, s28  }
0xb7: {  	s1 =	sor.u32 s2, s1;
	s0 =	sshll.u32 s0, $0x11  }
0xb8: {  	s0 =	sor.u32 s0, s1  }
0xb9: {  	s0 =	sadd.s32 $0x8F2B, s0  }
0xba: {  	[sflag:s0] =	ssyncadd.remote.s32 $0x1  }
0xbb: {  	_ =	sfence.sel $0xFFFF  }
0xbc: {  	[dreg:$0x0] =	wrdreg $0xFFFFFFFF;
	(pc) =	sbr.abs _section_cstart, $3  }
0xbd: {  	[dreg:$0x1] =	wrdreg $0xFFFFFFFF  }
0xbe: {  	_ =	task.clear_ibuf [dreg:s4], $0x2FFFF;
	_ =	strace $0x9FFFFFFF  }
0xbf: {  	(tm) =	ssettm $0x7FFFFFFF  }
tec
execute0_lowered:
.L_overlay_start_1:
0x0: {  	(tag) =	ssettag $0x1  }
0x1: {  	s7 =	rddreg [dreg:$0x0]  }
0x2: {  	s0 =	rddreg [dreg:$0x1]  }
0x3: {  	_ =	strace $0x80000047;
	s3 =	stileid.u32;
	s4 =	simm.s32 $0x3E  }
0x4: {  	s1 =	sadd.s32 $0x3600, s7;
	p0 =	sne.s32 s3, $0x0;
	[sflag:s4] =	ssyncpa.u1 $0x0  }
0x5: {  	s30 =	smin.u32 s3, $0x9;
	s2 =	simm.s32 @!p0 $0x1C3E;
	s5 =	simm.s32 @!p0 $0x0  }
0x6: {  	[spmem:s5], [sflag:s2] =	dma.local @!p0 [hbm:s1], $0x800  }
0x7: {  	s2 =	sadd.s32 s3, s30  }
0x8: {  	p1 =	slt.u32 s3, $0x9;
	s3 =	simm.s32 $0x1F40;
	s2 =	smul.u32 $0xFA0, s2  }
0x9: {  	s3 =	simm.s32 @!p1 $0xFA0  }
0xa: {  	s3 =	sadd.s32 s3, s2  }
0xb: {  	s3 =	smin.u32 s3, $0x186A0  }
0xc: {  	s8 =	ssub.s32 s3, s2  }
0xd: {  	p1 =	sgt.s32 s8, $0x0  }
0xe: {  	s8 =	simm.s32 @!p1 $0x0  }
0xf: {  	s5 =	simm.s32 @!p0 $0x3E;
	s31 =	smulhi.u32 $0x10624DD3, s8  }
0x10: {  	_ =	swait.ge @!p0 [sflag:s5], $0x800  }
0x11: {  	s6 =	simm.s32 $0x2;
	[sflag:s5] =	ssyncset.done @!p0 $0x0;
	s9 =	sshrl.u32 s31, $0x8  }
0x12: {  	s11 =	simm.s32 $0x0;
	[sflag:s5] =	ssyncadd.s32 @!p0 $0xFFFFF800;
	s10 =	smul.u32 $0xFA0, s9  }
.Ltmp0:
0x13: {  	s5 =	sadd.s32 $0x400, s7;
	[bflag:$0x0] =	sbarrier.arrive $0xFFFF;
	(pc) =	sbr.rel .LBB2_1-.Ltmp0, $4  }
0x14: {  	s7 =	sadd.s32 $0x49A400, s7;
	[sflag:s4] =	ssyncpa.u1 $0x1;
	s4 =	simm.s32 $0x1  }
0x15: {  	[sflag:s4] =	ssyncpa.u1 $0x0;
	p1 =	sne.s32 s8, s10;
	s8 =	simm.s32 $0x1  }
0x16: {  	(ifvalue) =	ssetifvalue $0x4000;
	[sflag:s6] =	ssyncpa.u1 $0x0;
	s8 =	simm.s32 @!p1 $0x0  }
0x17: {  	vm0 =	vmmov $0xffff;
	s10 =	smov.u32 s2;
	s8 =	sadd.s32 s8, s9;
	s9 =	simm.s32 $0x0  }
.LBB2_5:
0x18: {  	p2 =	sne.s32 s11, s8  }
.Ltmp1:
0x19: {  	_ = 	snop;
	(pc) =	sbr.rel @!p2 .LBB2_6-.Ltmp1, $4  }
0x1a: {  	_ = 	snop  }
0x1b: {  	s12 =	sadd.s32 $0xFA0, s10  }
0x1c: {  	s10 =	smov.u32 s2;
	s13 =	sadd.s32 $0x1, s11;
	p1 =	slt.s32 s12, s3  }
0x1d: {  	s11 =	smov.u32 s13;
	s10 =	smov.u32 @p1 s12  }
.LBB2_1:
0x1e: {  	p1 =	sge.u32 s11, s8  }
0x1f: {  	s12 =	sxor.u32 @!p1 $0xFFFFFFFF, s11  }
0x20: {  	s12 =	sand.u32 @!p1 $0x1, s12  }
0x21: {  	s12 =	smul.u32 @!p1 $0xFA0, s12  }
0x22: {  	s13 =	sshrl.u32 @!p1 s10, $0x3  }
0x23: {  	s16 =	sand.u32 @!p1 $0x7, s10;
	s14 =	sadd.s32 @!p1 s5, s13;
	s15 =	sadd.s32 @!p1 $0x400, s12  }
0x24: {  	[tilespmem:s15], [sflag:$0x2] =	stream.linear.gather @!p1 [hbm4b:s14+s16], $0xFA0, $0x38;
	[tilespmem:$0x4280] =	vst v63  }
0x25: {  	s13 =	sadd.s32 @!p1 s7, s13;
	s12 =	sadd.s32 @!p1 $0x2340, s12  }
0x26: {  	[tilespmem:s12], [sflag:$0x2] =	stream.linear.gather @!p1 [hbm4b:s13+s16], $0xFA0, $0x38;
	[tilespmem:$0x4280] =	vst v63  }
0x27: {  	p1 =	seq.s32 s11, $0x0  }
.Ltmp2:
0x28: {  	_ = 	snop;
	(pc) =	sbr.rel @p1 .LBB2_5-.Ltmp2, $1  }
0x29: {  	_ =	sdelay $0x3  }
0x2a: {  	s12 =	sand.u32 $0x1, s11  }
0x2b: {  	_ =	swait.ge [sflag:s6], $0x1F40;
	p1 =	seq.s32 s12, $0x1;
	s12 =	simm.s32 $0xFA0  }
0x2c: {  	[sflag:s6] =	ssyncset.done $0x0;
	s12 =	simm.s32 @!p1 $0x0  }
0x2d: {  	[sflag:s6] =	ssyncadd.s32 $0xFFFFE0C0;
	s14 =	sadd.s32 $0x400, s12  }
0x2e: {  	v0 =	vld.msk [tilespmem:s14+$0x0 ss:$0x1], $0xffff;
	_ =	sdelay $0x4  }
0x2f: {  	v0 =	vmin.u32 v0, $0x4000;
	_ =	sdelay $0x3  }
0x30: {  	s13 =	simm.s32 $0x0;
	s12 =	sadd.s32 $0x2340, s12;
	s14 =	sadd.s32 $0x10, s14  }
0x31: {  	[spmem:s9] =	stream.indirect_vreg.scatter.add.s32 [tilespmem:s12], [sflag:$0x1], $0x1, v0, vm0, $0x4038;
	[tilespmem:$0x4280] =	vst v63  }
.LBB2_3:
0x32: {  	v0 =	vld.msk [tilespmem:s14+$0x0 ss:$0x1], $0xffff;
	s13 =	sadd.s32 $0x10, s13  }
0x33: {  	p1 =	slt.u32 s13, $0xF90;
	_ =	sdelay $0x4  }
0x34: {  	v0 =	vmin.u32 v0, $0x4000  }
.Ltmp3:
0x35: {  	(pc) =	sbr.rel @p1 .LBB2_3-.Ltmp3, $3  }
0x36: {  	_ =	sdelay $0x1  }
0x37: {  	s14 =	sadd.s32 $0x10, s14;
	s12 =	sadd.s32 $0x10, s12  }
0x38: {  	[spmem:s9] =	stream.indirect_vreg.scatter.add.s32 [tilespmem:s12], [sflag:$0x1], $0x1, v0, vm0, $0x4038;
	[tilespmem:$0x4280] =	vst v63  }
.Ltmp4:
0x39: {  	(pc) =	sbr.rel .LBB2_5-.Ltmp4, $4  }
0x3a: {  	_ = 	snop  }
0x3b: {  	_ =	swait.ge [sflag:s4], $0xFA0  }
0x3c: {  	[sflag:s4] =	ssyncset.done $0x0  }
0x3d: {  	[sflag:s4] =	ssyncadd.s32 $0xFFFFF060  }
.LBB2_6:
0x3e: {  	_ =	sfence.sel $0x180000  }
0x3f: {  	s2 =	simm.s32 $0x2;
	[bflag:$0x0] =	sbarrier.arrive $0xFFFF  }
0x40: {  	s30 =	simm.s32 $0x1;
	[sflag:s2] =	ssyncpa.u1 $0x1  }
0x41: {  	[sflag:s30] =	ssyncpa.u1 $0x1  }
0x42: {  	_ =	sfence.stream.spmem  }
0x43: {  	s31 =	simm.s32 $0x3D;
	[bflag:$0x0] =	sbarrier.arrive $0xFFFF  }
0x44: {  	s2 =	simm.s32 @p0 $0x3D;
	[sflag:s31] =	ssyncpa.u1 $0x0  }
0x45: {  	[sflag:s2] =	ssyncpa.u1 @p0 $0x1  }
0x46: {  	[bflag:$0x0] =	sbarrier.arrive @p0 $0xFFFF  }
0x47: {  	_ =	strace @p0 $0x90000047  }
0x48: {  	s3 =	simm.s32 @!p0 $0x1C3D;
	s2 =	simm.s32 @!p0 $0x0;
	[bflag:$0x2] =	sbarrier.arrive @p0 $0xFFFF  }
0x49: {  	[hbm:s1], [sflag:s3] =	dma.local @!p0 [spmem:s2], $0x800  }
0x4a: {  	s1 =	simm.s32 @!p0 $0x3D  }
0x4b: {  	_ =	swait.ge @!p0 [sflag:s1], $0x800  }
0x4c: {  	[sflag:s1] =	ssyncset.done @!p0 $0x0  }
0x4d: {  	[sflag:s1] =	ssyncadd.s32 @!p0 $0xFFFFF800  }
0x4e: {  	[sflag:s1] =	ssyncpa.u1 @!p0 $0x1  }
0x4f: {  	[bflag:$0x0] =	sbarrier.arrive @!p0 $0xFFFF  }
0x50: {  	_ =	strace @!p0 $0x90000047  }
0x51: {  	s0 =	sadd.s32 @!p0 $0x100000, s0;
	[bflag:$0x2] =	sbarrier.arrive @!p0 $0xFFFF  }
0x52: {  	[sflag:s0] =	ssyncadd.tile.s32 @!p0 $0x1;
	_ =	shalt  }
.Lfunc_end2:
_tile_overlayer_lowered:
.L_overlay_start_2:
0x53: {  	(tag) =	ssettag $0x2  }
0x54: {  	s0 =	rddreg [dreg:$0x0];
	s2 =	stileid.u32  }
0x55: {  	s1 =	rddreg [dreg:$0x1];
	p0 =	sne.s32 s2, $0x0  }
0x56: {  	s3 =	rddreg [dreg:$0x2];
	[bflag:$0x3] =	sbarrier.arrive $0xFFFF;
	s2 =	simm.s32 @!p0 $0x1C01  }
0x57: {  	[timem:s3], [sflag:s2] =	dma.local @!p0 [hbm:s0], s1  }
0x58: {  	s0 =	simm.s32 @!p0 $0x1  }
0x59: {  	_ =	swait.ge @!p0 [sflag:s0], s1  }
0x5a: {  	s1 =	ssub.s32 @!p0 $0x0, s1;
	[sflag:s0] =	ssyncset.done @!p0 $0x0  }
0x5b: {  	[sflag:s0] =	ssyncadd.s32 @!p0 s1  }
0x5c: {  	[bflag:$0x3] =	sbarrier.arrive $0xFFFF  }
0x5d: {  	_ =	shalt  }

</sc_bundles>
